<compile_context>
chip_gen: v7x
topology: tpu7x:2x2x1
jax: 0.10.2.dev20260603
libtpu: 0.0.44.dev20260713+nightly
codegen_flags: <defaults>
</compile_context>

<pallas_src>
import functools

import jax
import jax.numpy as jnp
from jax import lax
from jax.experimental import pallas as pl
from jax.experimental.pallas import tpu as pltpu
from jax.experimental.pallas import tpu_sc as plsc

B_TOKENS = 1024 * 20
D = 1024

NC = 2
NS = 16
NW = NC * NS

CHUNK = 40
MM_BLOCK = 1280

SIZES = (2560, 7680, 7680, 2560)
assert sum(SIZES) == B_TOKENS


def _make_sc_gather(rows):
    b_per_w = rows // NW
    n_chunks = b_per_w // CHUNK

    @functools.partial(
        pl.kernel,
        mesh=plsc.VectorSubcoreMesh(core_axis_name="c", subcore_axis_name="s"),
        out_type=jax.ShapeDtypeStruct((rows, D), jnp.float32),
        scratch_types=[
            pltpu.VMEM((n_chunks, CHUNK), jnp.int32),
            pltpu.VMEM((2, CHUNK, D), jnp.float32),
            pltpu.SemaphoreType.DMA,
            pltpu.SemaphoreType.DMA,
        ],
    )
    def sc_gather(ids_hbm, table_hbm, out_hbm, idx_v, rows_v, sem0, sem1):
        wid = lax.axis_index("s") * NC + lax.axis_index("c")
        base = wid * b_per_w
        pltpu.sync_copy(ids_hbm.at[wid], idx_v)
        sems = (sem0, sem1)
        copies = [None, None]
        copies[0] = pltpu.async_copy(
            table_hbm.at[idx_v.at[0]], rows_v.at[0], sems[0]
        )
        for j in range(n_chunks):
            nxt = (j + 1) % 2
            if j + 1 < n_chunks:
                copies[nxt] = pltpu.async_copy(
                    table_hbm.at[idx_v.at[j + 1]], rows_v.at[nxt], sems[nxt]
                )
            copies[j % 2].wait()
            pltpu.sync_copy(
                rows_v.at[j % 2], out_hbm.at[pl.ds(base + j * CHUNK, CHUNK)]
            )

    return sc_gather


_SC_GATHERS = {rows: _make_sc_gather(rows) for rows in set(SIZES)}


def _mm_compute(x_ref, w_ref, b_ref, o_ref):
    acc = lax.dot_general(
        x_ref[...].astype(jnp.bfloat16), w_ref[...].astype(jnp.bfloat16),
        dimension_numbers=(((1,), (1,)), ((), ())),
        preferred_element_type=jnp.float32,
    )
    o_ref[...] = acc + b_ref[...]


def _mm_first(x, w, b, rows):
    return pl.pallas_call(
        _mm_compute,
        grid=(rows // MM_BLOCK,),
        in_specs=[
            pl.BlockSpec((MM_BLOCK, D), lambda i: (i, 0)),
            pl.BlockSpec((D, D), lambda i: (0, 0)),
            pl.BlockSpec((1, D), lambda i: (0, 0)),
        ],
        out_specs=pl.BlockSpec((MM_BLOCK, D), lambda i: (i, 0)),
        out_shape=jax.ShapeDtypeStruct((B_TOKENS, D), jnp.float32),
    )(x, w, b)


def _mm_chunk(prev, x, w, b, rows, row0):
    def body(prev_ref, x_ref, w_ref, b_ref, o_ref):
        del prev_ref
        _mm_compute(x_ref, w_ref, b_ref, o_ref)

    blk0 = row0 // MM_BLOCK
    return pl.pallas_call(
        body,
        grid=(rows // MM_BLOCK,),
        in_specs=[
            pl.BlockSpec(memory_space=pltpu.MemorySpace.HBM),
            pl.BlockSpec((MM_BLOCK, D), lambda i: (i, 0)),
            pl.BlockSpec((D, D), lambda i: (0, 0)),
            pl.BlockSpec((1, D), lambda i: (0, 0)),
        ],
        out_specs=pl.BlockSpec(
            (MM_BLOCK, D), lambda i, blk0=blk0: (blk0 + i, 0)
        ),
        out_shape=jax.ShapeDtypeStruct((B_TOKENS, D), jnp.float32),
        input_output_aliases={0: 0},
    )(prev, x, w, b)


def kernel(input_ids, embed_weight, proj_weight, proj_bias):
    b, l = input_ids.shape
    ids = input_ids.T.reshape(-1).astype(jnp.int32)
    bias2 = proj_bias.reshape(1, D)
    offs = [0]
    for r in SIZES:
        offs.append(offs[-1] + r)
    gathered = [
        _SC_GATHERS[rows](
            ids[offs[c]:offs[c + 1]].reshape(NW, rows // (NW * CHUNK), CHUNK),
            embed_weight,
        )
        for c, rows in enumerate(SIZES)
    ]
    out = _mm_first(gathered[0], proj_weight, bias2, SIZES[0])
    for c in range(1, len(SIZES)):
        out = _mm_chunk(out, gathered[c], proj_weight, bias2, SIZES[c], offs[c])
    return jnp.swapaxes(out.reshape(l, b, D), 0, 1)

# --- scband reference (transcript-rebuilt; emitter-appended) ---
"""Pipeline reference for scband-conversational-speech-model-embeddings-with-projector-69758858821962 (READ-ONLY COPY).

The authoritative reference and input builder live on the scoring server;
editing this copy changes nothing except your own understanding.
"""

import jax, jax.numpy as jnp
import numpy as np

AUDIO_VOCAB_SIZE = 1024
AUDIO_NUM_CODEBOOKS = 32
HIDDEN_SIZE = 1024
NUM_EMBEDDINGS = (AUDIO_VOCAB_SIZE + 3) * AUDIO_NUM_CODEBOOKS  # 32864


def setup_inputs(seed: int = 0) -> dict:
    key = jax.random.key(seed)
    k1, k2, k3 = jax.random.split(key, 3)
    input_ids = jax.random.randint(k1, (1024, 20), 0, NUM_EMBEDDINGS, dtype=jnp.int64 if jax.config.jax_enable_x64 else jnp.int32)
    # nn.Embedding weight: [num_embeddings, hidden_size]
    embed_weight = jax.random.normal(k2, (NUM_EMBEDDINGS, HIDDEN_SIZE), dtype=jnp.float32) * 0.02
    # nn.Linear(audio_vocab_size, hidden_size): weight [out=hidden, in=audio_vocab], bias [hidden]
    proj_weight = jax.random.normal(k3, (HIDDEN_SIZE, AUDIO_VOCAB_SIZE), dtype=jnp.float32) * 0.02
    proj_bias = jnp.zeros((HIDDEN_SIZE,), dtype=jnp.float32)
    return {"input_ids": input_ids, "embed_weight": embed_weight, "proj_weight": proj_weight, "proj_bias": proj_bias}


def reference(input_ids, embed_weight, proj_weight, proj_bias):
    # embed_tokens(input_ids): gather rows from table -> [B, L, hidden]
    emb = jnp.take(embed_weight, input_ids, axis=0)
    # projector(emb): Linear -> emb @ W.T + b (works because hidden_size == audio_vocab_size)
    out = emb @ proj_weight.T + proj_bias
    return out

if __name__ == "__main__":
    import jax
    _d = setup_inputs()
    print(jax.jit(kernel)(*tuple(_d.values())))

</pallas_src>

<mosaic_0001>
#map = affine_map<(d0, d1) -> (0, 0, 0)>
#map1 = affine_map<(d0, d1) -> (0, 0)>
module attributes {stable_mosaic.version = 14 : i64} {
  func.func @sc_gather(%arg0: i32, %arg1: i32, %arg2: memref<32x6x40xi32, #tpu.memory_space<hbm>>, %arg3: memref<32864x1024xf32, #tpu.memory_space<hbm>>, %arg4: memref<7680x1024xf32, #tpu.memory_space<hbm>>, %arg5: memref<6x40xi32, #tpu.memory_space<vmem>>, %arg6: memref<2x40x1024xf32, #tpu.memory_space<vmem>>, %arg7: memref<!tpu.dma_semaphore, #tpu.memory_space<semaphore_mem>>, %arg8: memref<!tpu.dma_semaphore, #tpu.memory_space<semaphore_mem>>) attributes {dimension_semantics = [#tpu.dimension_semantics<core_parallel>, #tpu.dimension_semantics<subcore_parallel>], iteration_bounds = array<i64: 2, 16>, scalar_prefetch = 0 : i64, scratch_operands = 4 : i64, tpu.core_type = #tpu.core_type<sc_vector_subcore>, window_params = [{transform_indices = #map}, {transform_indices = #map1}, {transform_indices = #map1}]} {
    %mul3A = arith.constant 2 : i32
    %mul3A_0 = arith.muli %arg1, %mul3A : i32
    %add3A = arith.addi %mul3A_0, %arg0 : i32
    %mul3A_1 = arith.constant 240 : i32
    %mul3A_2 = arith.muli %add3A, %mul3A_1 : i32
    "tpu.region"() ({
      %run_scoped3A_162 = tpu.sem_alloc : memref<!tpu.dma_semaphore, #tpu.memory_space<semaphore_mem>>
      %dma_start3A_163 = arith.constant 0 : i32
      %dma_start3A_164 = arith.constant 0 : i32
      %dma_start3A_165 = tpu.memref_slice %arg2[%add3A, %dma_start3A_163, %dma_start3A_164] : memref<32x6x40xi32, #tpu.memory_space<hbm>> -> memref<1x6x40xi32, #tpu.memory_space<hbm>>
      %dma_start3A_166 = tpu.memref_squeeze %dma_start3A_165 : memref<1x6x40xi32, #tpu.memory_space<hbm>> -> memref<6x40xi32, #tpu.memory_space<hbm>>
      %dma_start3A_167 = arith.constant 0 : i32
      %dma_start3A_168 = arith.constant 0 : i32
      %dma_start3A_169 = tpu.memref_slice %arg2[%add3A, %dma_start3A_167, %dma_start3A_168] : memref<32x6x40xi32, #tpu.memory_space<hbm>> -> memref<1x6x40xi32, #tpu.memory_space<hbm>>
      %dma_start3A_170 = tpu.memref_squeeze %dma_start3A_169 : memref<1x6x40xi32, #tpu.memory_space<hbm>> -> memref<6x40xi32, #tpu.memory_space<hbm>>
      tpu.enqueue_dma source(%dma_start3A_170 : memref<6x40xi32, #tpu.memory_space<hbm>>) target(%arg5 : memref<6x40xi32, #tpu.memory_space<vmem>>) target_semaphore(%run_scoped3A_162 : memref<!tpu.dma_semaphore, #tpu.memory_space<semaphore_mem>>)
      %dma_wait3A_171 = arith.constant 0 : i32
      %dma_wait3A_172 = arith.constant 0 : i32
      %dma_wait3A_173 = tpu.memref_slice %arg2[%add3A, %dma_wait3A_171, %dma_wait3A_172] : memref<32x6x40xi32, #tpu.memory_space<hbm>> -> memref<1x6x40xi32, #tpu.memory_space<hbm>>
      %dma_wait3A_174 = tpu.memref_squeeze %dma_wait3A_173 : memref<1x6x40xi32, #tpu.memory_space<hbm>> -> memref<6x40xi32, #tpu.memory_space<hbm>>
      %dma_wait3A_175 = arith.constant 0 : i32
      %dma_wait3A_176 = arith.constant 0 : i32
      %dma_wait3A_177 = tpu.memref_slice %arg2[%add3A, %dma_wait3A_175, %dma_wait3A_176] : memref<32x6x40xi32, #tpu.memory_space<hbm>> -> memref<1x6x40xi32, #tpu.memory_space<hbm>>
      %dma_wait3A_178 = tpu.memref_squeeze %dma_wait3A_177 : memref<1x6x40xi32, #tpu.memory_space<hbm>> -> memref<6x40xi32, #tpu.memory_space<hbm>>
      tpu.wait_dma2 semaphore(%run_scoped3A_162 : memref<!tpu.dma_semaphore, #tpu.memory_space<semaphore_mem>>) src(%dma_wait3A_178 : memref<6x40xi32, #tpu.memory_space<hbm>>) dst(%arg5 : memref<6x40xi32, #tpu.memory_space<vmem>>)
      tpu.yield
    }) : () -> ()
    %dma_start3A = arith.constant 0 : i32
    %dma_start3A_3 = arith.constant 0 : i32
    %dma_start3A_4 = arith.constant 0 : i32
    %dma_start3A_5 = arith.constant 0 : i32
    %dma_start3A_6 = tpu.memref_slice %arg6[%dma_start3A_3, %dma_start3A_4, %dma_start3A_5] : memref<2x40x1024xf32, #tpu.memory_space<vmem>> -> memref<1x40x1024xf32, #tpu.memory_space<vmem>>
    %dma_start3A_7 = tpu.memref_squeeze %dma_start3A_6 : memref<1x40x1024xf32, #tpu.memory_space<vmem>> -> memref<40x1024xf32, #tpu.memory_space<vmem>>
    %dma_start3A_8 = arith.constant 0 : i32
    %dma_start3A_9 = tpu.memref_slice %arg5[%dma_start3A, %dma_start3A_8] : memref<6x40xi32, #tpu.memory_space<vmem>> -> memref<1x40xi32, #tpu.memory_space<vmem>>
    %dma_start3A_10 = tpu.memref_squeeze %dma_start3A_9 : memref<1x40xi32, #tpu.memory_space<vmem>> -> memref<40xi32, #tpu.memory_space<vmem>>
    %dma_start3A_11 = arith.constant 0 : i32
    %dma_start3A_12 = arith.constant 0 : i32
    %dma_start3A_13 = tpu.memref_slice %arg3[%dma_start3A_11, %dma_start3A_12] : memref<32864x1024xf32, #tpu.memory_space<hbm>> -> memref<32864x1024xf32, #tpu.memory_space<hbm>>
    tpu.enqueue_indirect_dma source(%dma_start3A_13 : memref<32864x1024xf32, #tpu.memory_space<hbm>>) target(%dma_start3A_7 : memref<40x1024xf32, #tpu.memory_space<vmem>>) offsets(%dma_start3A_10 : memref<40xi32, #tpu.memory_space<vmem>>) semaphore(%arg7 : memref<!tpu.dma_semaphore, #tpu.memory_space<semaphore_mem>>)
    %dma_start3A_14 = arith.constant 1 : i32
    %dma_start3A_15 = arith.constant 1 : i32
    %dma_start3A_16 = arith.constant 0 : i32
    %dma_start3A_17 = arith.constant 0 : i32
    %dma_start3A_18 = tpu.memref_slice %arg6[%dma_start3A_15, %dma_start3A_16, %dma_start3A_17] : memref<2x40x1024xf32, #tpu.memory_space<vmem>> -> memref<1x40x1024xf32, #tpu.memory_space<vmem>>
    %dma_start3A_19 = tpu.memref_squeeze %dma_start3A_18 : memref<1x40x1024xf32, #tpu.memory_space<vmem>> -> memref<40x1024xf32, #tpu.memory_space<vmem>>
    %dma_start3A_20 = arith.constant 0 : i32
    %dma_start3A_21 = tpu.memref_slice %arg5[%dma_start3A_14, %dma_start3A_20] : memref<6x40xi32, #tpu.memory_space<vmem>> -> memref<1x40xi32, #tpu.memory_space<vmem>>
    %dma_start3A_22 = tpu.memref_squeeze %dma_start3A_21 : memref<1x40xi32, #tpu.memory_space<vmem>> -> memref<40xi32, #tpu.memory_space<vmem>>
    %dma_start3A_23 = arith.constant 0 : i32
    %dma_start3A_24 = arith.constant 0 : i32
    %dma_start3A_25 = tpu.memref_slice %arg3[%dma_start3A_23, %dma_start3A_24] : memref<32864x1024xf32, #tpu.memory_space<hbm>> -> memref<32864x1024xf32, #tpu.memory_space<hbm>>
    tpu.enqueue_indirect_dma source(%dma_start3A_25 : memref<32864x1024xf32, #tpu.memory_space<hbm>>) target(%dma_start3A_19 : memref<40x1024xf32, #tpu.memory_space<vmem>>) offsets(%dma_start3A_22 : memref<40xi32, #tpu.memory_space<vmem>>) semaphore(%arg8 : memref<!tpu.dma_semaphore, #tpu.memory_space<semaphore_mem>>)
    %dma_wait3A = arith.constant 0 : i32
    %dma_wait3A_26 = arith.constant 0 : i32
    %dma_wait3A_27 = arith.constant 0 : i32
    %dma_wait3A_28 = arith.constant 0 : i32
    %dma_wait3A_29 = tpu.memref_slice %arg6[%dma_wait3A_26, %dma_wait3A_27, %dma_wait3A_28] : memref<2x40x1024xf32, #tpu.memory_space<vmem>> -> memref<1x40x1024xf32, #tpu.memory_space<vmem>>
    %dma_wait3A_30 = tpu.memref_squeeze %dma_wait3A_29 : memref<1x40x1024xf32, #tpu.memory_space<vmem>> -> memref<40x1024xf32, #tpu.memory_space<vmem>>
    %dma_wait3A_31 = arith.constant 0 : i32
    %dma_wait3A_32 = tpu.memref_slice %arg5[%dma_wait3A, %dma_wait3A_31] : memref<6x40xi32, #tpu.memory_space<vmem>> -> memref<1x40xi32, #tpu.memory_space<vmem>>
    %dma_wait3A_33 = tpu.memref_squeeze %dma_wait3A_32 : memref<1x40xi32, #tpu.memory_space<vmem>> -> memref<40xi32, #tpu.memory_space<vmem>>
    %dma_wait3A_34 = arith.constant 0 : i32
    %dma_wait3A_35 = arith.constant 0 : i32
    %dma_wait3A_36 = tpu.memref_slice %arg3[%dma_wait3A_34, %dma_wait3A_35] : memref<32864x1024xf32, #tpu.memory_space<hbm>> -> memref<32864x1024xf32, #tpu.memory_space<hbm>>
    tpu.wait_indirect_dma semaphore(%arg7 : memref<!tpu.dma_semaphore, #tpu.memory_space<semaphore_mem>>) src(%dma_wait3A_36 : memref<32864x1024xf32, #tpu.memory_space<hbm>>) dst(%dma_wait3A_30 : memref<40x1024xf32, #tpu.memory_space<vmem>>)
    %add3A_37 = arith.constant 0 : i32
    %add3A_38 = arith.addi %mul3A_2, %add3A_37 : i32
    %run_scoped3A = arith.constant 0 : i32
    "tpu.region"() ({
      %run_scoped3A_162 = tpu.sem_alloc : memref<!tpu.dma_semaphore, #tpu.memory_space<semaphore_mem>>
      %dma_start3A_163 = arith.constant 0 : i32
      %dma_start3A_164 = arith.constant 0 : i32
      %dma_start3A_165 = tpu.memref_slice %arg6[%run_scoped3A, %dma_start3A_163, %dma_start3A_164] : memref<2x40x1024xf32, #tpu.memory_space<vmem>> -> memref<1x40x1024xf32, #tpu.memory_space<vmem>>
      %dma_start3A_166 = tpu.memref_squeeze %dma_start3A_165 : memref<1x40x1024xf32, #tpu.memory_space<vmem>> -> memref<40x1024xf32, #tpu.memory_space<vmem>>
      %dma_start3A_167 = arith.constant 0 : i32
      %dma_start3A_168 = tpu.memref_slice %arg4[%add3A_38, %dma_start3A_167] : memref<7680x1024xf32, #tpu.memory_space<hbm>> -> memref<40x1024xf32, #tpu.memory_space<hbm>>
      %dma_start3A_169 = arith.constant 0 : i32
      %dma_start3A_170 = tpu.memref_slice %arg4[%add3A_38, %dma_start3A_169] : memref<7680x1024xf32, #tpu.memory_space<hbm>> -> memref<40x1024xf32, #tpu.memory_space<hbm>>
      %dma_start3A_171 = arith.constant 0 : i32
      %dma_start3A_172 = arith.constant 0 : i32
      %dma_start3A_173 = tpu.memref_slice %arg6[%run_scoped3A, %dma_start3A_171, %dma_start3A_172] : memref<2x40x1024xf32, #tpu.memory_space<vmem>> -> memref<1x40x1024xf32, #tpu.memory_space<vmem>>
      %dma_start3A_174 = tpu.memref_squeeze %dma_start3A_173 : memref<1x40x1024xf32, #tpu.memory_space<vmem>> -> memref<40x1024xf32, #tpu.memory_space<vmem>>
      tpu.enqueue_dma source(%dma_start3A_174 : memref<40x1024xf32, #tpu.memory_space<vmem>>) target(%dma_start3A_170 : memref<40x1024xf32, #tpu.memory_space<hbm>>) target_semaphore(%run_scoped3A_162 : memref<!tpu.dma_semaphore, #tpu.memory_space<semaphore_mem>>)
      %dma_wait3A_175 = arith.constant 0 : i32
      %dma_wait3A_176 = arith.constant 0 : i32
      %dma_wait3A_177 = tpu.memref_slice %arg6[%run_scoped3A, %dma_wait3A_175, %dma_wait3A_176] : memref<2x40x1024xf32, #tpu.memory_space<vmem>> -> memref<1x40x1024xf32, #tpu.memory_space<vmem>>
      %dma_wait3A_178 = tpu.memref_squeeze %dma_wait3A_177 : memref<1x40x1024xf32, #tpu.memory_space<vmem>> -> memref<40x1024xf32, #tpu.memory_space<vmem>>
      %dma_wait3A_179 = arith.constant 0 : i32
      %dma_wait3A_180 = tpu.memref_slice %arg4[%add3A_38, %dma_wait3A_179] : memref<7680x1024xf32, #tpu.memory_space<hbm>> -> memref<40x1024xf32, #tpu.memory_space<hbm>>
      %dma_wait3A_181 = arith.constant 0 : i32
      %dma_wait3A_182 = tpu.memref_slice %arg4[%add3A_38, %dma_wait3A_181] : memref<7680x1024xf32, #tpu.memory_space<hbm>> -> memref<40x1024xf32, #tpu.memory_space<hbm>>
      %dma_wait3A_183 = arith.constant 0 : i32
      %dma_wait3A_184 = arith.constant 0 : i32
      %dma_wait3A_185 = tpu.memref_slice %arg6[%run_scoped3A, %dma_wait3A_183, %dma_wait3A_184] : memref<2x40x1024xf32, #tpu.memory_space<vmem>> -> memref<1x40x1024xf32, #tpu.memory_space<vmem>>
      %dma_wait3A_186 = tpu.memref_squeeze %dma_wait3A_185 : memref<1x40x1024xf32, #tpu.memory_space<vmem>> -> memref<40x1024xf32, #tpu.memory_space<vmem>>
      tpu.wait_dma2 semaphore(%run_scoped3A_162 : memref<!tpu.dma_semaphore, #tpu.memory_space<semaphore_mem>>) src(%dma_wait3A_186 : memref<40x1024xf32, #tpu.memory_space<vmem>>) dst(%dma_wait3A_182 : memref<40x1024xf32, #tpu.memory_space<hbm>>)
      tpu.yield
    }) : () -> ()
    %dma_start3A_39 = arith.constant 2 : i32
    %dma_start3A_40 = arith.constant 0 : i32
    %dma_start3A_41 = arith.constant 0 : i32
    %dma_start3A_42 = arith.constant 0 : i32
    %dma_start3A_43 = tpu.memref_slice %arg6[%dma_start3A_40, %dma_start3A_41, %dma_start3A_42] : memref<2x40x1024xf32, #tpu.memory_space<vmem>> -> memref<1x40x1024xf32, #tpu.memory_space<vmem>>
    %dma_start3A_44 = tpu.memref_squeeze %dma_start3A_43 : memref<1x40x1024xf32, #tpu.memory_space<vmem>> -> memref<40x1024xf32, #tpu.memory_space<vmem>>
    %dma_start3A_45 = arith.constant 0 : i32
    %dma_start3A_46 = tpu.memref_slice %arg5[%dma_start3A_39, %dma_start3A_45] : memref<6x40xi32, #tpu.memory_space<vmem>> -> memref<1x40xi32, #tpu.memory_space<vmem>>
    %dma_start3A_47 = tpu.memref_squeeze %dma_start3A_46 : memref<1x40xi32, #tpu.memory_space<vmem>> -> memref<40xi32, #tpu.memory_space<vmem>>
    %dma_start3A_48 = arith.constant 0 : i32
    %dma_start3A_49 = arith.constant 0 : i32
    %dma_start3A_50 = tpu.memref_slice %arg3[%dma_start3A_48, %dma_start3A_49] : memref<32864x1024xf32, #tpu.memory_space<hbm>> -> memref<32864x1024xf32, #tpu.memory_space<hbm>>
    tpu.enqueue_indirect_dma source(%dma_start3A_50 : memref<32864x1024xf32, #tpu.memory_space<hbm>>) target(%dma_start3A_44 : memref<40x1024xf32, #tpu.memory_space<vmem>>) offsets(%dma_start3A_47 : memref<40xi32, #tpu.memory_space<vmem>>) semaphore(%arg7 : memref<!tpu.dma_semaphore, #tpu.memory_space<semaphore_mem>>)
    %dma_wait3A_51 = arith.constant 1 : i32
    %dma_wait3A_52 = arith.constant 1 : i32
    %dma_wait3A_53 = arith.constant 0 : i32
    %dma_wait3A_54 = arith.constant 0 : i32
    %dma_wait3A_55 = tpu.memref_slice %arg6[%dma_wait3A_52, %dma_wait3A_53, %dma_wait3A_54] : memref<2x40x1024xf32, #tpu.memory_space<vmem>> -> memref<1x40x1024xf32, #tpu.memory_space<vmem>>
    %dma_wait3A_56 = tpu.memref_squeeze %dma_wait3A_55 : memref<1x40x1024xf32, #tpu.memory_space<vmem>> -> memref<40x1024xf32, #tpu.memory_space<vmem>>
    %dma_wait3A_57 = arith.constant 0 : i32
    %dma_wait3A_58 = tpu.memref_slice %arg5[%dma_wait3A_51, %dma_wait3A_57] : memref<6x40xi32, #tpu.memory_space<vmem>> -> memref<1x40xi32, #tpu.memory_space<vmem>>
    %dma_wait3A_59 = tpu.memref_squeeze %dma_wait3A_58 : memref<1x40xi32, #tpu.memory_space<vmem>> -> memref<40xi32, #tpu.memory_space<vmem>>
    %dma_wait3A_60 = arith.constant 0 : i32
    %dma_wait3A_61 = arith.constant 0 : i32
    %dma_wait3A_62 = tpu.memref_slice %arg3[%dma_wait3A_60, %dma_wait3A_61] : memref<32864x1024xf32, #tpu.memory_space<hbm>> -> memref<32864x1024xf32, #tpu.memory_space<hbm>>
    tpu.wait_indirect_dma semaphore(%arg8 : memref<!tpu.dma_semaphore, #tpu.memory_space<semaphore_mem>>) src(%dma_wait3A_62 : memref<32864x1024xf32, #tpu.memory_space<hbm>>) dst(%dma_wait3A_56 : memref<40x1024xf32, #tpu.memory_space<vmem>>)
    %add3A_63 = arith.constant 40 : i32
    %add3A_64 = arith.addi %mul3A_2, %add3A_63 : i32
    %run_scoped3A_65 = arith.constant 1 : i32
    "tpu.region"() ({
      %run_scoped3A_162 = tpu.sem_alloc : memref<!tpu.dma_semaphore, #tpu.memory_space<semaphore_mem>>
      %dma_start3A_163 = arith.constant 0 : i32
      %dma_start3A_164 = arith.constant 0 : i32
      %dma_start3A_165 = tpu.memref_slice %arg6[%run_scoped3A_65, %dma_start3A_163, %dma_start3A_164] : memref<2x40x1024xf32, #tpu.memory_space<vmem>> -> memref<1x40x1024xf32, #tpu.memory_space<vmem>>
      %dma_start3A_166 = tpu.memref_squeeze %dma_start3A_165 : memref<1x40x1024xf32, #tpu.memory_space<vmem>> -> memref<40x1024xf32, #tpu.memory_space<vmem>>
      %dma_start3A_167 = arith.constant 0 : i32
      %dma_start3A_168 = tpu.memref_slice %arg4[%add3A_64, %dma_start3A_167] : memref<7680x1024xf32, #tpu.memory_space<hbm>> -> memref<40x1024xf32, #tpu.memory_space<hbm>>
      %dma_start3A_169 = arith.constant 0 : i32
      %dma_start3A_170 = tpu.memref_slice %arg4[%add3A_64, %dma_start3A_169] : memref<7680x1024xf32, #tpu.memory_space<hbm>> -> memref<40x1024xf32, #tpu.memory_space<hbm>>
      %dma_start3A_171 = arith.constant 0 : i32
      %dma_start3A_172 = arith.constant 0 : i32
      %dma_start3A_173 = tpu.memref_slice %arg6[%run_scoped3A_65, %dma_start3A_171, %dma_start3A_172] : memref<2x40x1024xf32, #tpu.memory_space<vmem>> -> memref<1x40x1024xf32, #tpu.memory_space<vmem>>
      %dma_start3A_174 = tpu.memref_squeeze %dma_start3A_173 : memref<1x40x1024xf32, #tpu.memory_space<vmem>> -> memref<40x1024xf32, #tpu.memory_space<vmem>>
      tpu.enqueue_dma source(%dma_start3A_174 : memref<40x1024xf32, #tpu.memory_space<vmem>>) target(%dma_start3A_170 : memref<40x1024xf32, #tpu.memory_space<hbm>>) target_semaphore(%run_scoped3A_162 : memref<!tpu.dma_semaphore, #tpu.memory_space<semaphore_mem>>)
      %dma_wait3A_175 = arith.constant 0 : i32
      %dma_wait3A_176 = arith.constant 0 : i32
      %dma_wait3A_177 = tpu.memref_slice %arg6[%run_scoped3A_65, %dma_wait3A_175, %dma_wait3A_176] : memref<2x40x1024xf32, #tpu.memory_space<vmem>> -> memref<1x40x1024xf32, #tpu.memory_space<vmem>>
      %dma_wait3A_178 = tpu.memref_squeeze %dma_wait3A_177 : memref<1x40x1024xf32, #tpu.memory_space<vmem>> -> memref<40x1024xf32, #tpu.memory_space<vmem>>
      %dma_wait3A_179 = arith.constant 0 : i32
      %dma_wait3A_180 = tpu.memref_slice %arg4[%add3A_64, %dma_wait3A_179] : memref<7680x1024xf32, #tpu.memory_space<hbm>> -> memref<40x1024xf32, #tpu.memory_space<hbm>>
      %dma_wait3A_181 = arith.constant 0 : i32
      %dma_wait3A_182 = tpu.memref_slice %arg4[%add3A_64, %dma_wait3A_181] : memref<7680x1024xf32, #tpu.memory_space<hbm>> -> memref<40x1024xf32, #tpu.memory_space<hbm>>
      %dma_wait3A_183 = arith.constant 0 : i32
      %dma_wait3A_184 = arith.constant 0 : i32
      %dma_wait3A_185 = tpu.memref_slice %arg6[%run_scoped3A_65, %dma_wait3A_183, %dma_wait3A_184] : memref<2x40x1024xf32, #tpu.memory_space<vmem>> -> memref<1x40x1024xf32, #tpu.memory_space<vmem>>
      %dma_wait3A_186 = tpu.memref_squeeze %dma_wait3A_185 : memref<1x40x1024xf32, #tpu.memory_space<vmem>> -> memref<40x1024xf32, #tpu.memory_space<vmem>>
      tpu.wait_dma2 semaphore(%run_scoped3A_162 : memref<!tpu.dma_semaphore, #tpu.memory_space<semaphore_mem>>) src(%dma_wait3A_186 : memref<40x1024xf32, #tpu.memory_space<vmem>>) dst(%dma_wait3A_182 : memref<40x1024xf32, #tpu.memory_space<hbm>>)
      tpu.yield
    }) : () -> ()
    %dma_start3A_66 = arith.constant 3 : i32
    %dma_start3A_67 = arith.constant 1 : i32
    %dma_start3A_68 = arith.constant 0 : i32
    %dma_start3A_69 = arith.constant 0 : i32
    %dma_start3A_70 = tpu.memref_slice %arg6[%dma_start3A_67, %dma_start3A_68, %dma_start3A_69] : memref<2x40x1024xf32, #tpu.memory_space<vmem>> -> memref<1x40x1024xf32, #tpu.memory_space<vmem>>
    %dma_start3A_71 = tpu.memref_squeeze %dma_start3A_70 : memref<1x40x1024xf32, #tpu.memory_space<vmem>> -> memref<40x1024xf32, #tpu.memory_space<vmem>>
    %dma_start3A_72 = arith.constant 0 : i32
    %dma_start3A_73 = tpu.memref_slice %arg5[%dma_start3A_66, %dma_start3A_72] : memref<6x40xi32, #tpu.memory_space<vmem>> -> memref<1x40xi32, #tpu.memory_space<vmem>>
    %dma_start3A_74 = tpu.memref_squeeze %dma_start3A_73 : memref<1x40xi32, #tpu.memory_space<vmem>> -> memref<40xi32, #tpu.memory_space<vmem>>
    %dma_start3A_75 = arith.constant 0 : i32
    %dma_start3A_76 = arith.constant 0 : i32
    %dma_start3A_77 = tpu.memref_slice %arg3[%dma_start3A_75, %dma_start3A_76] : memref<32864x1024xf32, #tpu.memory_space<hbm>> -> memref<32864x1024xf32, #tpu.memory_space<hbm>>
    tpu.enqueue_indirect_dma source(%dma_start3A_77 : memref<32864x1024xf32, #tpu.memory_space<hbm>>) target(%dma_start3A_71 : memref<40x1024xf32, #tpu.memory_space<vmem>>) offsets(%dma_start3A_74 : memref<40xi32, #tpu.memory_space<vmem>>) semaphore(%arg8 : memref<!tpu.dma_semaphore, #tpu.memory_space<semaphore_mem>>)
    %dma_wait3A_78 = arith.constant 2 : i32
    %dma_wait3A_79 = arith.constant 0 : i32
    %dma_wait3A_80 = arith.constant 0 : i32
    %dma_wait3A_81 = arith.constant 0 : i32
    %dma_wait3A_82 = tpu.memref_slice %arg6[%dma_wait3A_79, %dma_wait3A_80, %dma_wait3A_81] : memref<2x40x1024xf32, #tpu.memory_space<vmem>> -> memref<1x40x1024xf32, #tpu.memory_space<vmem>>
    %dma_wait3A_83 = tpu.memref_squeeze %dma_wait3A_82 : memref<1x40x1024xf32, #tpu.memory_space<vmem>> -> memref<40x1024xf32, #tpu.memory_space<vmem>>
    %dma_wait3A_84 = arith.constant 0 : i32
    %dma_wait3A_85 = tpu.memref_slice %arg5[%dma_wait3A_78, %dma_wait3A_84] : memref<6x40xi32, #tpu.memory_space<vmem>> -> memref<1x40xi32, #tpu.memory_space<vmem>>
    %dma_wait3A_86 = tpu.memref_squeeze %dma_wait3A_85 : memref<1x40xi32, #tpu.memory_space<vmem>> -> memref<40xi32, #tpu.memory_space<vmem>>
    %dma_wait3A_87 = arith.constant 0 : i32
    %dma_wait3A_88 = arith.constant 0 : i32
    %dma_wait3A_89 = tpu.memref_slice %arg3[%dma_wait3A_87, %dma_wait3A_88] : memref<32864x1024xf32, #tpu.memory_space<hbm>> -> memref<32864x1024xf32, #tpu.memory_space<hbm>>
    tpu.wait_indirect_dma semaphore(%arg7 : memref<!tpu.dma_semaphore, #tpu.memory_space<semaphore_mem>>) src(%dma_wait3A_89 : memref<32864x1024xf32, #tpu.memory_space<hbm>>) dst(%dma_wait3A_83 : memref<40x1024xf32, #tpu.memory_space<vmem>>)
    %add3A_90 = arith.constant 80 : i32
    %add3A_91 = arith.addi %mul3A_2, %add3A_90 : i32
    %run_scoped3A_92 = arith.constant 0 : i32
    "tpu.region"() ({
      %run_scoped3A_162 = tpu.sem_alloc : memref<!tpu.dma_semaphore, #tpu.memory_space<semaphore_mem>>
      %dma_start3A_163 = arith.constant 0 : i32
      %dma_start3A_164 = arith.constant 0 : i32
      %dma_start3A_165 = tpu.memref_slice %arg6[%run_scoped3A_92, %dma_start3A_163, %dma_start3A_164] : memref<2x40x1024xf32, #tpu.memory_space<vmem>> -> memref<1x40x1024xf32, #tpu.memory_space<vmem>>
      %dma_start3A_166 = tpu.memref_squeeze %dma_start3A_165 : memref<1x40x1024xf32, #tpu.memory_space<vmem>> -> memref<40x1024xf32, #tpu.memory_space<vmem>>
      %dma_start3A_167 = arith.constant 0 : i32
      %dma_start3A_168 = tpu.memref_slice %arg4[%add3A_91, %dma_start3A_167] : memref<7680x1024xf32, #tpu.memory_space<hbm>> -> memref<40x1024xf32, #tpu.memory_space<hbm>>
      %dma_start3A_169 = arith.constant 0 : i32
      %dma_start3A_170 = tpu.memref_slice %arg4[%add3A_91, %dma_start3A_169] : memref<7680x1024xf32, #tpu.memory_space<hbm>> -> memref<40x1024xf32, #tpu.memory_space<hbm>>
      %dma_start3A_171 = arith.constant 0 : i32
      %dma_start3A_172 = arith.constant 0 : i32
      %dma_start3A_173 = tpu.memref_slice %arg6[%run_scoped3A_92, %dma_start3A_171, %dma_start3A_172] : memref<2x40x1024xf32, #tpu.memory_space<vmem>> -> memref<1x40x1024xf32, #tpu.memory_space<vmem>>
      %dma_start3A_174 = tpu.memref_squeeze %dma_start3A_173 : memref<1x40x1024xf32, #tpu.memory_space<vmem>> -> memref<40x1024xf32, #tpu.memory_space<vmem>>
      tpu.enqueue_dma source(%dma_start3A_174 : memref<40x1024xf32, #tpu.memory_space<vmem>>) target(%dma_start3A_170 : memref<40x1024xf32, #tpu.memory_space<hbm>>) target_semaphore(%run_scoped3A_162 : memref<!tpu.dma_semaphore, #tpu.memory_space<semaphore_mem>>)
      %dma_wait3A_175 = arith.constant 0 : i32
      %dma_wait3A_176 = arith.constant 0 : i32
      %dma_wait3A_177 = tpu.memref_slice %arg6[%run_scoped3A_92, %dma_wait3A_175, %dma_wait3A_176] : memref<2x40x1024xf32, #tpu.memory_space<vmem>> -> memref<1x40x1024xf32, #tpu.memory_space<vmem>>
      %dma_wait3A_178 = tpu.memref_squeeze %dma_wait3A_177 : memref<1x40x1024xf32, #tpu.memory_space<vmem>> -> memref<40x1024xf32, #tpu.memory_space<vmem>>
      %dma_wait3A_179 = arith.constant 0 : i32
      %dma_wait3A_180 = tpu.memref_slice %arg4[%add3A_91, %dma_wait3A_179] : memref<7680x1024xf32, #tpu.memory_space<hbm>> -> memref<40x1024xf32, #tpu.memory_space<hbm>>
      %dma_wait3A_181 = arith.constant 0 : i32
      %dma_wait3A_182 = tpu.memref_slice %arg4[%add3A_91, %dma_wait3A_181] : memref<7680x1024xf32, #tpu.memory_space<hbm>> -> memref<40x1024xf32, #tpu.memory_space<hbm>>
      %dma_wait3A_183 = arith.constant 0 : i32
      %dma_wait3A_184 = arith.constant 0 : i32
      %dma_wait3A_185 = tpu.memref_slice %arg6[%run_scoped3A_92, %dma_wait3A_183, %dma_wait3A_184] : memref<2x40x1024xf32, #tpu.memory_space<vmem>> -> memref<1x40x1024xf32, #tpu.memory_space<vmem>>
      %dma_wait3A_186 = tpu.memref_squeeze %dma_wait3A_185 : memref<1x40x1024xf32, #tpu.memory_space<vmem>> -> memref<40x1024xf32, #tpu.memory_space<vmem>>
      tpu.wait_dma2 semaphore(%run_scoped3A_162 : memref<!tpu.dma_semaphore, #tpu.memory_space<semaphore_mem>>) src(%dma_wait3A_186 : memref<40x1024xf32, #tpu.memory_space<vmem>>) dst(%dma_wait3A_182 : memref<40x1024xf32, #tpu.memory_space<hbm>>)
      tpu.yield
    }) : () -> ()
    %dma_start3A_93 = arith.constant 4 : i32
    %dma_start3A_94 = arith.constant 0 : i32
    %dma_start3A_95 = arith.constant 0 : i32
    %dma_start3A_96 = arith.constant 0 : i32
    %dma_start3A_97 = tpu.memref_slice %arg6[%dma_start3A_94, %dma_start3A_95, %dma_start3A_96] : memref<2x40x1024xf32, #tpu.memory_space<vmem>> -> memref<1x40x1024xf32, #tpu.memory_space<vmem>>
    %dma_start3A_98 = tpu.memref_squeeze %dma_start3A_97 : memref<1x40x1024xf32, #tpu.memory_space<vmem>> -> memref<40x1024xf32, #tpu.memory_space<vmem>>
    %dma_start3A_99 = arith.constant 0 : i32
    %dma_start3A_100 = tpu.memref_slice %arg5[%dma_start3A_93, %dma_start3A_99] : memref<6x40xi32, #tpu.memory_space<vmem>> -> memref<1x40xi32, #tpu.memory_space<vmem>>
    %dma_start3A_101 = tpu.memref_squeeze %dma_start3A_100 : memref<1x40xi32, #tpu.memory_space<vmem>> -> memref<40xi32, #tpu.memory_space<vmem>>
    %dma_start3A_102 = arith.constant 0 : i32
    %dma_start3A_103 = arith.constant 0 : i32
    %dma_start3A_104 = tpu.memref_slice %arg3[%dma_start3A_102, %dma_start3A_103] : memref<32864x1024xf32, #tpu.memory_space<hbm>> -> memref<32864x1024xf32, #tpu.memory_space<hbm>>
    tpu.enqueue_indirect_dma source(%dma_start3A_104 : memref<32864x1024xf32, #tpu.memory_space<hbm>>) target(%dma_start3A_98 : memref<40x1024xf32, #tpu.memory_space<vmem>>) offsets(%dma_start3A_101 : memref<40xi32, #tpu.memory_space<vmem>>) semaphore(%arg7 : memref<!tpu.dma_semaphore, #tpu.memory_space<semaphore_mem>>)
    %dma_wait3A_105 = arith.constant 3 : i32
    %dma_wait3A_106 = arith.constant 1 : i32
    %dma_wait3A_107 = arith.constant 0 : i32
    %dma_wait3A_108 = arith.constant 0 : i32
    %dma_wait3A_109 = tpu.memref_slice %arg6[%dma_wait3A_106, %dma_wait3A_107, %dma_wait3A_108] : memref<2x40x1024xf32, #tpu.memory_space<vmem>> -> memref<1x40x1024xf32, #tpu.memory_space<vmem>>
    %dma_wait3A_110 = tpu.memref_squeeze %dma_wait3A_109 : memref<1x40x1024xf32, #tpu.memory_space<vmem>> -> memref<40x1024xf32, #tpu.memory_space<vmem>>
    %dma_wait3A_111 = arith.constant 0 : i32
    %dma_wait3A_112 = tpu.memref_slice %arg5[%dma_wait3A_105, %dma_wait3A_111] : memref<6x40xi32, #tpu.memory_space<vmem>> -> memref<1x40xi32, #tpu.memory_space<vmem>>
    %dma_wait3A_113 = tpu.memref_squeeze %dma_wait3A_112 : memref<1x40xi32, #tpu.memory_space<vmem>> -> memref<40xi32, #tpu.memory_space<vmem>>
    %dma_wait3A_114 = arith.constant 0 : i32
    %dma_wait3A_115 = arith.constant 0 : i32
    %dma_wait3A_116 = tpu.memref_slice %arg3[%dma_wait3A_114, %dma_wait3A_115] : memref<32864x1024xf32, #tpu.memory_space<hbm>> -> memref<32864x1024xf32, #tpu.memory_space<hbm>>
    tpu.wait_indirect_dma semaphore(%arg8 : memref<!tpu.dma_semaphore, #tpu.memory_space<semaphore_mem>>) src(%dma_wait3A_116 : memref<32864x1024xf32, #tpu.memory_space<hbm>>) dst(%dma_wait3A_110 : memref<40x1024xf32, #tpu.memory_space<vmem>>)
    %add3A_117 = arith.constant 120 : i32
    %add3A_118 = arith.addi %mul3A_2, %add3A_117 : i32
    %run_scoped3A_119 = arith.constant 1 : i32
    "tpu.region"() ({
      %run_scoped3A_162 = tpu.sem_alloc : memref<!tpu.dma_semaphore, #tpu.memory_space<semaphore_mem>>
      %dma_start3A_163 = arith.constant 0 : i32
      %dma_start3A_164 = arith.constant 0 : i32
      %dma_start3A_165 = tpu.memref_slice %arg6[%run_scoped3A_119, %dma_start3A_163, %dma_start3A_164] : memref<2x40x1024xf32, #tpu.memory_space<vmem>> -> memref<1x40x1024xf32, #tpu.memory_space<vmem>>
      %dma_start3A_166 = tpu.memref_squeeze %dma_start3A_165 : memref<1x40x1024xf32, #tpu.memory_space<vmem>> -> memref<40x1024xf32, #tpu.memory_space<vmem>>
      %dma_start3A_167 = arith.constant 0 : i32
      %dma_start3A_168 = tpu.memref_slice %arg4[%add3A_118, %dma_start3A_167] : memref<7680x1024xf32, #tpu.memory_space<hbm>> -> memref<40x1024xf32, #tpu.memory_space<hbm>>
      %dma_start3A_169 = arith.constant 0 : i32
      %dma_start3A_170 = tpu.memref_slice %arg4[%add3A_118, %dma_start3A_169] : memref<7680x1024xf32, #tpu.memory_space<hbm>> -> memref<40x1024xf32, #tpu.memory_space<hbm>>
      %dma_start3A_171 = arith.constant 0 : i32
      %dma_start3A_172 = arith.constant 0 : i32
      %dma_start3A_173 = tpu.memref_slice %arg6[%run_scoped3A_119, %dma_start3A_171, %dma_start3A_172] : memref<2x40x1024xf32, #tpu.memory_space<vmem>> -> memref<1x40x1024xf32, #tpu.memory_space<vmem>>
      %dma_start3A_174 = tpu.memref_squeeze %dma_start3A_173 : memref<1x40x1024xf32, #tpu.memory_space<vmem>> -> memref<40x1024xf32, #tpu.memory_space<vmem>>
      tpu.enqueue_dma source(%dma_start3A_174 : memref<40x1024xf32, #tpu.memory_space<vmem>>) target(%dma_start3A_170 : memref<40x1024xf32, #tpu.memory_space<hbm>>) target_semaphore(%run_scoped3A_162 : memref<!tpu.dma_semaphore, #tpu.memory_space<semaphore_mem>>)
      %dma_wait3A_175 = arith.constant 0 : i32
      %dma_wait3A_176 = arith.constant 0 : i32
      %dma_wait3A_177 = tpu.memref_slice %arg6[%run_scoped3A_119, %dma_wait3A_175, %dma_wait3A_176] : memref<2x40x1024xf32, #tpu.memory_space<vmem>> -> memref<1x40x1024xf32, #tpu.memory_space<vmem>>
      %dma_wait3A_178 = tpu.memref_squeeze %dma_wait3A_177 : memref<1x40x1024xf32, #tpu.memory_space<vmem>> -> memref<40x1024xf32, #tpu.memory_space<vmem>>
      %dma_wait3A_179 = arith.constant 0 : i32
      %dma_wait3A_180 = tpu.memref_slice %arg4[%add3A_118, %dma_wait3A_179] : memref<7680x1024xf32, #tpu.memory_space<hbm>> -> memref<40x1024xf32, #tpu.memory_space<hbm>>
      %dma_wait3A_181 = arith.constant 0 : i32
      %dma_wait3A_182 = tpu.memref_slice %arg4[%add3A_118, %dma_wait3A_181] : memref<7680x1024xf32, #tpu.memory_space<hbm>> -> memref<40x1024xf32, #tpu.memory_space<hbm>>
      %dma_wait3A_183 = arith.constant 0 : i32
      %dma_wait3A_184 = arith.constant 0 : i32
      %dma_wait3A_185 = tpu.memref_slice %arg6[%run_scoped3A_119, %dma_wait3A_183, %dma_wait3A_184] : memref<2x40x1024xf32, #tpu.memory_space<vmem>> -> memref<1x40x1024xf32, #tpu.memory_space<vmem>>
      %dma_wait3A_186 = tpu.memref_squeeze %dma_wait3A_185 : memref<1x40x1024xf32, #tpu.memory_space<vmem>> -> memref<40x1024xf32, #tpu.memory_space<vmem>>
      tpu.wait_dma2 semaphore(%run_scoped3A_162 : memref<!tpu.dma_semaphore, #tpu.memory_space<semaphore_mem>>) src(%dma_wait3A_186 : memref<40x1024xf32, #tpu.memory_space<vmem>>) dst(%dma_wait3A_182 : memref<40x1024xf32, #tpu.memory_space<hbm>>)
      tpu.yield
    }) : () -> ()
    %dma_start3A_120 = arith.constant 5 : i32
    %dma_start3A_121 = arith.constant 1 : i32
    %dma_start3A_122 = arith.constant 0 : i32
    %dma_start3A_123 = arith.constant 0 : i32
    %dma_start3A_124 = tpu.memref_slice %arg6[%dma_start3A_121, %dma_start3A_122, %dma_start3A_123] : memref<2x40x1024xf32, #tpu.memory_space<vmem>> -> memref<1x40x1024xf32, #tpu.memory_space<vmem>>
    %dma_start3A_125 = tpu.memref_squeeze %dma_start3A_124 : memref<1x40x1024xf32, #tpu.memory_space<vmem>> -> memref<40x1024xf32, #tpu.memory_space<vmem>>
    %dma_start3A_126 = arith.constant 0 : i32
    %dma_start3A_127 = tpu.memref_slice %arg5[%dma_start3A_120, %dma_start3A_126] : memref<6x40xi32, #tpu.memory_space<vmem>> -> memref<1x40xi32, #tpu.memory_space<vmem>>
    %dma_start3A_128 = tpu.memref_squeeze %dma_start3A_127 : memref<1x40xi32, #tpu.memory_space<vmem>> -> memref<40xi32, #tpu.memory_space<vmem>>
    %dma_start3A_129 = arith.constant 0 : i32
    %dma_start3A_130 = arith.constant 0 : i32
    %dma_start3A_131 = tpu.memref_slice %arg3[%dma_start3A_129, %dma_start3A_130] : memref<32864x1024xf32, #tpu.memory_space<hbm>> -> memref<32864x1024xf32, #tpu.memory_space<hbm>>
    tpu.enqueue_indirect_dma source(%dma_start3A_131 : memref<32864x1024xf32, #tpu.memory_space<hbm>>) target(%dma_start3A_125 : memref<40x1024xf32, #tpu.memory_space<vmem>>) offsets(%dma_start3A_128 : memref<40xi32, #tpu.memory_space<vmem>>) semaphore(%arg8 : memref<!tpu.dma_semaphore, #tpu.memory_space<semaphore_mem>>)
    %dma_wait3A_132 = arith.constant 4 : i32
    %dma_wait3A_133 = arith.constant 0 : i32
    %dma_wait3A_134 = arith.constant 0 : i32
    %dma_wait3A_135 = arith.constant 0 : i32
    %dma_wait3A_136 = tpu.memref_slice %arg6[%dma_wait3A_133, %dma_wait3A_134, %dma_wait3A_135] : memref<2x40x1024xf32, #tpu.memory_space<vmem>> -> memref<1x40x1024xf32, #tpu.memory_space<vmem>>
    %dma_wait3A_137 = tpu.memref_squeeze %dma_wait3A_136 : memref<1x40x1024xf32, #tpu.memory_space<vmem>> -> memref<40x1024xf32, #tpu.memory_space<vmem>>
    %dma_wait3A_138 = arith.constant 0 : i32
    %dma_wait3A_139 = tpu.memref_slice %arg5[%dma_wait3A_132, %dma_wait3A_138] : memref<6x40xi32, #tpu.memory_space<vmem>> -> memref<1x40xi32, #tpu.memory_space<vmem>>
    %dma_wait3A_140 = tpu.memref_squeeze %dma_wait3A_139 : memref<1x40xi32, #tpu.memory_space<vmem>> -> memref<40xi32, #tpu.memory_space<vmem>>
    %dma_wait3A_141 = arith.constant 0 : i32
    %dma_wait3A_142 = arith.constant 0 : i32
    %dma_wait3A_143 = tpu.memref_slice %arg3[%dma_wait3A_141, %dma_wait3A_142] : memref<32864x1024xf32, #tpu.memory_space<hbm>> -> memref<32864x1024xf32, #tpu.memory_space<hbm>>
    tpu.wait_indirect_dma semaphore(%arg7 : memref<!tpu.dma_semaphore, #tpu.memory_space<semaphore_mem>>) src(%dma_wait3A_143 : memref<32864x1024xf32, #tpu.memory_space<hbm>>) dst(%dma_wait3A_137 : memref<40x1024xf32, #tpu.memory_space<vmem>>)
    %add3A_144 = arith.constant 160 : i32
    %add3A_145 = arith.addi %mul3A_2, %add3A_144 : i32
    %run_scoped3A_146 = arith.constant 0 : i32
    "tpu.region"() ({
      %run_scoped3A_162 = tpu.sem_alloc : memref<!tpu.dma_semaphore, #tpu.memory_space<semaphore_mem>>
      %dma_start3A_163 = arith.constant 0 : i32
      %dma_start3A_164 = arith.constant 0 : i32
      %dma_start3A_165 = tpu.memref_slice %arg6[%run_scoped3A_146, %dma_start3A_163, %dma_start3A_164] : memref<2x40x1024xf32, #tpu.memory_space<vmem>> -> memref<1x40x1024xf32, #tpu.memory_space<vmem>>
      %dma_start3A_166 = tpu.memref_squeeze %dma_start3A_165 : memref<1x40x1024xf32, #tpu.memory_space<vmem>> -> memref<40x1024xf32, #tpu.memory_space<vmem>>
      %dma_start3A_167 = arith.constant 0 : i32
      %dma_start3A_168 = tpu.memref_slice %arg4[%add3A_145, %dma_start3A_167] : memref<7680x1024xf32, #tpu.memory_space<hbm>> -> memref<40x1024xf32, #tpu.memory_space<hbm>>
      %dma_start3A_169 = arith.constant 0 : i32
      %dma_start3A_170 = tpu.memref_slice %arg4[%add3A_145, %dma_start3A_169] : memref<7680x1024xf32, #tpu.memory_space<hbm>> -> memref<40x1024xf32, #tpu.memory_space<hbm>>
      %dma_start3A_171 = arith.constant 0 : i32
      %dma_start3A_172 = arith.constant 0 : i32
      %dma_start3A_173 = tpu.memref_slice %arg6[%run_scoped3A_146, %dma_start3A_171, %dma_start3A_172] : memref<2x40x1024xf32, #tpu.memory_space<vmem>> -> memref<1x40x1024xf32, #tpu.memory_space<vmem>>
      %dma_start3A_174 = tpu.memref_squeeze %dma_start3A_173 : memref<1x40x1024xf32, #tpu.memory_space<vmem>> -> memref<40x1024xf32, #tpu.memory_space<vmem>>
      tpu.enqueue_dma source(%dma_start3A_174 : memref<40x1024xf32, #tpu.memory_space<vmem>>) target(%dma_start3A_170 : memref<40x1024xf32, #tpu.memory_space<hbm>>) target_semaphore(%run_scoped3A_162 : memref<!tpu.dma_semaphore, #tpu.memory_space<semaphore_mem>>)
      %dma_wait3A_175 = arith.constant 0 : i32
      %dma_wait3A_176 = arith.constant 0 : i32
      %dma_wait3A_177 = tpu.memref_slice %arg6[%run_scoped3A_146, %dma_wait3A_175, %dma_wait3A_176] : memref<2x40x1024xf32, #tpu.memory_space<vmem>> -> memref<1x40x1024xf32, #tpu.memory_space<vmem>>
      %dma_wait3A_178 = tpu.memref_squeeze %dma_wait3A_177 : memref<1x40x1024xf32, #tpu.memory_space<vmem>> -> memref<40x1024xf32, #tpu.memory_space<vmem>>
      %dma_wait3A_179 = arith.constant 0 : i32
      %dma_wait3A_180 = tpu.memref_slice %arg4[%add3A_145, %dma_wait3A_179] : memref<7680x1024xf32, #tpu.memory_space<hbm>> -> memref<40x1024xf32, #tpu.memory_space<hbm>>
      %dma_wait3A_181 = arith.constant 0 : i32
      %dma_wait3A_182 = tpu.memref_slice %arg4[%add3A_145, %dma_wait3A_181] : memref<7680x1024xf32, #tpu.memory_space<hbm>> -> memref<40x1024xf32, #tpu.memory_space<hbm>>
      %dma_wait3A_183 = arith.constant 0 : i32
      %dma_wait3A_184 = arith.constant 0 : i32
      %dma_wait3A_185 = tpu.memref_slice %arg6[%run_scoped3A_146, %dma_wait3A_183, %dma_wait3A_184] : memref<2x40x1024xf32, #tpu.memory_space<vmem>> -> memref<1x40x1024xf32, #tpu.memory_space<vmem>>
      %dma_wait3A_186 = tpu.memref_squeeze %dma_wait3A_185 : memref<1x40x1024xf32, #tpu.memory_space<vmem>> -> memref<40x1024xf32, #tpu.memory_space<vmem>>
      tpu.wait_dma2 semaphore(%run_scoped3A_162 : memref<!tpu.dma_semaphore, #tpu.memory_space<semaphore_mem>>) src(%dma_wait3A_186 : memref<40x1024xf32, #tpu.memory_space<vmem>>) dst(%dma_wait3A_182 : memref<40x1024xf32, #tpu.memory_space<hbm>>)
      tpu.yield
    }) : () -> ()
    %dma_wait3A_147 = arith.constant 5 : i32
    %dma_wait3A_148 = arith.constant 1 : i32
    %dma_wait3A_149 = arith.constant 0 : i32
    %dma_wait3A_150 = arith.constant 0 : i32
    %dma_wait3A_151 = tpu.memref_slice %arg6[%dma_wait3A_148, %dma_wait3A_149, %dma_wait3A_150] : memref<2x40x1024xf32, #tpu.memory_space<vmem>> -> memref<1x40x1024xf32, #tpu.memory_space<vmem>>
    %dma_wait3A_152 = tpu.memref_squeeze %dma_wait3A_151 : memref<1x40x1024xf32, #tpu.memory_space<vmem>> -> memref<40x1024xf32, #tpu.memory_space<vmem>>
    %dma_wait3A_153 = arith.constant 0 : i32
    %dma_wait3A_154 = tpu.memref_slice %arg5[%dma_wait3A_147, %dma_wait3A_153] : memref<6x40xi32, #tpu.memory_space<vmem>> -> memref<1x40xi32, #tpu.memory_space<vmem>>
    %dma_wait3A_155 = tpu.memref_squeeze %dma_wait3A_154 : memref<1x40xi32, #tpu.memory_space<vmem>> -> memref<40xi32, #tpu.memory_space<vmem>>
    %dma_wait3A_156 = arith.constant 0 : i32
    %dma_wait3A_157 = arith.constant 0 : i32
    %dma_wait3A_158 = tpu.memref_slice %arg3[%dma_wait3A_156, %dma_wait3A_157] : memref<32864x1024xf32, #tpu.memory_space<hbm>> -> memref<32864x1024xf32, #tpu.memory_space<hbm>>
    tpu.wait_indirect_dma semaphore(%arg8 : memref<!tpu.dma_semaphore, #tpu.memory_space<semaphore_mem>>) src(%dma_wait3A_158 : memref<32864x1024xf32, #tpu.memory_space<hbm>>) dst(%dma_wait3A_152 : memref<40x1024xf32, #tpu.memory_space<vmem>>)
    %add3A_159 = arith.constant 200 : i32
    %add3A_160 = arith.addi %mul3A_2, %add3A_159 : i32
    %run_scoped3A_161 = arith.constant 1 : i32
    "tpu.region"() ({
      %run_scoped3A_162 = tpu.sem_alloc : memref<!tpu.dma_semaphore, #tpu.memory_space<semaphore_mem>>
      %dma_start3A_163 = arith.constant 0 : i32
      %dma_start3A_164 = arith.constant 0 : i32
      %dma_start3A_165 = tpu.memref_slice %arg6[%run_scoped3A_161, %dma_start3A_163, %dma_start3A_164] : memref<2x40x1024xf32, #tpu.memory_space<vmem>> -> memref<1x40x1024xf32, #tpu.memory_space<vmem>>
      %dma_start3A_166 = tpu.memref_squeeze %dma_start3A_165 : memref<1x40x1024xf32, #tpu.memory_space<vmem>> -> memref<40x1024xf32, #tpu.memory_space<vmem>>
      %dma_start3A_167 = arith.constant 0 : i32
      %dma_start3A_168 = tpu.memref_slice %arg4[%add3A_160, %dma_start3A_167] : memref<7680x1024xf32, #tpu.memory_space<hbm>> -> memref<40x1024xf32, #tpu.memory_space<hbm>>
      %dma_start3A_169 = arith.constant 0 : i32
      %dma_start3A_170 = tpu.memref_slice %arg4[%add3A_160, %dma_start3A_169] : memref<7680x1024xf32, #tpu.memory_space<hbm>> -> memref<40x1024xf32, #tpu.memory_space<hbm>>
      %dma_start3A_171 = arith.constant 0 : i32
      %dma_start3A_172 = arith.constant 0 : i32
      %dma_start3A_173 = tpu.memref_slice %arg6[%run_scoped3A_161, %dma_start3A_171, %dma_start3A_172] : memref<2x40x1024xf32, #tpu.memory_space<vmem>> -> memref<1x40x1024xf32, #tpu.memory_space<vmem>>
      %dma_start3A_174 = tpu.memref_squeeze %dma_start3A_173 : memref<1x40x1024xf32, #tpu.memory_space<vmem>> -> memref<40x1024xf32, #tpu.memory_space<vmem>>
      tpu.enqueue_dma source(%dma_start3A_174 : memref<40x1024xf32, #tpu.memory_space<vmem>>) target(%dma_start3A_170 : memref<40x1024xf32, #tpu.memory_space<hbm>>) target_semaphore(%run_scoped3A_162 : memref<!tpu.dma_semaphore, #tpu.memory_space<semaphore_mem>>)
      %dma_wait3A_175 = arith.constant 0 : i32
      %dma_wait3A_176 = arith.constant 0 : i32
      %dma_wait3A_177 = tpu.memref_slice %arg6[%run_scoped3A_161, %dma_wait3A_175, %dma_wait3A_176] : memref<2x40x1024xf32, #tpu.memory_space<vmem>> -> memref<1x40x1024xf32, #tpu.memory_space<vmem>>
      %dma_wait3A_178 = tpu.memref_squeeze %dma_wait3A_177 : memref<1x40x1024xf32, #tpu.memory_space<vmem>> -> memref<40x1024xf32, #tpu.memory_space<vmem>>
      %dma_wait3A_179 = arith.constant 0 : i32
      %dma_wait3A_180 = tpu.memref_slice %arg4[%add3A_160, %dma_wait3A_179] : memref<7680x1024xf32, #tpu.memory_space<hbm>> -> memref<40x1024xf32, #tpu.memory_space<hbm>>
      %dma_wait3A_181 = arith.constant 0 : i32
      %dma_wait3A_182 = tpu.memref_slice %arg4[%add3A_160, %dma_wait3A_181] : memref<7680x1024xf32, #tpu.memory_space<hbm>> -> memref<40x1024xf32, #tpu.memory_space<hbm>>
      %dma_wait3A_183 = arith.constant 0 : i32
      %dma_wait3A_184 = arith.constant 0 : i32
      %dma_wait3A_185 = tpu.memref_slice %arg6[%run_scoped3A_161, %dma_wait3A_183, %dma_wait3A_184] : memref<2x40x1024xf32, #tpu.memory_space<vmem>> -> memref<1x40x1024xf32, #tpu.memory_space<vmem>>
      %dma_wait3A_186 = tpu.memref_squeeze %dma_wait3A_185 : memref<1x40x1024xf32, #tpu.memory_space<vmem>> -> memref<40x1024xf32, #tpu.memory_space<vmem>>
      tpu.wait_dma2 semaphore(%run_scoped3A_162 : memref<!tpu.dma_semaphore, #tpu.memory_space<semaphore_mem>>) src(%dma_wait3A_186 : memref<40x1024xf32, #tpu.memory_space<vmem>>) dst(%dma_wait3A_182 : memref<40x1024xf32, #tpu.memory_space<hbm>>)
      tpu.yield
    }) : () -> ()
    return
  }
}

#map = affine_map<(d0, d1) -> (0, 0, 0)>
#map1 = affine_map<(d0, d1) -> (0, 0)>
module attributes {stable_mosaic.version = 14 : i64} {
  func.func @sc_gather(%arg0: i32, %arg1: i32, %arg2: memref<32x2x40xi32, #tpu.memory_space<hbm>>, %arg3: memref<32864x1024xf32, #tpu.memory_space<hbm>>, %arg4: memref<2560x1024xf32, #tpu.memory_space<hbm>>, %arg5: memref<2x40xi32, #tpu.memory_space<vmem>>, %arg6: memref<2x40x1024xf32, #tpu.memory_space<vmem>>, %arg7: memref<!tpu.dma_semaphore, #tpu.memory_space<semaphore_mem>>, %arg8: memref<!tpu.dma_semaphore, #tpu.memory_space<semaphore_mem>>) attributes {dimension_semantics = [#tpu.dimension_semantics<core_parallel>, #tpu.dimension_semantics<subcore_parallel>], iteration_bounds = array<i64: 2, 16>, scalar_prefetch = 0 : i64, scratch_operands = 4 : i64, tpu.core_type = #tpu.core_type<sc_vector_subcore>, window_params = [{transform_indices = #map}, {transform_indices = #map1}, {transform_indices = #map1}]} {
    %mul3A = arith.constant 2 : i32
    %mul3A_0 = arith.muli %arg1, %mul3A : i32
    %add3A = arith.addi %mul3A_0, %arg0 : i32
    %mul3A_1 = arith.constant 80 : i32
    %mul3A_2 = arith.muli %add3A, %mul3A_1 : i32
    "tpu.region"() ({
      %run_scoped3A_54 = tpu.sem_alloc : memref<!tpu.dma_semaphore, #tpu.memory_space<semaphore_mem>>
      %dma_start3A_55 = arith.constant 0 : i32
      %dma_start3A_56 = arith.constant 0 : i32
      %dma_start3A_57 = tpu.memref_slice %arg2[%add3A, %dma_start3A_55, %dma_start3A_56] : memref<32x2x40xi32, #tpu.memory_space<hbm>> -> memref<1x2x40xi32, #tpu.memory_space<hbm>>
      %dma_start3A_58 = tpu.memref_squeeze %dma_start3A_57 : memref<1x2x40xi32, #tpu.memory_space<hbm>> -> memref<2x40xi32, #tpu.memory_space<hbm>>
      %dma_start3A_59 = arith.constant 0 : i32
      %dma_start3A_60 = arith.constant 0 : i32
      %dma_start3A_61 = tpu.memref_slice %arg2[%add3A, %dma_start3A_59, %dma_start3A_60] : memref<32x2x40xi32, #tpu.memory_space<hbm>> -> memref<1x2x40xi32, #tpu.memory_space<hbm>>
      %dma_start3A_62 = tpu.memref_squeeze %dma_start3A_61 : memref<1x2x40xi32, #tpu.memory_space<hbm>> -> memref<2x40xi32, #tpu.memory_space<hbm>>
      tpu.enqueue_dma source(%dma_start3A_62 : memref<2x40xi32, #tpu.memory_space<hbm>>) target(%arg5 : memref<2x40xi32, #tpu.memory_space<vmem>>) target_semaphore(%run_scoped3A_54 : memref<!tpu.dma_semaphore, #tpu.memory_space<semaphore_mem>>)
      %dma_wait3A_63 = arith.constant 0 : i32
      %dma_wait3A_64 = arith.constant 0 : i32
      %dma_wait3A_65 = tpu.memref_slice %arg2[%add3A, %dma_wait3A_63, %dma_wait3A_64] : memref<32x2x40xi32, #tpu.memory_space<hbm>> -> memref<1x2x40xi32, #tpu.memory_space<hbm>>
      %dma_wait3A_66 = tpu.memref_squeeze %dma_wait3A_65 : memref<1x2x40xi32, #tpu.memory_space<hbm>> -> memref<2x40xi32, #tpu.memory_space<hbm>>
      %dma_wait3A_67 = arith.constant 0 : i32
      %dma_wait3A_68 = arith.constant 0 : i32
      %dma_wait3A_69 = tpu.memref_slice %arg2[%add3A, %dma_wait3A_67, %dma_wait3A_68] : memref<32x2x40xi32, #tpu.memory_space<hbm>> -> memref<1x2x40xi32, #tpu.memory_space<hbm>>
      %dma_wait3A_70 = tpu.memref_squeeze %dma_wait3A_69 : memref<1x2x40xi32, #tpu.memory_space<hbm>> -> memref<2x40xi32, #tpu.memory_space<hbm>>
      tpu.wait_dma2 semaphore(%run_scoped3A_54 : memref<!tpu.dma_semaphore, #tpu.memory_space<semaphore_mem>>) src(%dma_wait3A_70 : memref<2x40xi32, #tpu.memory_space<hbm>>) dst(%arg5 : memref<2x40xi32, #tpu.memory_space<vmem>>)
      tpu.yield
    }) : () -> ()
    %dma_start3A = arith.constant 0 : i32
    %dma_start3A_3 = arith.constant 0 : i32
    %dma_start3A_4 = arith.constant 0 : i32
    %dma_start3A_5 = arith.constant 0 : i32
    %dma_start3A_6 = tpu.memref_slice %arg6[%dma_start3A_3, %dma_start3A_4, %dma_start3A_5] : memref<2x40x1024xf32, #tpu.memory_space<vmem>> -> memref<1x40x1024xf32, #tpu.memory_space<vmem>>
    %dma_start3A_7 = tpu.memref_squeeze %dma_start3A_6 : memref<1x40x1024xf32, #tpu.memory_space<vmem>> -> memref<40x1024xf32, #tpu.memory_space<vmem>>
    %dma_start3A_8 = arith.constant 0 : i32
    %dma_start3A_9 = tpu.memref_slice %arg5[%dma_start3A, %dma_start3A_8] : memref<2x40xi32, #tpu.memory_space<vmem>> -> memref<1x40xi32, #tpu.memory_space<vmem>>
    %dma_start3A_10 = tpu.memref_squeeze %dma_start3A_9 : memref<1x40xi32, #tpu.memory_space<vmem>> -> memref<40xi32, #tpu.memory_space<vmem>>
    %dma_start3A_11 = arith.constant 0 : i32
    %dma_start3A_12 = arith.constant 0 : i32
    %dma_start3A_13 = tpu.memref_slice %arg3[%dma_start3A_11, %dma_start3A_12] : memref<32864x1024xf32, #tpu.memory_space<hbm>> -> memref<32864x1024xf32, #tpu.memory_space<hbm>>
    tpu.enqueue_indirect_dma source(%dma_start3A_13 : memref<32864x1024xf32, #tpu.memory_space<hbm>>) target(%dma_start3A_7 : memref<40x1024xf32, #tpu.memory_space<vmem>>) offsets(%dma_start3A_10 : memref<40xi32, #tpu.memory_space<vmem>>) semaphore(%arg7 : memref<!tpu.dma_semaphore, #tpu.memory_space<semaphore_mem>>)
    %dma_start3A_14 = arith.constant 1 : i32
    %dma_start3A_15 = arith.constant 1 : i32
    %dma_start3A_16 = arith.constant 0 : i32
    %dma_start3A_17 = arith.constant 0 : i32
    %dma_start3A_18 = tpu.memref_slice %arg6[%dma_start3A_15, %dma_start3A_16, %dma_start3A_17] : memref<2x40x1024xf32, #tpu.memory_space<vmem>> -> memref<1x40x1024xf32, #tpu.memory_space<vmem>>
    %dma_start3A_19 = tpu.memref_squeeze %dma_start3A_18 : memref<1x40x1024xf32, #tpu.memory_space<vmem>> -> memref<40x1024xf32, #tpu.memory_space<vmem>>
    %dma_start3A_20 = arith.constant 0 : i32
    %dma_start3A_21 = tpu.memref_slice %arg5[%dma_start3A_14, %dma_start3A_20] : memref<2x40xi32, #tpu.memory_space<vmem>> -> memref<1x40xi32, #tpu.memory_space<vmem>>
    %dma_start3A_22 = tpu.memref_squeeze %dma_start3A_21 : memref<1x40xi32, #tpu.memory_space<vmem>> -> memref<40xi32, #tpu.memory_space<vmem>>
    %dma_start3A_23 = arith.constant 0 : i32
    %dma_start3A_24 = arith.constant 0 : i32
    %dma_start3A_25 = tpu.memref_slice %arg3[%dma_start3A_23, %dma_start3A_24] : memref<32864x1024xf32, #tpu.memory_space<hbm>> -> memref<32864x1024xf32, #tpu.memory_space<hbm>>
    tpu.enqueue_indirect_dma source(%dma_start3A_25 : memref<32864x1024xf32, #tpu.memory_space<hbm>>) target(%dma_start3A_19 : memref<40x1024xf32, #tpu.memory_space<vmem>>) offsets(%dma_start3A_22 : memref<40xi32, #tpu.memory_space<vmem>>) semaphore(%arg8 : memref<!tpu.dma_semaphore, #tpu.memory_space<semaphore_mem>>)
    %dma_wait3A = arith.constant 0 : i32
    %dma_wait3A_26 = arith.constant 0 : i32
    %dma_wait3A_27 = arith.constant 0 : i32
    %dma_wait3A_28 = arith.constant 0 : i32
    %dma_wait3A_29 = tpu.memref_slice %arg6[%dma_wait3A_26, %dma_wait3A_27, %dma_wait3A_28] : memref<2x40x1024xf32, #tpu.memory_space<vmem>> -> memref<1x40x1024xf32, #tpu.memory_space<vmem>>
    %dma_wait3A_30 = tpu.memref_squeeze %dma_wait3A_29 : memref<1x40x1024xf32, #tpu.memory_space<vmem>> -> memref<40x1024xf32, #tpu.memory_space<vmem>>
    %dma_wait3A_31 = arith.constant 0 : i32
    %dma_wait3A_32 = tpu.memref_slice %arg5[%dma_wait3A, %dma_wait3A_31] : memref<2x40xi32, #tpu.memory_space<vmem>> -> memref<1x40xi32, #tpu.memory_space<vmem>>
    %dma_wait3A_33 = tpu.memref_squeeze %dma_wait3A_32 : memref<1x40xi32, #tpu.memory_space<vmem>> -> memref<40xi32, #tpu.memory_space<vmem>>
    %dma_wait3A_34 = arith.constant 0 : i32
    %dma_wait3A_35 = arith.constant 0 : i32
    %dma_wait3A_36 = tpu.memref_slice %arg3[%dma_wait3A_34, %dma_wait3A_35] : memref<32864x1024xf32, #tpu.memory_space<hbm>> -> memref<32864x1024xf32, #tpu.memory_space<hbm>>
    tpu.wait_indirect_dma semaphore(%arg7 : memref<!tpu.dma_semaphore, #tpu.memory_space<semaphore_mem>>) src(%dma_wait3A_36 : memref<32864x1024xf32, #tpu.memory_space<hbm>>) dst(%dma_wait3A_30 : memref<40x1024xf32, #tpu.memory_space<vmem>>)
    %add3A_37 = arith.constant 0 : i32
    %add3A_38 = arith.addi %mul3A_2, %add3A_37 : i32
    %run_scoped3A = arith.constant 0 : i32
    "tpu.region"() ({
      %run_scoped3A_54 = tpu.sem_alloc : memref<!tpu.dma_semaphore, #tpu.memory_space<semaphore_mem>>
      %dma_start3A_55 = arith.constant 0 : i32
      %dma_start3A_56 = arith.constant 0 : i32
      %dma_start3A_57 = tpu.memref_slice %arg6[%run_scoped3A, %dma_start3A_55, %dma_start3A_56] : memref<2x40x1024xf32, #tpu.memory_space<vmem>> -> memref<1x40x1024xf32, #tpu.memory_space<vmem>>
      %dma_start3A_58 = tpu.memref_squeeze %dma_start3A_57 : memref<1x40x1024xf32, #tpu.memory_space<vmem>> -> memref<40x1024xf32, #tpu.memory_space<vmem>>
      %dma_start3A_59 = arith.constant 0 : i32
      %dma_start3A_60 = tpu.memref_slice %arg4[%add3A_38, %dma_start3A_59] : memref<2560x1024xf32, #tpu.memory_space<hbm>> -> memref<40x1024xf32, #tpu.memory_space<hbm>>
      %dma_start3A_61 = arith.constant 0 : i32
      %dma_start3A_62 = tpu.memref_slice %arg4[%add3A_38, %dma_start3A_61] : memref<2560x1024xf32, #tpu.memory_space<hbm>> -> memref<40x1024xf32, #tpu.memory_space<hbm>>
      %dma_start3A_63 = arith.constant 0 : i32
      %dma_start3A_64 = arith.constant 0 : i32
      %dma_start3A_65 = tpu.memref_slice %arg6[%run_scoped3A, %dma_start3A_63, %dma_start3A_64] : memref<2x40x1024xf32, #tpu.memory_space<vmem>> -> memref<1x40x1024xf32, #tpu.memory_space<vmem>>
      %dma_start3A_66 = tpu.memref_squeeze %dma_start3A_65 : memref<1x40x1024xf32, #tpu.memory_space<vmem>> -> memref<40x1024xf32, #tpu.memory_space<vmem>>
      tpu.enqueue_dma source(%dma_start3A_66 : memref<40x1024xf32, #tpu.memory_space<vmem>>) target(%dma_start3A_62 : memref<40x1024xf32, #tpu.memory_space<hbm>>) target_semaphore(%run_scoped3A_54 : memref<!tpu.dma_semaphore, #tpu.memory_space<semaphore_mem>>)
      %dma_wait3A_67 = arith.constant 0 : i32
      %dma_wait3A_68 = arith.constant 0 : i32
      %dma_wait3A_69 = tpu.memref_slice %arg6[%run_scoped3A, %dma_wait3A_67, %dma_wait3A_68] : memref<2x40x1024xf32, #tpu.memory_space<vmem>> -> memref<1x40x1024xf32, #tpu.memory_space<vmem>>
      %dma_wait3A_70 = tpu.memref_squeeze %dma_wait3A_69 : memref<1x40x1024xf32, #tpu.memory_space<vmem>> -> memref<40x1024xf32, #tpu.memory_space<vmem>>
      %dma_wait3A_71 = arith.constant 0 : i32
      %dma_wait3A_72 = tpu.memref_slice %arg4[%add3A_38, %dma_wait3A_71] : memref<2560x1024xf32, #tpu.memory_space<hbm>> -> memref<40x1024xf32, #tpu.memory_space<hbm>>
      %dma_wait3A_73 = arith.constant 0 : i32
      %dma_wait3A_74 = tpu.memref_slice %arg4[%add3A_38, %dma_wait3A_73] : memref<2560x1024xf32, #tpu.memory_space<hbm>> -> memref<40x1024xf32, #tpu.memory_space<hbm>>
      %dma_wait3A_75 = arith.constant 0 : i32
      %dma_wait3A_76 = arith.constant 0 : i32
      %dma_wait3A_77 = tpu.memref_slice %arg6[%run_scoped3A, %dma_wait3A_75, %dma_wait3A_76] : memref<2x40x1024xf32, #tpu.memory_space<vmem>> -> memref<1x40x1024xf32, #tpu.memory_space<vmem>>
      %dma_wait3A_78 = tpu.memref_squeeze %dma_wait3A_77 : memref<1x40x1024xf32, #tpu.memory_space<vmem>> -> memref<40x1024xf32, #tpu.memory_space<vmem>>
      tpu.wait_dma2 semaphore(%run_scoped3A_54 : memref<!tpu.dma_semaphore, #tpu.memory_space<semaphore_mem>>) src(%dma_wait3A_78 : memref<40x1024xf32, #tpu.memory_space<vmem>>) dst(%dma_wait3A_74 : memref<40x1024xf32, #tpu.memory_space<hbm>>)
      tpu.yield
    }) : () -> ()
    %dma_wait3A_39 = arith.constant 1 : i32
    %dma_wait3A_40 = arith.constant 1 : i32
    %dma_wait3A_41 = arith.constant 0 : i32
    %dma_wait3A_42 = arith.constant 0 : i32
    %dma_wait3A_43 = tpu.memref_slice %arg6[%dma_wait3A_40, %dma_wait3A_41, %dma_wait3A_42] : memref<2x40x1024xf32, #tpu.memory_space<vmem>> -> memref<1x40x1024xf32, #tpu.memory_space<vmem>>
    %dma_wait3A_44 = tpu.memref_squeeze %dma_wait3A_43 : memref<1x40x1024xf32, #tpu.memory_space<vmem>> -> memref<40x1024xf32, #tpu.memory_space<vmem>>
    %dma_wait3A_45 = arith.constant 0 : i32
    %dma_wait3A_46 = tpu.memref_slice %arg5[%dma_wait3A_39, %dma_wait3A_45] : memref<2x40xi32, #tpu.memory_space<vmem>> -> memref<1x40xi32, #tpu.memory_space<vmem>>
    %dma_wait3A_47 = tpu.memref_squeeze %dma_wait3A_46 : memref<1x40xi32, #tpu.memory_space<vmem>> -> memref<40xi32, #tpu.memory_space<vmem>>
    %dma_wait3A_48 = arith.constant 0 : i32
    %dma_wait3A_49 = arith.constant 0 : i32
    %dma_wait3A_50 = tpu.memref_slice %arg3[%dma_wait3A_48, %dma_wait3A_49] : memref<32864x1024xf32, #tpu.memory_space<hbm>> -> memref<32864x1024xf32, #tpu.memory_space<hbm>>
    tpu.wait_indirect_dma semaphore(%arg8 : memref<!tpu.dma_semaphore, #tpu.memory_space<semaphore_mem>>) src(%dma_wait3A_50 : memref<32864x1024xf32, #tpu.memory_space<hbm>>) dst(%dma_wait3A_44 : memref<40x1024xf32, #tpu.memory_space<vmem>>)
    %add3A_51 = arith.constant 40 : i32
    %add3A_52 = arith.addi %mul3A_2, %add3A_51 : i32
    %run_scoped3A_53 = arith.constant 1 : i32
    "tpu.region"() ({
      %run_scoped3A_54 = tpu.sem_alloc : memref<!tpu.dma_semaphore, #tpu.memory_space<semaphore_mem>>
      %dma_start3A_55 = arith.constant 0 : i32
      %dma_start3A_56 = arith.constant 0 : i32
      %dma_start3A_57 = tpu.memref_slice %arg6[%run_scoped3A_53, %dma_start3A_55, %dma_start3A_56] : memref<2x40x1024xf32, #tpu.memory_space<vmem>> -> memref<1x40x1024xf32, #tpu.memory_space<vmem>>
      %dma_start3A_58 = tpu.memref_squeeze %dma_start3A_57 : memref<1x40x1024xf32, #tpu.memory_space<vmem>> -> memref<40x1024xf32, #tpu.memory_space<vmem>>
      %dma_start3A_59 = arith.constant 0 : i32
      %dma_start3A_60 = tpu.memref_slice %arg4[%add3A_52, %dma_start3A_59] : memref<2560x1024xf32, #tpu.memory_space<hbm>> -> memref<40x1024xf32, #tpu.memory_space<hbm>>
      %dma_start3A_61 = arith.constant 0 : i32
      %dma_start3A_62 = tpu.memref_slice %arg4[%add3A_52, %dma_start3A_61] : memref<2560x1024xf32, #tpu.memory_space<hbm>> -> memref<40x1024xf32, #tpu.memory_space<hbm>>
      %dma_start3A_63 = arith.constant 0 : i32
      %dma_start3A_64 = arith.constant 0 : i32
      %dma_start3A_65 = tpu.memref_slice %arg6[%run_scoped3A_53, %dma_start3A_63, %dma_start3A_64] : memref<2x40x1024xf32, #tpu.memory_space<vmem>> -> memref<1x40x1024xf32, #tpu.memory_space<vmem>>
      %dma_start3A_66 = tpu.memref_squeeze %dma_start3A_65 : memref<1x40x1024xf32, #tpu.memory_space<vmem>> -> memref<40x1024xf32, #tpu.memory_space<vmem>>
      tpu.enqueue_dma source(%dma_start3A_66 : memref<40x1024xf32, #tpu.memory_space<vmem>>) target(%dma_start3A_62 : memref<40x1024xf32, #tpu.memory_space<hbm>>) target_semaphore(%run_scoped3A_54 : memref<!tpu.dma_semaphore, #tpu.memory_space<semaphore_mem>>)
      %dma_wait3A_67 = arith.constant 0 : i32
      %dma_wait3A_68 = arith.constant 0 : i32
      %dma_wait3A_69 = tpu.memref_slice %arg6[%run_scoped3A_53, %dma_wait3A_67, %dma_wait3A_68] : memref<2x40x1024xf32, #tpu.memory_space<vmem>> -> memref<1x40x1024xf32, #tpu.memory_space<vmem>>
      %dma_wait3A_70 = tpu.memref_squeeze %dma_wait3A_69 : memref<1x40x1024xf32, #tpu.memory_space<vmem>> -> memref<40x1024xf32, #tpu.memory_space<vmem>>
      %dma_wait3A_71 = arith.constant 0 : i32
      %dma_wait3A_72 = tpu.memref_slice %arg4[%add3A_52, %dma_wait3A_71] : memref<2560x1024xf32, #tpu.memory_space<hbm>> -> memref<40x1024xf32, #tpu.memory_space<hbm>>
      %dma_wait3A_73 = arith.constant 0 : i32
      %dma_wait3A_74 = tpu.memref_slice %arg4[%add3A_52, %dma_wait3A_73] : memref<2560x1024xf32, #tpu.memory_space<hbm>> -> memref<40x1024xf32, #tpu.memory_space<hbm>>
      %dma_wait3A_75 = arith.constant 0 : i32
      %dma_wait3A_76 = arith.constant 0 : i32
      %dma_wait3A_77 = tpu.memref_slice %arg6[%run_scoped3A_53, %dma_wait3A_75, %dma_wait3A_76] : memref<2x40x1024xf32, #tpu.memory_space<vmem>> -> memref<1x40x1024xf32, #tpu.memory_space<vmem>>
      %dma_wait3A_78 = tpu.memref_squeeze %dma_wait3A_77 : memref<1x40x1024xf32, #tpu.memory_space<vmem>> -> memref<40x1024xf32, #tpu.memory_space<vmem>>
      tpu.wait_dma2 semaphore(%run_scoped3A_54 : memref<!tpu.dma_semaphore, #tpu.memory_space<semaphore_mem>>) src(%dma_wait3A_78 : memref<40x1024xf32, #tpu.memory_space<vmem>>) dst(%dma_wait3A_74 : memref<40x1024xf32, #tpu.memory_space<hbm>>)
      tpu.yield
    }) : () -> ()
    return
  }
}

#map = affine_map<(d0, d1) -> (0, 0, 0)>
#map1 = affine_map<(d0, d1) -> (0, 0)>
module attributes {stable_mosaic.version = 14 : i64} {
  func.func @sc_gather(%arg0: i32, %arg1: i32, %arg2: memref<32x6x40xi32, #tpu.memory_space<hbm>>, %arg3: memref<32864x1024xf32, #tpu.memory_space<hbm>>, %arg4: memref<7680x1024xf32, #tpu.memory_space<hbm>>, %arg5: memref<6x40xi32, #tpu.memory_space<vmem>>, %arg6: memref<2x40x1024xf32, #tpu.memory_space<vmem>>, %arg7: memref<!tpu.dma_semaphore, #tpu.memory_space<semaphore_mem>>, %arg8: memref<!tpu.dma_semaphore, #tpu.memory_space<semaphore_mem>>) attributes {dimension_semantics = [#tpu.dimension_semantics<core_parallel>, #tpu.dimension_semantics<subcore_parallel>], iteration_bounds = array<i64: 2, 16>, scalar_prefetch = 0 : i64, scratch_operands = 4 : i64, tpu.core_type = #tpu.core_type<sc_vector_subcore>, window_params = [{transform_indices = #map}, {transform_indices = #map1}, {transform_indices = #map1}]} {
    %mul3A = arith.constant 2 : i32
    %mul3A_0 = arith.muli %arg1, %mul3A : i32
    %add3A = arith.addi %mul3A_0, %arg0 : i32
    %mul3A_1 = arith.constant 240 : i32
    %mul3A_2 = arith.muli %add3A, %mul3A_1 : i32
    "tpu.region"() ({
      %run_scoped3A_162 = tpu.sem_alloc : memref<!tpu.dma_semaphore, #tpu.memory_space<semaphore_mem>>
      %dma_start3A_163 = arith.constant 0 : i32
      %dma_start3A_164 = arith.constant 0 : i32
      %dma_start3A_165 = tpu.memref_slice %arg2[%add3A, %dma_start3A_163, %dma_start3A_164] : memref<32x6x40xi32, #tpu.memory_space<hbm>> -> memref<1x6x40xi32, #tpu.memory_space<hbm>>
      %dma_start3A_166 = tpu.memref_squeeze %dma_start3A_165 : memref<1x6x40xi32, #tpu.memory_space<hbm>> -> memref<6x40xi32, #tpu.memory_space<hbm>>
      %dma_start3A_167 = arith.constant 0 : i32
      %dma_start3A_168 = arith.constant 0 : i32
      %dma_start3A_169 = tpu.memref_slice %arg2[%add3A, %dma_start3A_167, %dma_start3A_168] : memref<32x6x40xi32, #tpu.memory_space<hbm>> -> memref<1x6x40xi32, #tpu.memory_space<hbm>>
      %dma_start3A_170 = tpu.memref_squeeze %dma_start3A_169 : memref<1x6x40xi32, #tpu.memory_space<hbm>> -> memref<6x40xi32, #tpu.memory_space<hbm>>
      tpu.enqueue_dma source(%dma_start3A_170 : memref<6x40xi32, #tpu.memory_space<hbm>>) target(%arg5 : memref<6x40xi32, #tpu.memory_space<vmem>>) target_semaphore(%run_scoped3A_162 : memref<!tpu.dma_semaphore, #tpu.memory_space<semaphore_mem>>)
      %dma_wait3A_171 = arith.constant 0 : i32
      %dma_wait3A_172 = arith.constant 0 : i32
      %dma_wait3A_173 = tpu.memref_slice %arg2[%add3A, %dma_wait3A_171, %dma_wait3A_172] : memref<32x6x40xi32, #tpu.memory_space<hbm>> -> memref<1x6x40xi32, #tpu.memory_space<hbm>>
      %dma_wait3A_174 = tpu.memref_squeeze %dma_wait3A_173 : memref<1x6x40xi32, #tpu.memory_space<hbm>> -> memref<6x40xi32, #tpu.memory_space<hbm>>
      %dma_wait3A_175 = arith.constant 0 : i32
      %dma_wait3A_176 = arith.constant 0 : i32
      %dma_wait3A_177 = tpu.memref_slice %arg2[%add3A, %dma_wait3A_175, %dma_wait3A_176] : memref<32x6x40xi32, #tpu.memory_space<hbm>> -> memref<1x6x40xi32, #tpu.memory_space<hbm>>
      %dma_wait3A_178 = tpu.memref_squeeze %dma_wait3A_177 : memref<1x6x40xi32, #tpu.memory_space<hbm>> -> memref<6x40xi32, #tpu.memory_space<hbm>>
      tpu.wait_dma2 semaphore(%run_scoped3A_162 : memref<!tpu.dma_semaphore, #tpu.memory_space<semaphore_mem>>) src(%dma_wait3A_178 : memref<6x40xi32, #tpu.memory_space<hbm>>) dst(%arg5 : memref<6x40xi32, #tpu.memory_space<vmem>>)
      tpu.yield
    }) : () -> ()
    %dma_start3A = arith.constant 0 : i32
    %dma_start3A_3 = arith.constant 0 : i32
    %dma_start3A_4 = arith.constant 0 : i32
    %dma_start3A_5 = arith.constant 0 : i32
    %dma_start3A_6 = tpu.memref_slice %arg6[%dma_start3A_3, %dma_start3A_4, %dma_start3A_5] : memref<2x40x1024xf32, #tpu.memory_space<vmem>> -> memref<1x40x1024xf32, #tpu.memory_space<vmem>>
    %dma_start3A_7 = tpu.memref_squeeze %dma_start3A_6 : memref<1x40x1024xf32, #tpu.memory_space<vmem>> -> memref<40x1024xf32, #tpu.memory_space<vmem>>
    %dma_start3A_8 = arith.constant 0 : i32
    %dma_start3A_9 = tpu.memref_slice %arg5[%dma_start3A, %dma_start3A_8] : memref<6x40xi32, #tpu.memory_space<vmem>> -> memref<1x40xi32, #tpu.memory_space<vmem>>
    %dma_start3A_10 = tpu.memref_squeeze %dma_start3A_9 : memref<1x40xi32, #tpu.memory_space<vmem>> -> memref<40xi32, #tpu.memory_space<vmem>>
    %dma_start3A_11 = arith.constant 0 : i32
    %dma_start3A_12 = arith.constant 0 : i32
    %dma_start3A_13 = tpu.memref_slice %arg3[%dma_start3A_11, %dma_start3A_12] : memref<32864x1024xf32, #tpu.memory_space<hbm>> -> memref<32864x1024xf32, #tpu.memory_space<hbm>>
    tpu.enqueue_indirect_dma source(%dma_start3A_13 : memref<32864x1024xf32, #tpu.memory_space<hbm>>) target(%dma_start3A_7 : memref<40x1024xf32, #tpu.memory_space<vmem>>) offsets(%dma_start3A_10 : memref<40xi32, #tpu.memory_space<vmem>>) semaphore(%arg7 : memref<!tpu.dma_semaphore, #tpu.memory_space<semaphore_mem>>)
    %dma_start3A_14 = arith.constant 1 : i32
    %dma_start3A_15 = arith.constant 1 : i32
    %dma_start3A_16 = arith.constant 0 : i32
    %dma_start3A_17 = arith.constant 0 : i32
    %dma_start3A_18 = tpu.memref_slice %arg6[%dma_start3A_15, %dma_start3A_16, %dma_start3A_17] : memref<2x40x1024xf32, #tpu.memory_space<vmem>> -> memref<1x40x1024xf32, #tpu.memory_space<vmem>>
    %dma_start3A_19 = tpu.memref_squeeze %dma_start3A_18 : memref<1x40x1024xf32, #tpu.memory_space<vmem>> -> memref<40x1024xf32, #tpu.memory_space<vmem>>
    %dma_start3A_20 = arith.constant 0 : i32
    %dma_start3A_21 = tpu.memref_slice %arg5[%dma_start3A_14, %dma_start3A_20] : memref<6x40xi32, #tpu.memory_space<vmem>> -> memref<1x40xi32, #tpu.memory_space<vmem>>
    %dma_start3A_22 = tpu.memref_squeeze %dma_start3A_21 : memref<1x40xi32, #tpu.memory_space<vmem>> -> memref<40xi32, #tpu.memory_space<vmem>>
    %dma_start3A_23 = arith.constant 0 : i32
    %dma_start3A_24 = arith.constant 0 : i32
    %dma_start3A_25 = tpu.memref_slice %arg3[%dma_start3A_23, %dma_start3A_24] : memref<32864x1024xf32, #tpu.memory_space<hbm>> -> memref<32864x1024xf32, #tpu.memory_space<hbm>>
    tpu.enqueue_indirect_dma source(%dma_start3A_25 : memref<32864x1024xf32, #tpu.memory_space<hbm>>) target(%dma_start3A_19 : memref<40x1024xf32, #tpu.memory_space<vmem>>) offsets(%dma_start3A_22 : memref<40xi32, #tpu.memory_space<vmem>>) semaphore(%arg8 : memref<!tpu.dma_semaphore, #tpu.memory_space<semaphore_mem>>)
    %dma_wait3A = arith.constant 0 : i32
    %dma_wait3A_26 = arith.constant 0 : i32
    %dma_wait3A_27 = arith.constant 0 : i32
    %dma_wait3A_28 = arith.constant 0 : i32
    %dma_wait3A_29 = tpu.memref_slice %arg6[%dma_wait3A_26, %dma_wait3A_27, %dma_wait3A_28] : memref<2x40x1024xf32, #tpu.memory_space<vmem>> -> memref<1x40x1024xf32, #tpu.memory_space<vmem>>
    %dma_wait3A_30 = tpu.memref_squeeze %dma_wait3A_29 : memref<1x40x1024xf32, #tpu.memory_space<vmem>> -> memref<40x1024xf32, #tpu.memory_space<vmem>>
    %dma_wait3A_31 = arith.constant 0 : i32
    %dma_wait3A_32 = tpu.memref_slice %arg5[%dma_wait3A, %dma_wait3A_31] : memref<6x40xi32, #tpu.memory_space<vmem>> -> memref<1x40xi32, #tpu.memory_space<vmem>>
    %dma_wait3A_33 = tpu.memref_squeeze %dma_wait3A_32 : memref<1x40xi32, #tpu.memory_space<vmem>> -> memref<40xi32, #tpu.memory_space<vmem>>
    %dma_wait3A_34 = arith.constant 0 : i32
    %dma_wait3A_35 = arith.constant 0 : i32
    %dma_wait3A_36 = tpu.memref_slice %arg3[%dma_wait3A_34, %dma_wait3A_35] : memref<32864x1024xf32, #tpu.memory_space<hbm>> -> memref<32864x1024xf32, #tpu.memory_space<hbm>>
    tpu.wait_indirect_dma semaphore(%arg7 : memref<!tpu.dma_semaphore, #tpu.memory_space<semaphore_mem>>) src(%dma_wait3A_36 : memref<32864x1024xf32, #tpu.memory_space<hbm>>) dst(%dma_wait3A_30 : memref<40x1024xf32, #tpu.memory_space<vmem>>)
    %add3A_37 = arith.constant 0 : i32
    %add3A_38 = arith.addi %mul3A_2, %add3A_37 : i32
    %run_scoped3A = arith.constant 0 : i32
    "tpu.region"() ({
      %run_scoped3A_162 = tpu.sem_alloc : memref<!tpu.dma_semaphore, #tpu.memory_space<semaphore_mem>>
      %dma_start3A_163 = arith.constant 0 : i32
      %dma_start3A_164 = arith.constant 0 : i32
      %dma_start3A_165 = tpu.memref_slice %arg6[%run_scoped3A, %dma_start3A_163, %dma_start3A_164] : memref<2x40x1024xf32, #tpu.memory_space<vmem>> -> memref<1x40x1024xf32, #tpu.memory_space<vmem>>
      %dma_start3A_166 = tpu.memref_squeeze %dma_start3A_165 : memref<1x40x1024xf32, #tpu.memory_space<vmem>> -> memref<40x1024xf32, #tpu.memory_space<vmem>>
      %dma_start3A_167 = arith.constant 0 : i32
      %dma_start3A_168 = tpu.memref_slice %arg4[%add3A_38, %dma_start3A_167] : memref<7680x1024xf32, #tpu.memory_space<hbm>> -> memref<40x1024xf32, #tpu.memory_space<hbm>>
      %dma_start3A_169 = arith.constant 0 : i32
      %dma_start3A_170 = tpu.memref_slice %arg4[%add3A_38, %dma_start3A_169] : memref<7680x1024xf32, #tpu.memory_space<hbm>> -> memref<40x1024xf32, #tpu.memory_space<hbm>>
      %dma_start3A_171 = arith.constant 0 : i32
      %dma_start3A_172 = arith.constant 0 : i32
      %dma_start3A_173 = tpu.memref_slice %arg6[%run_scoped3A, %dma_start3A_171, %dma_start3A_172] : memref<2x40x1024xf32, #tpu.memory_space<vmem>> -> memref<1x40x1024xf32, #tpu.memory_space<vmem>>
      %dma_start3A_174 = tpu.memref_squeeze %dma_start3A_173 : memref<1x40x1024xf32, #tpu.memory_space<vmem>> -> memref<40x1024xf32, #tpu.memory_space<vmem>>
      tpu.enqueue_dma source(%dma_start3A_174 : memref<40x1024xf32, #tpu.memory_space<vmem>>) target(%dma_start3A_170 : memref<40x1024xf32, #tpu.memory_space<hbm>>) target_semaphore(%run_scoped3A_162 : memref<!tpu.dma_semaphore, #tpu.memory_space<semaphore_mem>>)
      %dma_wait3A_175 = arith.constant 0 : i32
      %dma_wait3A_176 = arith.constant 0 : i32
      %dma_wait3A_177 = tpu.memref_slice %arg6[%run_scoped3A, %dma_wait3A_175, %dma_wait3A_176] : memref<2x40x1024xf32, #tpu.memory_space<vmem>> -> memref<1x40x1024xf32, #tpu.memory_space<vmem>>
      %dma_wait3A_178 = tpu.memref_squeeze %dma_wait3A_177 : memref<1x40x1024xf32, #tpu.memory_space<vmem>> -> memref<40x1024xf32, #tpu.memory_space<vmem>>
      %dma_wait3A_179 = arith.constant 0 : i32
      %dma_wait3A_180 = tpu.memref_slice %arg4[%add3A_38, %dma_wait3A_179] : memref<7680x1024xf32, #tpu.memory_space<hbm>> -> memref<40x1024xf32, #tpu.memory_space<hbm>>
      %dma_wait3A_181 = arith.constant 0 : i32
      %dma_wait3A_182 = tpu.memref_slice %arg4[%add3A_38, %dma_wait3A_181] : memref<7680x1024xf32, #tpu.memory_space<hbm>> -> memref<40x1024xf32, #tpu.memory_space<hbm>>
      %dma_wait3A_183 = arith.constant 0 : i32
      %dma_wait3A_184 = arith.constant 0 : i32
      %dma_wait3A_185 = tpu.memref_slice %arg6[%run_scoped3A, %dma_wait3A_183, %dma_wait3A_184] : memref<2x40x1024xf32, #tpu.memory_space<vmem>> -> memref<1x40x1024xf32, #tpu.memory_space<vmem>>
      %dma_wait3A_186 = tpu.memref_squeeze %dma_wait3A_185 : memref<1x40x1024xf32, #tpu.memory_space<vmem>> -> memref<40x1024xf32, #tpu.memory_space<vmem>>
      tpu.wait_dma2 semaphore(%run_scoped3A_162 : memref<!tpu.dma_semaphore, #tpu.memory_space<semaphore_mem>>) src(%dma_wait3A_186 : memref<40x1024xf32, #tpu.memory_space<vmem>>) dst(%dma_wait3A_182 : memref<40x1024xf32, #tpu.memory_space<hbm>>)
      tpu.yield
    }) : () -> ()
    %dma_start3A_39 = arith.constant 2 : i32
    %dma_start3A_40 = arith.constant 0 : i32
    %dma_start3A_41 = arith.constant 0 : i32
    %dma_start3A_42 = arith.constant 0 : i32
    %dma_start3A_43 = tpu.memref_slice %arg6[%dma_start3A_40, %dma_start3A_41, %dma_start3A_42] : memref<2x40x1024xf32, #tpu.memory_space<vmem>> -> memref<1x40x1024xf32, #tpu.memory_space<vmem>>
    %dma_start3A_44 = tpu.memref_squeeze %dma_start3A_43 : memref<1x40x1024xf32, #tpu.memory_space<vmem>> -> memref<40x1024xf32, #tpu.memory_space<vmem>>
    %dma_start3A_45 = arith.constant 0 : i32
    %dma_start3A_46 = tpu.memref_slice %arg5[%dma_start3A_39, %dma_start3A_45] : memref<6x40xi32, #tpu.memory_space<vmem>> -> memref<1x40xi32, #tpu.memory_space<vmem>>
    %dma_start3A_47 = tpu.memref_squeeze %dma_start3A_46 : memref<1x40xi32, #tpu.memory_space<vmem>> -> memref<40xi32, #tpu.memory_space<vmem>>
    %dma_start3A_48 = arith.constant 0 : i32
    %dma_start3A_49 = arith.constant 0 : i32
    %dma_start3A_50 = tpu.memref_slice %arg3[%dma_start3A_48, %dma_start3A_49] : memref<32864x1024xf32, #tpu.memory_space<hbm>> -> memref<32864x1024xf32, #tpu.memory_space<hbm>>
    tpu.enqueue_indirect_dma source(%dma_start3A_50 : memref<32864x1024xf32, #tpu.memory_space<hbm>>) target(%dma_start3A_44 : memref<40x1024xf32, #tpu.memory_space<vmem>>) offsets(%dma_start3A_47 : memref<40xi32, #tpu.memory_space<vmem>>) semaphore(%arg7 : memref<!tpu.dma_semaphore, #tpu.memory_space<semaphore_mem>>)
    %dma_wait3A_51 = arith.constant 1 : i32
    %dma_wait3A_52 = arith.constant 1 : i32
    %dma_wait3A_53 = arith.constant 0 : i32
    %dma_wait3A_54 = arith.constant 0 : i32
    %dma_wait3A_55 = tpu.memref_slice %arg6[%dma_wait3A_52, %dma_wait3A_53, %dma_wait3A_54] : memref<2x40x1024xf32, #tpu.memory_space<vmem>> -> memref<1x40x1024xf32, #tpu.memory_space<vmem>>
    %dma_wait3A_56 = tpu.memref_squeeze %dma_wait3A_55 : memref<1x40x1024xf32, #tpu.memory_space<vmem>> -> memref<40x1024xf32, #tpu.memory_space<vmem>>
    %dma_wait3A_57 = arith.constant 0 : i32
    %dma_wait3A_58 = tpu.memref_slice %arg5[%dma_wait3A_51, %dma_wait3A_57] : memref<6x40xi32, #tpu.memory_space<vmem>> -> memref<1x40xi32, #tpu.memory_space<vmem>>
    %dma_wait3A_59 = tpu.memref_squeeze %dma_wait3A_58 : memref<1x40xi32, #tpu.memory_space<vmem>> -> memref<40xi32, #tpu.memory_space<vmem>>
    %dma_wait3A_60 = arith.constant 0 : i32
    %dma_wait3A_61 = arith.constant 0 : i32
    %dma_wait3A_62 = tpu.memref_slice %arg3[%dma_wait3A_60, %dma_wait3A_61] : memref<32864x1024xf32, #tpu.memory_space<hbm>> -> memref<32864x1024xf32, #tpu.memory_space<hbm>>
    tpu.wait_indirect_dma semaphore(%arg8 : memref<!tpu.dma_semaphore, #tpu.memory_space<semaphore_mem>>) src(%dma_wait3A_62 : memref<32864x1024xf32, #tpu.memory_space<hbm>>) dst(%dma_wait3A_56 : memref<40x1024xf32, #tpu.memory_space<vmem>>)
    %add3A_63 = arith.constant 40 : i32
    %add3A_64 = arith.addi %mul3A_2, %add3A_63 : i32
    %run_scoped3A_65 = arith.constant 1 : i32
    "tpu.region"() ({
      %run_scoped3A_162 = tpu.sem_alloc : memref<!tpu.dma_semaphore, #tpu.memory_space<semaphore_mem>>
      %dma_start3A_163 = arith.constant 0 : i32
      %dma_start3A_164 = arith.constant 0 : i32
      %dma_start3A_165 = tpu.memref_slice %arg6[%run_scoped3A_65, %dma_start3A_163, %dma_start3A_164] : memref<2x40x1024xf32, #tpu.memory_space<vmem>> -> memref<1x40x1024xf32, #tpu.memory_space<vmem>>
      %dma_start3A_166 = tpu.memref_squeeze %dma_start3A_165 : memref<1x40x1024xf32, #tpu.memory_space<vmem>> -> memref<40x1024xf32, #tpu.memory_space<vmem>>
      %dma_start3A_167 = arith.constant 0 : i32
      %dma_start3A_168 = tpu.memref_slice %arg4[%add3A_64, %dma_start3A_167] : memref<7680x1024xf32, #tpu.memory_space<hbm>> -> memref<40x1024xf32, #tpu.memory_space<hbm>>
      %dma_start3A_169 = arith.constant 0 : i32
      %dma_start3A_170 = tpu.memref_slice %arg4[%add3A_64, %dma_start3A_169] : memref<7680x1024xf32, #tpu.memory_space<hbm>> -> memref<40x1024xf32, #tpu.memory_space<hbm>>
      %dma_start3A_171 = arith.constant 0 : i32
      %dma_start3A_172 = arith.constant 0 : i32
      %dma_start3A_173 = tpu.memref_slice %arg6[%run_scoped3A_65, %dma_start3A_171, %dma_start3A_172] : memref<2x40x1024xf32, #tpu.memory_space<vmem>> -> memref<1x40x1024xf32, #tpu.memory_space<vmem>>
      %dma_start3A_174 = tpu.memref_squeeze %dma_start3A_173 : memref<1x40x1024xf32, #tpu.memory_space<vmem>> -> memref<40x1024xf32, #tpu.memory_space<vmem>>
      tpu.enqueue_dma source(%dma_start3A_174 : memref<40x1024xf32, #tpu.memory_space<vmem>>) target(%dma_start3A_170 : memref<40x1024xf32, #tpu.memory_space<hbm>>) target_semaphore(%run_scoped3A_162 : memref<!tpu.dma_semaphore, #tpu.memory_space<semaphore_mem>>)
      %dma_wait3A_175 = arith.constant 0 : i32
      %dma_wait3A_176 = arith.constant 0 : i32
      %dma_wait3A_177 = tpu.memref_slice %arg6[%run_scoped3A_65, %dma_wait3A_175, %dma_wait3A_176] : memref<2x40x1024xf32, #tpu.memory_space<vmem>> -> memref<1x40x1024xf32, #tpu.memory_space<vmem>>
      %dma_wait3A_178 = tpu.memref_squeeze %dma_wait3A_177 : memref<1x40x1024xf32, #tpu.memory_space<vmem>> -> memref<40x1024xf32, #tpu.memory_space<vmem>>
      %dma_wait3A_179 = arith.constant 0 : i32
      %dma_wait3A_180 = tpu.memref_slice %arg4[%add3A_64, %dma_wait3A_179] : memref<7680x1024xf32, #tpu.memory_space<hbm>> -> memref<40x1024xf32, #tpu.memory_space<hbm>>
      %dma_wait3A_181 = arith.constant 0 : i32
      %dma_wait3A_182 = tpu.memref_slice %arg4[%add3A_64, %dma_wait3A_181] : memref<7680x1024xf32, #tpu.memory_space<hbm>> -> memref<40x1024xf32, #tpu.memory_space<hbm>>
      %dma_wait3A_183 = arith.constant 0 : i32
      %dma_wait3A_184 = arith.constant 0 : i32
      %dma_wait3A_185 = tpu.memref_slice %arg6[%run_scoped3A_65, %dma_wait3A_183, %dma_wait3A_184] : memref<2x40x1024xf32, #tpu.memory_space<vmem>> -> memref<1x40x1024xf32, #tpu.memory_space<vmem>>
      %dma_wait3A_186 = tpu.memref_squeeze %dma_wait3A_185 : memref<1x40x1024xf32, #tpu.memory_space<vmem>> -> memref<40x1024xf32, #tpu.memory_space<vmem>>
      tpu.wait_dma2 semaphore(%run_scoped3A_162 : memref<!tpu.dma_semaphore, #tpu.memory_space<semaphore_mem>>) src(%dma_wait3A_186 : memref<40x1024xf32, #tpu.memory_space<vmem>>) dst(%dma_wait3A_182 : memref<40x1024xf32, #tpu.memory_space<hbm>>)
      tpu.yield
    }) : () -> ()
    %dma_start3A_66 = arith.constant 3 : i32
    %dma_start3A_67 = arith.constant 1 : i32
    %dma_start3A_68 = arith.constant 0 : i32
    %dma_start3A_69 = arith.constant 0 : i32
    %dma_start3A_70 = tpu.memref_slice %arg6[%dma_start3A_67, %dma_start3A_68, %dma_start3A_69] : memref<2x40x1024xf32, #tpu.memory_space<vmem>> -> memref<1x40x1024xf32, #tpu.memory_space<vmem>>
    %dma_start3A_71 = tpu.memref_squeeze %dma_start3A_70 : memref<1x40x1024xf32, #tpu.memory_space<vmem>> -> memref<40x1024xf32, #tpu.memory_space<vmem>>
    %dma_start3A_72 = arith.constant 0 : i32
    %dma_start3A_73 = tpu.memref_slice %arg5[%dma_start3A_66, %dma_start3A_72] : memref<6x40xi32, #tpu.memory_space<vmem>> -> memref<1x40xi32, #tpu.memory_space<vmem>>
    %dma_start3A_74 = tpu.memref_squeeze %dma_start3A_73 : memref<1x40xi32, #tpu.memory_space<vmem>> -> memref<40xi32, #tpu.memory_space<vmem>>
    %dma_start3A_75 = arith.constant 0 : i32
    %dma_start3A_76 = arith.constant 0 : i32
    %dma_start3A_77 = tpu.memref_slice %arg3[%dma_start3A_75, %dma_start3A_76] : memref<32864x1024xf32, #tpu.memory_space<hbm>> -> memref<32864x1024xf32, #tpu.memory_space<hbm>>
    tpu.enqueue_indirect_dma source(%dma_start3A_77 : memref<32864x1024xf32, #tpu.memory_space<hbm>>) target(%dma_start3A_71 : memref<40x1024xf32, #tpu.memory_space<vmem>>) offsets(%dma_start3A_74 : memref<40xi32, #tpu.memory_space<vmem>>) semaphore(%arg8 : memref<!tpu.dma_semaphore, #tpu.memory_space<semaphore_mem>>)
    %dma_wait3A_78 = arith.constant 2 : i32
    %dma_wait3A_79 = arith.constant 0 : i32
    %dma_wait3A_80 = arith.constant 0 : i32
    %dma_wait3A_81 = arith.constant 0 : i32
    %dma_wait3A_82 = tpu.memref_slice %arg6[%dma_wait3A_79, %dma_wait3A_80, %dma_wait3A_81] : memref<2x40x1024xf32, #tpu.memory_space<vmem>> -> memref<1x40x1024xf32, #tpu.memory_space<vmem>>
    %dma_wait3A_83 = tpu.memref_squeeze %dma_wait3A_82 : memref<1x40x1024xf32, #tpu.memory_space<vmem>> -> memref<40x1024xf32, #tpu.memory_space<vmem>>
    %dma_wait3A_84 = arith.constant 0 : i32
    %dma_wait3A_85 = tpu.memref_slice %arg5[%dma_wait3A_78, %dma_wait3A_84] : memref<6x40xi32, #tpu.memory_space<vmem>> -> memref<1x40xi32, #tpu.memory_space<vmem>>
    %dma_wait3A_86 = tpu.memref_squeeze %dma_wait3A_85 : memref<1x40xi32, #tpu.memory_space<vmem>> -> memref<40xi32, #tpu.memory_space<vmem>>
    %dma_wait3A_87 = arith.constant 0 : i32
    %dma_wait3A_88 = arith.constant 0 : i32
    %dma_wait3A_89 = tpu.memref_slice %arg3[%dma_wait3A_87, %dma_wait3A_88] : memref<32864x1024xf32, #tpu.memory_space<hbm>> -> memref<32864x1024xf32, #tpu.memory_space<hbm>>
    tpu.wait_indirect_dma semaphore(%arg7 : memref<!tpu.dma_semaphore, #tpu.memory_space<semaphore_mem>>) src(%dma_wait3A_89 : memref<32864x1024xf32, #tpu.memory_space<hbm>>) dst(%dma_wait3A_83 : memref<40x1024xf32, #tpu.memory_space<vmem>>)
    %add3A_90 = arith.constant 80 : i32
    %add3A_91 = arith.addi %mul3A_2, %add3A_90 : i32
    %run_scoped3A_92 = arith.constant 0 : i32
    "tpu.region"() ({
      %run_scoped3A_162 = tpu.sem_alloc : memref<!tpu.dma_semaphore, #tpu.memory_space<semaphore_mem>>
      %dma_start3A_163 = arith.constant 0 : i32
      %dma_start3A_164 = arith.constant 0 : i32
      %dma_start3A_165 = tpu.memref_slice %arg6[%run_scoped3A_92, %dma_start3A_163, %dma_start3A_164] : memref<2x40x1024xf32, #tpu.memory_space<vmem>> -> memref<1x40x1024xf32, #tpu.memory_space<vmem>>
      %dma_start3A_166 = tpu.memref_squeeze %dma_start3A_165 : memref<1x40x1024xf32, #tpu.memory_space<vmem>> -> memref<40x1024xf32, #tpu.memory_space<vmem>>
      %dma_start3A_167 = arith.constant 0 : i32
      %dma_start3A_168 = tpu.memref_slice %arg4[%add3A_91, %dma_start3A_167] : memref<7680x1024xf32, #tpu.memory_space<hbm>> -> memref<40x1024xf32, #tpu.memory_space<hbm>>
      %dma_start3A_169 = arith.constant 0 : i32
      %dma_start3A_170 = tpu.memref_slice %arg4[%add3A_91, %dma_start3A_169] : memref<7680x1024xf32, #tpu.memory_space<hbm>> -> memref<40x1024xf32, #tpu.memory_space<hbm>>
      %dma_start3A_171 = arith.constant 0 : i32
      %dma_start3A_172 = arith.constant 0 : i32
      %dma_start3A_173 = tpu.memref_slice %arg6[%run_scoped3A_92, %dma_start3A_171, %dma_start3A_172] : memref<2x40x1024xf32, #tpu.memory_space<vmem>> -> memref<1x40x1024xf32, #tpu.memory_space<vmem>>
      %dma_start3A_174 = tpu.memref_squeeze %dma_start3A_173 : memref<1x40x1024xf32, #tpu.memory_space<vmem>> -> memref<40x1024xf32, #tpu.memory_space<vmem>>
      tpu.enqueue_dma source(%dma_start3A_174 : memref<40x1024xf32, #tpu.memory_space<vmem>>) target(%dma_start3A_170 : memref<40x1024xf32, #tpu.memory_space<hbm>>) target_semaphore(%run_scoped3A_162 : memref<!tpu.dma_semaphore, #tpu.memory_space<semaphore_mem>>)
      %dma_wait3A_175 = arith.constant 0 : i32
      %dma_wait3A_176 = arith.constant 0 : i32
      %dma_wait3A_177 = tpu.memref_slice %arg6[%run_scoped3A_92, %dma_wait3A_175, %dma_wait3A_176] : memref<2x40x1024xf32, #tpu.memory_space<vmem>> -> memref<1x40x1024xf32, #tpu.memory_space<vmem>>
      %dma_wait3A_178 = tpu.memref_squeeze %dma_wait3A_177 : memref<1x40x1024xf32, #tpu.memory_space<vmem>> -> memref<40x1024xf32, #tpu.memory_space<vmem>>
      %dma_wait3A_179 = arith.constant 0 : i32
      %dma_wait3A_180 = tpu.memref_slice %arg4[%add3A_91, %dma_wait3A_179] : memref<7680x1024xf32, #tpu.memory_space<hbm>> -> memref<40x1024xf32, #tpu.memory_space<hbm>>
      %dma_wait3A_181 = arith.constant 0 : i32
      %dma_wait3A_182 = tpu.memref_slice %arg4[%add3A_91, %dma_wait3A_181] : memref<7680x1024xf32, #tpu.memory_space<hbm>> -> memref<40x1024xf32, #tpu.memory_space<hbm>>
      %dma_wait3A_183 = arith.constant 0 : i32
      %dma_wait3A_184 = arith.constant 0 : i32
      %dma_wait3A_185 = tpu.memref_slice %arg6[%run_scoped3A_92, %dma_wait3A_183, %dma_wait3A_184] : memref<2x40x1024xf32, #tpu.memory_space<vmem>> -> memref<1x40x1024xf32, #tpu.memory_space<vmem>>
      %dma_wait3A_186 = tpu.memref_squeeze %dma_wait3A_185 : memref<1x40x1024xf32, #tpu.memory_space<vmem>> -> memref<40x1024xf32, #tpu.memory_space<vmem>>
      tpu.wait_dma2 semaphore(%run_scoped3A_162 : memref<!tpu.dma_semaphore, #tpu.memory_space<semaphore_mem>>) src(%dma_wait3A_186 : memref<40x1024xf32, #tpu.memory_space<vmem>>) dst(%dma_wait3A_182 : memref<40x1024xf32, #tpu.memory_space<hbm>>)
      tpu.yield
    }) : () -> ()
    %dma_start3A_93 = arith.constant 4 : i32
    %dma_start3A_94 = arith.constant 0 : i32
    %dma_start3A_95 = arith.constant 0 : i32
    %dma_start3A_96 = arith.constant 0 : i32
    %dma_start3A_97 = tpu.memref_slice %arg6[%dma_start3A_94, %dma_start3A_95, %dma_start3A_96] : memref<2x40x1024xf32, #tpu.memory_space<vmem>> -> memref<1x40x1024xf32, #tpu.memory_space<vmem>>
    %dma_start3A_98 = tpu.memref_squeeze %dma_start3A_97 : memref<1x40x1024xf32, #tpu.memory_space<vmem>> -> memref<40x1024xf32, #tpu.memory_space<vmem>>
    %dma_start3A_99 = arith.constant 0 : i32
    %dma_start3A_100 = tpu.memref_slice %arg5[%dma_start3A_93, %dma_start3A_99] : memref<6x40xi32, #tpu.memory_space<vmem>> -> memref<1x40xi32, #tpu.memory_space<vmem>>
    %dma_start3A_101 = tpu.memref_squeeze %dma_start3A_100 : memref<1x40xi32, #tpu.memory_space<vmem>> -> memref<40xi32, #tpu.memory_space<vmem>>
    %dma_start3A_102 = arith.constant 0 : i32
    %dma_start3A_103 = arith.constant 0 : i32
    %dma_start3A_104 = tpu.memref_slice %arg3[%dma_start3A_102, %dma_start3A_103] : memref<32864x1024xf32, #tpu.memory_space<hbm>> -> memref<32864x1024xf32, #tpu.memory_space<hbm>>
    tpu.enqueue_indirect_dma source(%dma_start3A_104 : memref<32864x1024xf32, #tpu.memory_space<hbm>>) target(%dma_start3A_98 : memref<40x1024xf32, #tpu.memory_space<vmem>>) offsets(%dma_start3A_101 : memref<40xi32, #tpu.memory_space<vmem>>) semaphore(%arg7 : memref<!tpu.dma_semaphore, #tpu.memory_space<semaphore_mem>>)
    %dma_wait3A_105 = arith.constant 3 : i32
    %dma_wait3A_106 = arith.constant 1 : i32
    %dma_wait3A_107 = arith.constant 0 : i32
    %dma_wait3A_108 = arith.constant 0 : i32
    %dma_wait3A_109 = tpu.memref_slice %arg6[%dma_wait3A_106, %dma_wait3A_107, %dma_wait3A_108] : memref<2x40x1024xf32, #tpu.memory_space<vmem>> -> memref<1x40x1024xf32, #tpu.memory_space<vmem>>
    %dma_wait3A_110 = tpu.memref_squeeze %dma_wait3A_109 : memref<1x40x1024xf32, #tpu.memory_space<vmem>> -> memref<40x1024xf32, #tpu.memory_space<vmem>>
    %dma_wait3A_111 = arith.constant 0 : i32
    %dma_wait3A_112 = tpu.memref_slice %arg5[%dma_wait3A_105, %dma_wait3A_111] : memref<6x40xi32, #tpu.memory_space<vmem>> -> memref<1x40xi32, #tpu.memory_space<vmem>>
    %dma_wait3A_113 = tpu.memref_squeeze %dma_wait3A_112 : memref<1x40xi32, #tpu.memory_space<vmem>> -> memref<40xi32, #tpu.memory_space<vmem>>
    %dma_wait3A_114 = arith.constant 0 : i32
    %dma_wait3A_115 = arith.constant 0 : i32
    %dma_wait3A_116 = tpu.memref_slice %arg3[%dma_wait3A_114, %dma_wait3A_115] : memref<32864x1024xf32, #tpu.memory_space<hbm>> -> memref<32864x1024xf32, #tpu.memory_space<hbm>>
    tpu.wait_indirect_dma semaphore(%arg8 : memref<!tpu.dma_semaphore, #tpu.memory_space<semaphore_mem>>) src(%dma_wait3A_116 : memref<32864x1024xf32, #tpu.memory_space<hbm>>) dst(%dma_wait3A_110 : memref<40x1024xf32, #tpu.memory_space<vmem>>)
    %add3A_117 = arith.constant 120 : i32
    %add3A_118 = arith.addi %mul3A_2, %add3A_117 : i32
    %run_scoped3A_119 = arith.constant 1 : i32
    "tpu.region"() ({
      %run_scoped3A_162 = tpu.sem_alloc : memref<!tpu.dma_semaphore, #tpu.memory_space<semaphore_mem>>
      %dma_start3A_163 = arith.constant 0 : i32
      %dma_start3A_164 = arith.constant 0 : i32
      %dma_start3A_165 = tpu.memref_slice %arg6[%run_scoped3A_119, %dma_start3A_163, %dma_start3A_164] : memref<2x40x1024xf32, #tpu.memory_space<vmem>> -> memref<1x40x1024xf32, #tpu.memory_space<vmem>>
      %dma_start3A_166 = tpu.memref_squeeze %dma_start3A_165 : memref<1x40x1024xf32, #tpu.memory_space<vmem>> -> memref<40x1024xf32, #tpu.memory_space<vmem>>
      %dma_start3A_167 = arith.constant 0 : i32
      %dma_start3A_168 = tpu.memref_slice %arg4[%add3A_118, %dma_start3A_167] : memref<7680x1024xf32, #tpu.memory_space<hbm>> -> memref<40x1024xf32, #tpu.memory_space<hbm>>
      %dma_start3A_169 = arith.constant 0 : i32
      %dma_start3A_170 = tpu.memref_slice %arg4[%add3A_118, %dma_start3A_169] : memref<7680x1024xf32, #tpu.memory_space<hbm>> -> memref<40x1024xf32, #tpu.memory_space<hbm>>
      %dma_start3A_171 = arith.constant 0 : i32
      %dma_start3A_172 = arith.constant 0 : i32
      %dma_start3A_173 = tpu.memref_slice %arg6[%run_scoped3A_119, %dma_start3A_171, %dma_start3A_172] : memref<2x40x1024xf32, #tpu.memory_space<vmem>> -> memref<1x40x1024xf32, #tpu.memory_space<vmem>>
      %dma_start3A_174 = tpu.memref_squeeze %dma_start3A_173 : memref<1x40x1024xf32, #tpu.memory_space<vmem>> -> memref<40x1024xf32, #tpu.memory_space<vmem>>
      tpu.enqueue_dma source(%dma_start3A_174 : memref<40x1024xf32, #tpu.memory_space<vmem>>) target(%dma_start3A_170 : memref<40x1024xf32, #tpu.memory_space<hbm>>) target_semaphore(%run_scoped3A_162 : memref<!tpu.dma_semaphore, #tpu.memory_space<semaphore_mem>>)
      %dma_wait3A_175 = arith.constant 0 : i32
      %dma_wait3A_176 = arith.constant 0 : i32
      %dma_wait3A_177 = tpu.memref_slice %arg6[%run_scoped3A_119, %dma_wait3A_175, %dma_wait3A_176] : memref<2x40x1024xf32, #tpu.memory_space<vmem>> -> memref<1x40x1024xf32, #tpu.memory_space<vmem>>
      %dma_wait3A_178 = tpu.memref_squeeze %dma_wait3A_177 : memref<1x40x1024xf32, #tpu.memory_space<vmem>> -> memref<40x1024xf32, #tpu.memory_space<vmem>>
      %dma_wait3A_179 = arith.constant 0 : i32
      %dma_wait3A_180 = tpu.memref_slice %arg4[%add3A_118, %dma_wait3A_179] : memref<7680x1024xf32, #tpu.memory_space<hbm>> -> memref<40x1024xf32, #tpu.memory_space<hbm>>
      %dma_wait3A_181 = arith.constant 0 : i32
      %dma_wait3A_182 = tpu.memref_slice %arg4[%add3A_118, %dma_wait3A_181] : memref<7680x1024xf32, #tpu.memory_space<hbm>> -> memref<40x1024xf32, #tpu.memory_space<hbm>>
      %dma_wait3A_183 = arith.constant 0 : i32
      %dma_wait3A_184 = arith.constant 0 : i32
      %dma_wait3A_185 = tpu.memref_slice %arg6[%run_scoped3A_119, %dma_wait3A_183, %dma_wait3A_184] : memref<2x40x1024xf32, #tpu.memory_space<vmem>> -> memref<1x40x1024xf32, #tpu.memory_space<vmem>>
      %dma_wait3A_186 = tpu.memref_squeeze %dma_wait3A_185 : memref<1x40x1024xf32, #tpu.memory_space<vmem>> -> memref<40x1024xf32, #tpu.memory_space<vmem>>
      tpu.wait_dma2 semaphore(%run_scoped3A_162 : memref<!tpu.dma_semaphore, #tpu.memory_space<semaphore_mem>>) src(%dma_wait3A_186 : memref<40x1024xf32, #tpu.memory_space<vmem>>) dst(%dma_wait3A_182 : memref<40x1024xf32, #tpu.memory_space<hbm>>)
      tpu.yield
    }) : () -> ()
    %dma_start3A_120 = arith.constant 5 : i32
    %dma_start3A_121 = arith.constant 1 : i32
    %dma_start3A_122 = arith.constant 0 : i32
    %dma_start3A_123 = arith.constant 0 : i32
    %dma_start3A_124 = tpu.memref_slice %arg6[%dma_start3A_121, %dma_start3A_122, %dma_start3A_123] : memref<2x40x1024xf32, #tpu.memory_space<vmem>> -> memref<1x40x1024xf32, #tpu.memory_space<vmem>>
    %dma_start3A_125 = tpu.memref_squeeze %dma_start3A_124 : memref<1x40x1024xf32, #tpu.memory_space<vmem>> -> memref<40x1024xf32, #tpu.memory_space<vmem>>
    %dma_start3A_126 = arith.constant 0 : i32
    %dma_start3A_127 = tpu.memref_slice %arg5[%dma_start3A_120, %dma_start3A_126] : memref<6x40xi32, #tpu.memory_space<vmem>> -> memref<1x40xi32, #tpu.memory_space<vmem>>
    %dma_start3A_128 = tpu.memref_squeeze %dma_start3A_127 : memref<1x40xi32, #tpu.memory_space<vmem>> -> memref<40xi32, #tpu.memory_space<vmem>>
    %dma_start3A_129 = arith.constant 0 : i32
    %dma_start3A_130 = arith.constant 0 : i32
    %dma_start3A_131 = tpu.memref_slice %arg3[%dma_start3A_129, %dma_start3A_130] : memref<32864x1024xf32, #tpu.memory_space<hbm>> -> memref<32864x1024xf32, #tpu.memory_space<hbm>>
    tpu.enqueue_indirect_dma source(%dma_start3A_131 : memref<32864x1024xf32, #tpu.memory_space<hbm>>) target(%dma_start3A_125 : memref<40x1024xf32, #tpu.memory_space<vmem>>) offsets(%dma_start3A_128 : memref<40xi32, #tpu.memory_space<vmem>>) semaphore(%arg8 : memref<!tpu.dma_semaphore, #tpu.memory_space<semaphore_mem>>)
    %dma_wait3A_132 = arith.constant 4 : i32
    %dma_wait3A_133 = arith.constant 0 : i32
    %dma_wait3A_134 = arith.constant 0 : i32
    %dma_wait3A_135 = arith.constant 0 : i32
    %dma_wait3A_136 = tpu.memref_slice %arg6[%dma_wait3A_133, %dma_wait3A_134, %dma_wait3A_135] : memref<2x40x1024xf32, #tpu.memory_space<vmem>> -> memref<1x40x1024xf32, #tpu.memory_space<vmem>>
    %dma_wait3A_137 = tpu.memref_squeeze %dma_wait3A_136 : memref<1x40x1024xf32, #tpu.memory_space<vmem>> -> memref<40x1024xf32, #tpu.memory_space<vmem>>
    %dma_wait3A_138 = arith.constant 0 : i32
    %dma_wait3A_139 = tpu.memref_slice %arg5[%dma_wait3A_132, %dma_wait3A_138] : memref<6x40xi32, #tpu.memory_space<vmem>> -> memref<1x40xi32, #tpu.memory_space<vmem>>
    %dma_wait3A_140 = tpu.memref_squeeze %dma_wait3A_139 : memref<1x40xi32, #tpu.memory_space<vmem>> -> memref<40xi32, #tpu.memory_space<vmem>>
    %dma_wait3A_141 = arith.constant 0 : i32
    %dma_wait3A_142 = arith.constant 0 : i32
    %dma_wait3A_143 = tpu.memref_slice %arg3[%dma_wait3A_141, %dma_wait3A_142] : memref<32864x1024xf32, #tpu.memory_space<hbm>> -> memref<32864x1024xf32, #tpu.memory_space<hbm>>
    tpu.wait_indirect_dma semaphore(%arg7 : memref<!tpu.dma_semaphore, #tpu.memory_space<semaphore_mem>>) src(%dma_wait3A_143 : memref<32864x1024xf32, #tpu.memory_space<hbm>>) dst(%dma_wait3A_137 : memref<40x1024xf32, #tpu.memory_space<vmem>>)
    %add3A_144 = arith.constant 160 : i32
    %add3A_145 = arith.addi %mul3A_2, %add3A_144 : i32
    %run_scoped3A_146 = arith.constant 0 : i32
    "tpu.region"() ({
      %run_scoped3A_162 = tpu.sem_alloc : memref<!tpu.dma_semaphore, #tpu.memory_space<semaphore_mem>>
      %dma_start3A_163 = arith.constant 0 : i32
      %dma_start3A_164 = arith.constant 0 : i32
      %dma_start3A_165 = tpu.memref_slice %arg6[%run_scoped3A_146, %dma_start3A_163, %dma_start3A_164] : memref<2x40x1024xf32, #tpu.memory_space<vmem>> -> memref<1x40x1024xf32, #tpu.memory_space<vmem>>
      %dma_start3A_166 = tpu.memref_squeeze %dma_start3A_165 : memref<1x40x1024xf32, #tpu.memory_space<vmem>> -> memref<40x1024xf32, #tpu.memory_space<vmem>>
      %dma_start3A_167 = arith.constant 0 : i32
      %dma_start3A_168 = tpu.memref_slice %arg4[%add3A_145, %dma_start3A_167] : memref<7680x1024xf32, #tpu.memory_space<hbm>> -> memref<40x1024xf32, #tpu.memory_space<hbm>>
      %dma_start3A_169 = arith.constant 0 : i32
      %dma_start3A_170 = tpu.memref_slice %arg4[%add3A_145, %dma_start3A_169] : memref<7680x1024xf32, #tpu.memory_space<hbm>> -> memref<40x1024xf32, #tpu.memory_space<hbm>>
      %dma_start3A_171 = arith.constant 0 : i32
      %dma_start3A_172 = arith.constant 0 : i32
      %dma_start3A_173 = tpu.memref_slice %arg6[%run_scoped3A_146, %dma_start3A_171, %dma_start3A_172] : memref<2x40x1024xf32, #tpu.memory_space<vmem>> -> memref<1x40x1024xf32, #tpu.memory_space<vmem>>
      %dma_start3A_174 = tpu.memref_squeeze %dma_start3A_173 : memref<1x40x1024xf32, #tpu.memory_space<vmem>> -> memref<40x1024xf32, #tpu.memory_space<vmem>>
      tpu.enqueue_dma source(%dma_start3A_174 : memref<40x1024xf32, #tpu.memory_space<vmem>>) target(%dma_start3A_170 : memref<40x1024xf32, #tpu.memory_space<hbm>>) target_semaphore(%run_scoped3A_162 : memref<!tpu.dma_semaphore, #tpu.memory_space<semaphore_mem>>)
      %dma_wait3A_175 = arith.constant 0 : i32
      %dma_wait3A_176 = arith.constant 0 : i32
      %dma_wait3A_177 = tpu.memref_slice %arg6[%run_scoped3A_146, %dma_wait3A_175, %dma_wait3A_176] : memref<2x40x1024xf32, #tpu.memory_space<vmem>> -> memref<1x40x1024xf32, #tpu.memory_space<vmem>>
      %dma_wait3A_178 = tpu.memref_squeeze %dma_wait3A_177 : memref<1x40x1024xf32, #tpu.memory_space<vmem>> -> memref<40x1024xf32, #tpu.memory_space<vmem>>
      %dma_wait3A_179 = arith.constant 0 : i32
      %dma_wait3A_180 = tpu.memref_slice %arg4[%add3A_145, %dma_wait3A_179] : memref<7680x1024xf32, #tpu.memory_space<hbm>> -> memref<40x1024xf32, #tpu.memory_space<hbm>>
      %dma_wait3A_181 = arith.constant 0 : i32
      %dma_wait3A_182 = tpu.memref_slice %arg4[%add3A_145, %dma_wait3A_181] : memref<7680x1024xf32, #tpu.memory_space<hbm>> -> memref<40x1024xf32, #tpu.memory_space<hbm>>
      %dma_wait3A_183 = arith.constant 0 : i32
      %dma_wait3A_184 = arith.constant 0 : i32
      %dma_wait3A_185 = tpu.memref_slice %arg6[%run_scoped3A_146, %dma_wait3A_183, %dma_wait3A_184] : memref<2x40x1024xf32, #tpu.memory_space<vmem>> -> memref<1x40x1024xf32, #tpu.memory_space<vmem>>
      %dma_wait3A_186 = tpu.memref_squeeze %dma_wait3A_185 : memref<1x40x1024xf32, #tpu.memory_space<vmem>> -> memref<40x1024xf32, #tpu.memory_space<vmem>>
      tpu.wait_dma2 semaphore(%run_scoped3A_162 : memref<!tpu.dma_semaphore, #tpu.memory_space<semaphore_mem>>) src(%dma_wait3A_186 : memref<40x1024xf32, #tpu.memory_space<vmem>>) dst(%dma_wait3A_182 : memref<40x1024xf32, #tpu.memory_space<hbm>>)
      tpu.yield
    }) : () -> ()
    %dma_wait3A_147 = arith.constant 5 : i32
    %dma_wait3A_148 = arith.constant 1 : i32
    %dma_wait3A_149 = arith.constant 0 : i32
    %dma_wait3A_150 = arith.constant 0 : i32
    %dma_wait3A_151 = tpu.memref_slice %arg6[%dma_wait3A_148, %dma_wait3A_149, %dma_wait3A_150] : memref<2x40x1024xf32, #tpu.memory_space<vmem>> -> memref<1x40x1024xf32, #tpu.memory_space<vmem>>
    %dma_wait3A_152 = tpu.memref_squeeze %dma_wait3A_151 : memref<1x40x1024xf32, #tpu.memory_space<vmem>> -> memref<40x1024xf32, #tpu.memory_space<vmem>>
    %dma_wait3A_153 = arith.constant 0 : i32
    %dma_wait3A_154 = tpu.memref_slice %arg5[%dma_wait3A_147, %dma_wait3A_153] : memref<6x40xi32, #tpu.memory_space<vmem>> -> memref<1x40xi32, #tpu.memory_space<vmem>>
    %dma_wait3A_155 = tpu.memref_squeeze %dma_wait3A_154 : memref<1x40xi32, #tpu.memory_space<vmem>> -> memref<40xi32, #tpu.memory_space<vmem>>
    %dma_wait3A_156 = arith.constant 0 : i32
    %dma_wait3A_157 = arith.constant 0 : i32
    %dma_wait3A_158 = tpu.memref_slice %arg3[%dma_wait3A_156, %dma_wait3A_157] : memref<32864x1024xf32, #tpu.memory_space<hbm>> -> memref<32864x1024xf32, #tpu.memory_space<hbm>>
    tpu.wait_indirect_dma semaphore(%arg8 : memref<!tpu.dma_semaphore, #tpu.memory_space<semaphore_mem>>) src(%dma_wait3A_158 : memref<32864x1024xf32, #tpu.memory_space<hbm>>) dst(%dma_wait3A_152 : memref<40x1024xf32, #tpu.memory_space<vmem>>)
    %add3A_159 = arith.constant 200 : i32
    %add3A_160 = arith.addi %mul3A_2, %add3A_159 : i32
    %run_scoped3A_161 = arith.constant 1 : i32
    "tpu.region"() ({
      %run_scoped3A_162 = tpu.sem_alloc : memref<!tpu.dma_semaphore, #tpu.memory_space<semaphore_mem>>
      %dma_start3A_163 = arith.constant 0 : i32
      %dma_start3A_164 = arith.constant 0 : i32
      %dma_start3A_165 = tpu.memref_slice %arg6[%run_scoped3A_161, %dma_start3A_163, %dma_start3A_164] : memref<2x40x1024xf32, #tpu.memory_space<vmem>> -> memref<1x40x1024xf32, #tpu.memory_space<vmem>>
      %dma_start3A_166 = tpu.memref_squeeze %dma_start3A_165 : memref<1x40x1024xf32, #tpu.memory_space<vmem>> -> memref<40x1024xf32, #tpu.memory_space<vmem>>
      %dma_start3A_167 = arith.constant 0 : i32
      %dma_start3A_168 = tpu.memref_slice %arg4[%add3A_160, %dma_start3A_167] : memref<7680x1024xf32, #tpu.memory_space<hbm>> -> memref<40x1024xf32, #tpu.memory_space<hbm>>
      %dma_start3A_169 = arith.constant 0 : i32
      %dma_start3A_170 = tpu.memref_slice %arg4[%add3A_160, %dma_start3A_169] : memref<7680x1024xf32, #tpu.memory_space<hbm>> -> memref<40x1024xf32, #tpu.memory_space<hbm>>
      %dma_start3A_171 = arith.constant 0 : i32
      %dma_start3A_172 = arith.constant 0 : i32
      %dma_start3A_173 = tpu.memref_slice %arg6[%run_scoped3A_161, %dma_start3A_171, %dma_start3A_172] : memref<2x40x1024xf32, #tpu.memory_space<vmem>> -> memref<1x40x1024xf32, #tpu.memory_space<vmem>>
      %dma_start3A_174 = tpu.memref_squeeze %dma_start3A_173 : memref<1x40x1024xf32, #tpu.memory_space<vmem>> -> memref<40x1024xf32, #tpu.memory_space<vmem>>
      tpu.enqueue_dma source(%dma_start3A_174 : memref<40x1024xf32, #tpu.memory_space<vmem>>) target(%dma_start3A_170 : memref<40x1024xf32, #tpu.memory_space<hbm>>) target_semaphore(%run_scoped3A_162 : memref<!tpu.dma_semaphore, #tpu.memory_space<semaphore_mem>>)
      %dma_wait3A_175 = arith.constant 0 : i32
      %dma_wait3A_176 = arith.constant 0 : i32
      %dma_wait3A_177 = tpu.memref_slice %arg6[%run_scoped3A_161, %dma_wait3A_175, %dma_wait3A_176] : memref<2x40x1024xf32, #tpu.memory_space<vmem>> -> memref<1x40x1024xf32, #tpu.memory_space<vmem>>
      %dma_wait3A_178 = tpu.memref_squeeze %dma_wait3A_177 : memref<1x40x1024xf32, #tpu.memory_space<vmem>> -> memref<40x1024xf32, #tpu.memory_space<vmem>>
      %dma_wait3A_179 = arith.constant 0 : i32
      %dma_wait3A_180 = tpu.memref_slice %arg4[%add3A_160, %dma_wait3A_179] : memref<7680x1024xf32, #tpu.memory_space<hbm>> -> memref<40x1024xf32, #tpu.memory_space<hbm>>
      %dma_wait3A_181 = arith.constant 0 : i32
      %dma_wait3A_182 = tpu.memref_slice %arg4[%add3A_160, %dma_wait3A_181] : memref<7680x1024xf32, #tpu.memory_space<hbm>> -> memref<40x1024xf32, #tpu.memory_space<hbm>>
      %dma_wait3A_183 = arith.constant 0 : i32
      %dma_wait3A_184 = arith.constant 0 : i32
      %dma_wait3A_185 = tpu.memref_slice %arg6[%run_scoped3A_161, %dma_wait3A_183, %dma_wait3A_184] : memref<2x40x1024xf32, #tpu.memory_space<vmem>> -> memref<1x40x1024xf32, #tpu.memory_space<vmem>>
      %dma_wait3A_186 = tpu.memref_squeeze %dma_wait3A_185 : memref<1x40x1024xf32, #tpu.memory_space<vmem>> -> memref<40x1024xf32, #tpu.memory_space<vmem>>
      tpu.wait_dma2 semaphore(%run_scoped3A_162 : memref<!tpu.dma_semaphore, #tpu.memory_space<semaphore_mem>>) src(%dma_wait3A_186 : memref<40x1024xf32, #tpu.memory_space<vmem>>) dst(%dma_wait3A_182 : memref<40x1024xf32, #tpu.memory_space<hbm>>)
      tpu.yield
    }) : () -> ()
    return
  }
}

#map = affine_map<(d0, d1) -> (0, 0, 0)>
#map1 = affine_map<(d0, d1) -> (0, 0)>
module attributes {stable_mosaic.version = 14 : i64} {
  func.func @sc_gather(%arg0: i32, %arg1: i32, %arg2: memref<32x2x40xi32, #tpu.memory_space<hbm>>, %arg3: memref<32864x1024xf32, #tpu.memory_space<hbm>>, %arg4: memref<2560x1024xf32, #tpu.memory_space<hbm>>, %arg5: memref<2x40xi32, #tpu.memory_space<vmem>>, %arg6: memref<2x40x1024xf32, #tpu.memory_space<vmem>>, %arg7: memref<!tpu.dma_semaphore, #tpu.memory_space<semaphore_mem>>, %arg8: memref<!tpu.dma_semaphore, #tpu.memory_space<semaphore_mem>>) attributes {dimension_semantics = [#tpu.dimension_semantics<core_parallel>, #tpu.dimension_semantics<subcore_parallel>], iteration_bounds = array<i64: 2, 16>, scalar_prefetch = 0 : i64, scratch_operands = 4 : i64, tpu.core_type = #tpu.core_type<sc_vector_subcore>, window_params = [{transform_indices = #map}, {transform_indices = #map1}, {transform_indices = #map1}]} {
    %mul3A = arith.constant 2 : i32
    %mul3A_0 = arith.muli %arg1, %mul3A : i32
    %add3A = arith.addi %mul3A_0, %arg0 : i32
    %mul3A_1 = arith.constant 80 : i32
    %mul3A_2 = arith.muli %add3A, %mul3A_1 : i32
    "tpu.region"() ({
      %run_scoped3A_54 = tpu.sem_alloc : memref<!tpu.dma_semaphore, #tpu.memory_space<semaphore_mem>>
      %dma_start3A_55 = arith.constant 0 : i32
      %dma_start3A_56 = arith.constant 0 : i32
      %dma_start3A_57 = tpu.memref_slice %arg2[%add3A, %dma_start3A_55, %dma_start3A_56] : memref<32x2x40xi32, #tpu.memory_space<hbm>> -> memref<1x2x40xi32, #tpu.memory_space<hbm>>
      %dma_start3A_58 = tpu.memref_squeeze %dma_start3A_57 : memref<1x2x40xi32, #tpu.memory_space<hbm>> -> memref<2x40xi32, #tpu.memory_space<hbm>>
      %dma_start3A_59 = arith.constant 0 : i32
      %dma_start3A_60 = arith.constant 0 : i32
      %dma_start3A_61 = tpu.memref_slice %arg2[%add3A, %dma_start3A_59, %dma_start3A_60] : memref<32x2x40xi32, #tpu.memory_space<hbm>> -> memref<1x2x40xi32, #tpu.memory_space<hbm>>
      %dma_start3A_62 = tpu.memref_squeeze %dma_start3A_61 : memref<1x2x40xi32, #tpu.memory_space<hbm>> -> memref<2x40xi32, #tpu.memory_space<hbm>>
      tpu.enqueue_dma source(%dma_start3A_62 : memref<2x40xi32, #tpu.memory_space<hbm>>) target(%arg5 : memref<2x40xi32, #tpu.memory_space<vmem>>) target_semaphore(%run_scoped3A_54 : memref<!tpu.dma_semaphore, #tpu.memory_space<semaphore_mem>>)
      %dma_wait3A_63 = arith.constant 0 : i32
      %dma_wait3A_64 = arith.constant 0 : i32
      %dma_wait3A_65 = tpu.memref_slice %arg2[%add3A, %dma_wait3A_63, %dma_wait3A_64] : memref<32x2x40xi32, #tpu.memory_space<hbm>> -> memref<1x2x40xi32, #tpu.memory_space<hbm>>
      %dma_wait3A_66 = tpu.memref_squeeze %dma_wait3A_65 : memref<1x2x40xi32, #tpu.memory_space<hbm>> -> memref<2x40xi32, #tpu.memory_space<hbm>>
      %dma_wait3A_67 = arith.constant 0 : i32
      %dma_wait3A_68 = arith.constant 0 : i32
      %dma_wait3A_69 = tpu.memref_slice %arg2[%add3A, %dma_wait3A_67, %dma_wait3A_68] : memref<32x2x40xi32, #tpu.memory_space<hbm>> -> memref<1x2x40xi32, #tpu.memory_space<hbm>>
      %dma_wait3A_70 = tpu.memref_squeeze %dma_wait3A_69 : memref<1x2x40xi32, #tpu.memory_space<hbm>> -> memref<2x40xi32, #tpu.memory_space<hbm>>
      tpu.wait_dma2 semaphore(%run_scoped3A_54 : memref<!tpu.dma_semaphore, #tpu.memory_space<semaphore_mem>>) src(%dma_wait3A_70 : memref<2x40xi32, #tpu.memory_space<hbm>>) dst(%arg5 : memref<2x40xi32, #tpu.memory_space<vmem>>)
      tpu.yield
    }) : () -> ()
    %dma_start3A = arith.constant 0 : i32
    %dma_start3A_3 = arith.constant 0 : i32
    %dma_start3A_4 = arith.constant 0 : i32
    %dma_start3A_5 = arith.constant 0 : i32
    %dma_start3A_6 = tpu.memref_slice %arg6[%dma_start3A_3, %dma_start3A_4, %dma_start3A_5] : memref<2x40x1024xf32, #tpu.memory_space<vmem>> -> memref<1x40x1024xf32, #tpu.memory_space<vmem>>
    %dma_start3A_7 = tpu.memref_squeeze %dma_start3A_6 : memref<1x40x1024xf32, #tpu.memory_space<vmem>> -> memref<40x1024xf32, #tpu.memory_space<vmem>>
    %dma_start3A_8 = arith.constant 0 : i32
    %dma_start3A_9 = tpu.memref_slice %arg5[%dma_start3A, %dma_start3A_8] : memref<2x40xi32, #tpu.memory_space<vmem>> -> memref<1x40xi32, #tpu.memory_space<vmem>>
    %dma_start3A_10 = tpu.memref_squeeze %dma_start3A_9 : memref<1x40xi32, #tpu.memory_space<vmem>> -> memref<40xi32, #tpu.memory_space<vmem>>
    %dma_start3A_11 = arith.constant 0 : i32
    %dma_start3A_12 = arith.constant 0 : i32
    %dma_start3A_13 = tpu.memref_slice %arg3[%dma_start3A_11, %dma_start3A_12] : memref<32864x1024xf32, #tpu.memory_space<hbm>> -> memref<32864x1024xf32, #tpu.memory_space<hbm>>
    tpu.enqueue_indirect_dma source(%dma_start3A_13 : memref<32864x1024xf32, #tpu.memory_space<hbm>>) target(%dma_start3A_7 : memref<40x1024xf32, #tpu.memory_space<vmem>>) offsets(%dma_start3A_10 : memref<40xi32, #tpu.memory_space<vmem>>) semaphore(%arg7 : memref<!tpu.dma_semaphore, #tpu.memory_space<semaphore_mem>>)
    %dma_start3A_14 = arith.constant 1 : i32
    %dma_start3A_15 = arith.constant 1 : i32
    %dma_start3A_16 = arith.constant 0 : i32
    %dma_start3A_17 = arith.constant 0 : i32
    %dma_start3A_18 = tpu.memref_slice %arg6[%dma_start3A_15, %dma_start3A_16, %dma_start3A_17] : memref<2x40x1024xf32, #tpu.memory_space<vmem>> -> memref<1x40x1024xf32, #tpu.memory_space<vmem>>
    %dma_start3A_19 = tpu.memref_squeeze %dma_start3A_18 : memref<1x40x1024xf32, #tpu.memory_space<vmem>> -> memref<40x1024xf32, #tpu.memory_space<vmem>>
    %dma_start3A_20 = arith.constant 0 : i32
    %dma_start3A_21 = tpu.memref_slice %arg5[%dma_start3A_14, %dma_start3A_20] : memref<2x40xi32, #tpu.memory_space<vmem>> -> memref<1x40xi32, #tpu.memory_space<vmem>>
    %dma_start3A_22 = tpu.memref_squeeze %dma_start3A_21 : memref<1x40xi32, #tpu.memory_space<vmem>> -> memref<40xi32, #tpu.memory_space<vmem>>
    %dma_start3A_23 = arith.constant 0 : i32
    %dma_start3A_24 = arith.constant 0 : i32
    %dma_start3A_25 = tpu.memref_slice %arg3[%dma_start3A_23, %dma_start3A_24] : memref<32864x1024xf32, #tpu.memory_space<hbm>> -> memref<32864x1024xf32, #tpu.memory_space<hbm>>
    tpu.enqueue_indirect_dma source(%dma_start3A_25 : memref<32864x1024xf32, #tpu.memory_space<hbm>>) target(%dma_start3A_19 : memref<40x1024xf32, #tpu.memory_space<vmem>>) offsets(%dma_start3A_22 : memref<40xi32, #tpu.memory_space<vmem>>) semaphore(%arg8 : memref<!tpu.dma_semaphore, #tpu.memory_space<semaphore_mem>>)
    %dma_wait3A = arith.constant 0 : i32
    %dma_wait3A_26 = arith.constant 0 : i32
    %dma_wait3A_27 = arith.constant 0 : i32
    %dma_wait3A_28 = arith.constant 0 : i32
    %dma_wait3A_29 = tpu.memref_slice %arg6[%dma_wait3A_26, %dma_wait3A_27, %dma_wait3A_28] : memref<2x40x1024xf32, #tpu.memory_space<vmem>> -> memref<1x40x1024xf32, #tpu.memory_space<vmem>>
    %dma_wait3A_30 = tpu.memref_squeeze %dma_wait3A_29 : memref<1x40x1024xf32, #tpu.memory_space<vmem>> -> memref<40x1024xf32, #tpu.memory_space<vmem>>
    %dma_wait3A_31 = arith.constant 0 : i32
    %dma_wait3A_32 = tpu.memref_slice %arg5[%dma_wait3A, %dma_wait3A_31] : memref<2x40xi32, #tpu.memory_space<vmem>> -> memref<1x40xi32, #tpu.memory_space<vmem>>
    %dma_wait3A_33 = tpu.memref_squeeze %dma_wait3A_32 : memref<1x40xi32, #tpu.memory_space<vmem>> -> memref<40xi32, #tpu.memory_space<vmem>>
    %dma_wait3A_34 = arith.constant 0 : i32
    %dma_wait3A_35 = arith.constant 0 : i32
    %dma_wait3A_36 = tpu.memref_slice %arg3[%dma_wait3A_34, %dma_wait3A_35] : memref<32864x1024xf32, #tpu.memory_space<hbm>> -> memref<32864x1024xf32, #tpu.memory_space<hbm>>
    tpu.wait_indirect_dma semaphore(%arg7 : memref<!tpu.dma_semaphore, #tpu.memory_space<semaphore_mem>>) src(%dma_wait3A_36 : memref<32864x1024xf32, #tpu.memory_space<hbm>>) dst(%dma_wait3A_30 : memref<40x1024xf32, #tpu.memory_space<vmem>>)
    %add3A_37 = arith.constant 0 : i32
    %add3A_38 = arith.addi %mul3A_2, %add3A_37 : i32
    %run_scoped3A = arith.constant 0 : i32
    "tpu.region"() ({
      %run_scoped3A_54 = tpu.sem_alloc : memref<!tpu.dma_semaphore, #tpu.memory_space<semaphore_mem>>
      %dma_start3A_55 = arith.constant 0 : i32
      %dma_start3A_56 = arith.constant 0 : i32
      %dma_start3A_57 = tpu.memref_slice %arg6[%run_scoped3A, %dma_start3A_55, %dma_start3A_56] : memref<2x40x1024xf32, #tpu.memory_space<vmem>> -> memref<1x40x1024xf32, #tpu.memory_space<vmem>>
      %dma_start3A_58 = tpu.memref_squeeze %dma_start3A_57 : memref<1x40x1024xf32, #tpu.memory_space<vmem>> -> memref<40x1024xf32, #tpu.memory_space<vmem>>
      %dma_start3A_59 = arith.constant 0 : i32
      %dma_start3A_60 = tpu.memref_slice %arg4[%add3A_38, %dma_start3A_59] : memref<2560x1024xf32, #tpu.memory_space<hbm>> -> memref<40x1024xf32, #tpu.memory_space<hbm>>
      %dma_start3A_61 = arith.constant 0 : i32
      %dma_start3A_62 = tpu.memref_slice %arg4[%add3A_38, %dma_start3A_61] : memref<2560x1024xf32, #tpu.memory_space<hbm>> -> memref<40x1024xf32, #tpu.memory_space<hbm>>
      %dma_start3A_63 = arith.constant 0 : i32
      %dma_start3A_64 = arith.constant 0 : i32
      %dma_start3A_65 = tpu.memref_slice %arg6[%run_scoped3A, %dma_start3A_63, %dma_start3A_64] : memref<2x40x1024xf32, #tpu.memory_space<vmem>> -> memref<1x40x1024xf32, #tpu.memory_space<vmem>>
      %dma_start3A_66 = tpu.memref_squeeze %dma_start3A_65 : memref<1x40x1024xf32, #tpu.memory_space<vmem>> -> memref<40x1024xf32, #tpu.memory_space<vmem>>
      tpu.enqueue_dma source(%dma_start3A_66 : memref<40x1024xf32, #tpu.memory_space<vmem>>) target(%dma_start3A_62 : memref<40x1024xf32, #tpu.memory_space<hbm>>) target_semaphore(%run_scoped3A_54 : memref<!tpu.dma_semaphore, #tpu.memory_space<semaphore_mem>>)
      %dma_wait3A_67 = arith.constant 0 : i32
      %dma_wait3A_68 = arith.constant 0 : i32
      %dma_wait3A_69 = tpu.memref_slice %arg6[%run_scoped3A, %dma_wait3A_67, %dma_wait3A_68] : memref<2x40x1024xf32, #tpu.memory_space<vmem>> -> memref<1x40x1024xf32, #tpu.memory_space<vmem>>
      %dma_wait3A_70 = tpu.memref_squeeze %dma_wait3A_69 : memref<1x40x1024xf32, #tpu.memory_space<vmem>> -> memref<40x1024xf32, #tpu.memory_space<vmem>>
      %dma_wait3A_71 = arith.constant 0 : i32
      %dma_wait3A_72 = tpu.memref_slice %arg4[%add3A_38, %dma_wait3A_71] : memref<2560x1024xf32, #tpu.memory_space<hbm>> -> memref<40x1024xf32, #tpu.memory_space<hbm>>
      %dma_wait3A_73 = arith.constant 0 : i32
      %dma_wait3A_74 = tpu.memref_slice %arg4[%add3A_38, %dma_wait3A_73] : memref<2560x1024xf32, #tpu.memory_space<hbm>> -> memref<40x1024xf32, #tpu.memory_space<hbm>>
      %dma_wait3A_75 = arith.constant 0 : i32
      %dma_wait3A_76 = arith.constant 0 : i32
      %dma_wait3A_77 = tpu.memref_slice %arg6[%run_scoped3A, %dma_wait3A_75, %dma_wait3A_76] : memref<2x40x1024xf32, #tpu.memory_space<vmem>> -> memref<1x40x1024xf32, #tpu.memory_space<vmem>>
      %dma_wait3A_78 = tpu.memref_squeeze %dma_wait3A_77 : memref<1x40x1024xf32, #tpu.memory_space<vmem>> -> memref<40x1024xf32, #tpu.memory_space<vmem>>
      tpu.wait_dma2 semaphore(%run_scoped3A_54 : memref<!tpu.dma_semaphore, #tpu.memory_space<semaphore_mem>>) src(%dma_wait3A_78 : memref<40x1024xf32, #tpu.memory_space<vmem>>) dst(%dma_wait3A_74 : memref<40x1024xf32, #tpu.memory_space<hbm>>)
      tpu.yield
    }) : () -> ()
    %dma_wait3A_39 = arith.constant 1 : i32
    %dma_wait3A_40 = arith.constant 1 : i32
    %dma_wait3A_41 = arith.constant 0 : i32
    %dma_wait3A_42 = arith.constant 0 : i32
    %dma_wait3A_43 = tpu.memref_slice %arg6[%dma_wait3A_40, %dma_wait3A_41, %dma_wait3A_42] : memref<2x40x1024xf32, #tpu.memory_space<vmem>> -> memref<1x40x1024xf32, #tpu.memory_space<vmem>>
    %dma_wait3A_44 = tpu.memref_squeeze %dma_wait3A_43 : memref<1x40x1024xf32, #tpu.memory_space<vmem>> -> memref<40x1024xf32, #tpu.memory_space<vmem>>
    %dma_wait3A_45 = arith.constant 0 : i32
    %dma_wait3A_46 = tpu.memref_slice %arg5[%dma_wait3A_39, %dma_wait3A_45] : memref<2x40xi32, #tpu.memory_space<vmem>> -> memref<1x40xi32, #tpu.memory_space<vmem>>
    %dma_wait3A_47 = tpu.memref_squeeze %dma_wait3A_46 : memref<1x40xi32, #tpu.memory_space<vmem>> -> memref<40xi32, #tpu.memory_space<vmem>>
    %dma_wait3A_48 = arith.constant 0 : i32
    %dma_wait3A_49 = arith.constant 0 : i32
    %dma_wait3A_50 = tpu.memref_slice %arg3[%dma_wait3A_48, %dma_wait3A_49] : memref<32864x1024xf32, #tpu.memory_space<hbm>> -> memref<32864x1024xf32, #tpu.memory_space<hbm>>
    tpu.wait_indirect_dma semaphore(%arg8 : memref<!tpu.dma_semaphore, #tpu.memory_space<semaphore_mem>>) src(%dma_wait3A_50 : memref<32864x1024xf32, #tpu.memory_space<hbm>>) dst(%dma_wait3A_44 : memref<40x1024xf32, #tpu.memory_space<vmem>>)
    %add3A_51 = arith.constant 40 : i32
    %add3A_52 = arith.addi %mul3A_2, %add3A_51 : i32
    %run_scoped3A_53 = arith.constant 1 : i32
    "tpu.region"() ({
      %run_scoped3A_54 = tpu.sem_alloc : memref<!tpu.dma_semaphore, #tpu.memory_space<semaphore_mem>>
      %dma_start3A_55 = arith.constant 0 : i32
      %dma_start3A_56 = arith.constant 0 : i32
      %dma_start3A_57 = tpu.memref_slice %arg6[%run_scoped3A_53, %dma_start3A_55, %dma_start3A_56] : memref<2x40x1024xf32, #tpu.memory_space<vmem>> -> memref<1x40x1024xf32, #tpu.memory_space<vmem>>
      %dma_start3A_58 = tpu.memref_squeeze %dma_start3A_57 : memref<1x40x1024xf32, #tpu.memory_space<vmem>> -> memref<40x1024xf32, #tpu.memory_space<vmem>>
      %dma_start3A_59 = arith.constant 0 : i32
      %dma_start3A_60 = tpu.memref_slice %arg4[%add3A_52, %dma_start3A_59] : memref<2560x1024xf32, #tpu.memory_space<hbm>> -> memref<40x1024xf32, #tpu.memory_space<hbm>>
      %dma_start3A_61 = arith.constant 0 : i32
      %dma_start3A_62 = tpu.memref_slice %arg4[%add3A_52, %dma_start3A_61] : memref<2560x1024xf32, #tpu.memory_space<hbm>> -> memref<40x1024xf32, #tpu.memory_space<hbm>>
      %dma_start3A_63 = arith.constant 0 : i32
      %dma_start3A_64 = arith.constant 0 : i32
      %dma_start3A_65 = tpu.memref_slice %arg6[%run_scoped3A_53, %dma_start3A_63, %dma_start3A_64] : memref<2x40x1024xf32, #tpu.memory_space<vmem>> -> memref<1x40x1024xf32, #tpu.memory_space<vmem>>
      %dma_start3A_66 = tpu.memref_squeeze %dma_start3A_65 : memref<1x40x1024xf32, #tpu.memory_space<vmem>> -> memref<40x1024xf32, #tpu.memory_space<vmem>>
      tpu.enqueue_dma source(%dma_start3A_66 : memref<40x1024xf32, #tpu.memory_space<vmem>>) target(%dma_start3A_62 : memref<40x1024xf32, #tpu.memory_space<hbm>>) target_semaphore(%run_scoped3A_54 : memref<!tpu.dma_semaphore, #tpu.memory_space<semaphore_mem>>)
      %dma_wait3A_67 = arith.constant 0 : i32
      %dma_wait3A_68 = arith.constant 0 : i32
      %dma_wait3A_69 = tpu.memref_slice %arg6[%run_scoped3A_53, %dma_wait3A_67, %dma_wait3A_68] : memref<2x40x1024xf32, #tpu.memory_space<vmem>> -> memref<1x40x1024xf32, #tpu.memory_space<vmem>>
      %dma_wait3A_70 = tpu.memref_squeeze %dma_wait3A_69 : memref<1x40x1024xf32, #tpu.memory_space<vmem>> -> memref<40x1024xf32, #tpu.memory_space<vmem>>
      %dma_wait3A_71 = arith.constant 0 : i32
      %dma_wait3A_72 = tpu.memref_slice %arg4[%add3A_52, %dma_wait3A_71] : memref<2560x1024xf32, #tpu.memory_space<hbm>> -> memref<40x1024xf32, #tpu.memory_space<hbm>>
      %dma_wait3A_73 = arith.constant 0 : i32
      %dma_wait3A_74 = tpu.memref_slice %arg4[%add3A_52, %dma_wait3A_73] : memref<2560x1024xf32, #tpu.memory_space<hbm>> -> memref<40x1024xf32, #tpu.memory_space<hbm>>
      %dma_wait3A_75 = arith.constant 0 : i32
      %dma_wait3A_76 = arith.constant 0 : i32
      %dma_wait3A_77 = tpu.memref_slice %arg6[%run_scoped3A_53, %dma_wait3A_75, %dma_wait3A_76] : memref<2x40x1024xf32, #tpu.memory_space<vmem>> -> memref<1x40x1024xf32, #tpu.memory_space<vmem>>
      %dma_wait3A_78 = tpu.memref_squeeze %dma_wait3A_77 : memref<1x40x1024xf32, #tpu.memory_space<vmem>> -> memref<40x1024xf32, #tpu.memory_space<vmem>>
      tpu.wait_dma2 semaphore(%run_scoped3A_54 : memref<!tpu.dma_semaphore, #tpu.memory_space<semaphore_mem>>) src(%dma_wait3A_78 : memref<40x1024xf32, #tpu.memory_space<vmem>>) dst(%dma_wait3A_74 : memref<40x1024xf32, #tpu.memory_space<hbm>>)
      tpu.yield
    }) : () -> ()
    return
  }
}

module attributes {stable_mosaic.version = 14 : i64} {
  func.func @_mm_compute(%arg0: i32, %arg1: memref<1280x1024xf32, #tpu.memory_space<vmem>>, %arg2: memref<1024x1024xf32, #tpu.memory_space<vmem>>, %arg3: memref<1x1024xf32, #tpu.memory_space<vmem>>, %arg4: memref<1280x1024xf32, #tpu.memory_space<vmem>>) attributes {dimension_semantics = [#tpu.dimension_semantics<arbitrary>], iteration_bounds = array<i64: 2>, scalar_prefetch = 0 : i64, scratch_operands = 0 : i64, tpu.core_type = #tpu.core_type<tc>, window_params = [{transform_indices = @transform_0, window_bounds = array<i64: 1280, 1024>}, {pipeline_mode = #tpu.pipeline_mode<synchronous>, transform_indices = @transform_1, window_bounds = array<i64: 1024, 1024>}, {pipeline_mode = #tpu.pipeline_mode<synchronous>, transform_indices = @transform_2, window_bounds = array<i64: 1, 1024>}, {transform_indices = @transform_3, window_bounds = array<i64: 1280, 1024>}]} {
    %get3A = arith.constant 0 : index
    %get3A_0 = arith.constant 0 : index
    %get3A_1 = vector.load %arg1[%get3A, %get3A_0] : memref<1280x1024xf32, #tpu.memory_space<vmem>>, vector<1280x1024xf32>
    %convert_element_type3A = arith.truncf %get3A_1 : vector<1280x1024xf32> to vector<1280x1024xbf16>
    %get3A_2 = arith.constant 0 : index
    %get3A_3 = arith.constant 0 : index
    %get3A_4 = vector.load %arg2[%get3A_2, %get3A_3] : memref<1024x1024xf32, #tpu.memory_space<vmem>>, vector<1024x1024xf32>
    %convert_element_type3A_5 = arith.truncf %get3A_4 : vector<1024x1024xf32> to vector<1024x1024xbf16>
    %dot_general3A = arith.constant dense<0.000000e+00> : vector<1280x1024xf32>
    %dot_general3A_6 = tpu.matmul %convert_element_type3A, %convert_element_type3A_5, %dot_general3A {dimension_numbers = #tpu.dot_dimension_numbers<[1], [1], [0], [0], [0, 0, 1, 0], [], []>, transpose_lhs_hint = false} : vector<1280x1024xbf16>, vector<1024x1024xbf16>, vector<1280x1024xf32> -> vector<1280x1024xf32>
    %get3A_7 = arith.constant 0 : index
    %get3A_8 = arith.constant 0 : index
    %get3A_9 = vector.load %arg3[%get3A_7, %get3A_8] : memref<1x1024xf32, #tpu.memory_space<vmem>>, vector<1x1024xf32>
    %add3A = vector.broadcast %get3A_9 : vector<1x1024xf32> to vector<1280x1024xf32>
    %add3A_10 = arith.addf %dot_general3A_6, %add3A : vector<1280x1024xf32>
    %swap3A = arith.constant 0 : index
    %swap3A_11 = arith.constant 0 : index
    %swap3A_12 = vector.load %arg4[%swap3A, %swap3A_11] : memref<1280x1024xf32, #tpu.memory_space<vmem>>, vector<1280x1024xf32>
    tpu.vector_store %arg4[%swap3A, %swap3A_11], %add3A_10 {strides = array<i32>} : memref<1280x1024xf32, #tpu.memory_space<vmem>>, vector<1280x1024xf32>,
    return
  }
  func.func @transform_0(%arg0: i32) -> (i32, i32) {
    %c0_i32 = arith.constant 0 : i32
    %c0_i32_0 = arith.constant 0 : i32
    return %arg0, %c0_i32 : i32, i32
  }
  func.func @transform_1(%arg0: i32) -> (i32, i32) {
    %c0_i32 = arith.constant 0 : i32
    %c0_i32_0 = arith.constant 0 : i32
    %c0_i32_1 = arith.constant 0 : i32
    return %c0_i32, %c0_i32_0 : i32, i32
  }
  func.func @transform_2(%arg0: i32) -> (i32, i32) {
    %c0_i32 = arith.constant 0 : i32
    %c0_i32_0 = arith.constant 0 : i32
    %c0_i32_1 = arith.constant 0 : i32
    return %c0_i32, %c0_i32_0 : i32, i32
  }
  func.func @transform_3(%arg0: i32) -> (i32, i32) {
    %c0_i32 = arith.constant 0 : i32
    %c0_i32_0 = arith.constant 0 : i32
    return %arg0, %c0_i32 : i32, i32
  }
}

module attributes {stable_mosaic.version = 14 : i64} {
  func.func @body(%arg0: i32, %arg1: memref<20480x1024xf32, #tpu.memory_space<hbm>>, %arg2: memref<1280x1024xf32, #tpu.memory_space<vmem>>, %arg3: memref<1024x1024xf32, #tpu.memory_space<vmem>>, %arg4: memref<1x1024xf32, #tpu.memory_space<vmem>>, %arg5: memref<1280x1024xf32, #tpu.memory_space<vmem>>) attributes {dimension_semantics = [#tpu.dimension_semantics<arbitrary>], iteration_bounds = array<i64: 6>, scalar_prefetch = 0 : i64, scratch_operands = 0 : i64, tpu.core_type = #tpu.core_type<tc>, window_params = [{}, {transform_indices = @transform_1, window_bounds = array<i64: 1280, 1024>}, {pipeline_mode = #tpu.pipeline_mode<synchronous>, transform_indices = @transform_2, window_bounds = array<i64: 1024, 1024>}, {pipeline_mode = #tpu.pipeline_mode<synchronous>, transform_indices = @transform_3, window_bounds = array<i64: 1, 1024>}, {transform_indices = @transform_4, window_bounds = array<i64: 1280, 1024>}]} {
    %get3A = arith.constant 0 : index
    %get3A_0 = arith.constant 0 : index
    %get3A_1 = vector.load %arg2[%get3A, %get3A_0] : memref<1280x1024xf32, #tpu.memory_space<vmem>>, vector<1280x1024xf32>
    %convert_element_type3A = arith.truncf %get3A_1 : vector<1280x1024xf32> to vector<1280x1024xbf16>
    %get3A_2 = arith.constant 0 : index
    %get3A_3 = arith.constant 0 : index
    %get3A_4 = vector.load %arg3[%get3A_2, %get3A_3] : memref<1024x1024xf32, #tpu.memory_space<vmem>>, vector<1024x1024xf32>
    %convert_element_type3A_5 = arith.truncf %get3A_4 : vector<1024x1024xf32> to vector<1024x1024xbf16>
    %dot_general3A = arith.constant dense<0.000000e+00> : vector<1280x1024xf32>
    %dot_general3A_6 = tpu.matmul %convert_element_type3A, %convert_element_type3A_5, %dot_general3A {dimension_numbers = #tpu.dot_dimension_numbers<[1], [1], [0], [0], [0, 0, 1, 0], [], []>, transpose_lhs_hint = false} : vector<1280x1024xbf16>, vector<1024x1024xbf16>, vector<1280x1024xf32> -> vector<1280x1024xf32>
    %get3A_7 = arith.constant 0 : index
    %get3A_8 = arith.constant 0 : index
    %get3A_9 = vector.load %arg4[%get3A_7, %get3A_8] : memref<1x1024xf32, #tpu.memory_space<vmem>>, vector<1x1024xf32>
    %add3A = vector.broadcast %get3A_9 : vector<1x1024xf32> to vector<1280x1024xf32>
    %add3A_10 = arith.addf %dot_general3A_6, %add3A : vector<1280x1024xf32>
    %swap3A = arith.constant 0 : index
    %swap3A_11 = arith.constant 0 : index
    %swap3A_12 = vector.load %arg5[%swap3A, %swap3A_11] : memref<1280x1024xf32, #tpu.memory_space<vmem>>, vector<1280x1024xf32>
    tpu.vector_store %arg5[%swap3A, %swap3A_11], %add3A_10 {strides = array<i32>} : memref<1280x1024xf32, #tpu.memory_space<vmem>>, vector<1280x1024xf32>,
    return
  }
  func.func @transform_1(%arg0: i32) -> (i32, i32) {
    %c0_i32 = arith.constant 0 : i32
    %c0_i32_0 = arith.constant 0 : i32
    return %arg0, %c0_i32 : i32, i32
  }
  func.func @transform_2(%arg0: i32) -> (i32, i32) {
    %c0_i32 = arith.constant 0 : i32
    %c0_i32_0 = arith.constant 0 : i32
    %c0_i32_1 = arith.constant 0 : i32
    return %c0_i32, %c0_i32_0 : i32, i32
  }
  func.func @transform_3(%arg0: i32) -> (i32, i32) {
    %c0_i32 = arith.constant 0 : i32
    %c0_i32_0 = arith.constant 0 : i32
    %c0_i32_1 = arith.constant 0 : i32
    return %c0_i32, %c0_i32_0 : i32, i32
  }
  func.func @transform_4(%arg0: i32) -> (i32, i32) {
    %add3A = arith.constant 2 : i32
    %add3A_0 = arith.addi %add3A, %arg0 : i32
    %c0_i32 = arith.constant 0 : i32
    %c0_i32_1 = arith.constant 0 : i32
    return %add3A_0, %c0_i32 : i32, i32
  }
}

module attributes {stable_mosaic.version = 14 : i64} {
  func.func @body(%arg0: i32, %arg1: memref<20480x1024xf32, #tpu.memory_space<hbm>>, %arg2: memref<1280x1024xf32, #tpu.memory_space<vmem>>, %arg3: memref<1024x1024xf32, #tpu.memory_space<vmem>>, %arg4: memref<1x1024xf32, #tpu.memory_space<vmem>>, %arg5: memref<1280x1024xf32, #tpu.memory_space<vmem>>) attributes {dimension_semantics = [#tpu.dimension_semantics<arbitrary>], iteration_bounds = array<i64: 6>, scalar_prefetch = 0 : i64, scratch_operands = 0 : i64, tpu.core_type = #tpu.core_type<tc>, window_params = [{}, {transform_indices = @transform_1, window_bounds = array<i64: 1280, 1024>}, {pipeline_mode = #tpu.pipeline_mode<synchronous>, transform_indices = @transform_2, window_bounds = array<i64: 1024, 1024>}, {pipeline_mode = #tpu.pipeline_mode<synchronous>, transform_indices = @transform_3, window_bounds = array<i64: 1, 1024>}, {transform_indices = @transform_4, window_bounds = array<i64: 1280, 1024>}]} {
    %get3A = arith.constant 0 : index
    %get3A_0 = arith.constant 0 : index
    %get3A_1 = vector.load %arg2[%get3A, %get3A_0] : memref<1280x1024xf32, #tpu.memory_space<vmem>>, vector<1280x1024xf32>
    %convert_element_type3A = arith.truncf %get3A_1 : vector<1280x1024xf32> to vector<1280x1024xbf16>
    %get3A_2 = arith.constant 0 : index
    %get3A_3 = arith.constant 0 : index
    %get3A_4 = vector.load %arg3[%get3A_2, %get3A_3] : memref<1024x1024xf32, #tpu.memory_space<vmem>>, vector<1024x1024xf32>
    %convert_element_type3A_5 = arith.truncf %get3A_4 : vector<1024x1024xf32> to vector<1024x1024xbf16>
    %dot_general3A = arith.constant dense<0.000000e+00> : vector<1280x1024xf32>
    %dot_general3A_6 = tpu.matmul %convert_element_type3A, %convert_element_type3A_5, %dot_general3A {dimension_numbers = #tpu.dot_dimension_numbers<[1], [1], [0], [0], [0, 0, 1, 0], [], []>, transpose_lhs_hint = false} : vector<1280x1024xbf16>, vector<1024x1024xbf16>, vector<1280x1024xf32> -> vector<1280x1024xf32>
    %get3A_7 = arith.constant 0 : index
    %get3A_8 = arith.constant 0 : index
    %get3A_9 = vector.load %arg4[%get3A_7, %get3A_8] : memref<1x1024xf32, #tpu.memory_space<vmem>>, vector<1x1024xf32>
    %add3A = vector.broadcast %get3A_9 : vector<1x1024xf32> to vector<1280x1024xf32>
    %add3A_10 = arith.addf %dot_general3A_6, %add3A : vector<1280x1024xf32>
    %swap3A = arith.constant 0 : index
    %swap3A_11 = arith.constant 0 : index
    %swap3A_12 = vector.load %arg5[%swap3A, %swap3A_11] : memref<1280x1024xf32, #tpu.memory_space<vmem>>, vector<1280x1024xf32>
    tpu.vector_store %arg5[%swap3A, %swap3A_11], %add3A_10 {strides = array<i32>} : memref<1280x1024xf32, #tpu.memory_space<vmem>>, vector<1280x1024xf32>,
    return
  }
  func.func @transform_1(%arg0: i32) -> (i32, i32) {
    %c0_i32 = arith.constant 0 : i32
    %c0_i32_0 = arith.constant 0 : i32
    return %arg0, %c0_i32 : i32, i32
  }
  func.func @transform_2(%arg0: i32) -> (i32, i32) {
    %c0_i32 = arith.constant 0 : i32
    %c0_i32_0 = arith.constant 0 : i32
    %c0_i32_1 = arith.constant 0 : i32
    return %c0_i32, %c0_i32_0 : i32, i32
  }
  func.func @transform_3(%arg0: i32) -> (i32, i32) {
    %c0_i32 = arith.constant 0 : i32
    %c0_i32_0 = arith.constant 0 : i32
    %c0_i32_1 = arith.constant 0 : i32
    return %c0_i32, %c0_i32_0 : i32, i32
  }
  func.func @transform_4(%arg0: i32) -> (i32, i32) {
    %add3A = arith.constant 8 : i32
    %add3A_0 = arith.addi %add3A, %arg0 : i32
    %c0_i32 = arith.constant 0 : i32
    %c0_i32_1 = arith.constant 0 : i32
    return %add3A_0, %c0_i32 : i32, i32
  }
}

module attributes {stable_mosaic.version = 14 : i64} {
  func.func @body(%arg0: i32, %arg1: memref<20480x1024xf32, #tpu.memory_space<hbm>>, %arg2: memref<1280x1024xf32, #tpu.memory_space<vmem>>, %arg3: memref<1024x1024xf32, #tpu.memory_space<vmem>>, %arg4: memref<1x1024xf32, #tpu.memory_space<vmem>>, %arg5: memref<1280x1024xf32, #tpu.memory_space<vmem>>) attributes {dimension_semantics = [#tpu.dimension_semantics<arbitrary>], iteration_bounds = array<i64: 2>, scalar_prefetch = 0 : i64, scratch_operands = 0 : i64, tpu.core_type = #tpu.core_type<tc>, window_params = [{}, {transform_indices = @transform_1, window_bounds = array<i64: 1280, 1024>}, {pipeline_mode = #tpu.pipeline_mode<synchronous>, transform_indices = @transform_2, window_bounds = array<i64: 1024, 1024>}, {pipeline_mode = #tpu.pipeline_mode<synchronous>, transform_indices = @transform_3, window_bounds = array<i64: 1, 1024>}, {transform_indices = @transform_4, window_bounds = array<i64: 1280, 1024>}]} {
    %get3A = arith.constant 0 : index
    %get3A_0 = arith.constant 0 : index
    %get3A_1 = vector.load %arg2[%get3A, %get3A_0] : memref<1280x1024xf32, #tpu.memory_space<vmem>>, vector<1280x1024xf32>
    %convert_element_type3A = arith.truncf %get3A_1 : vector<1280x1024xf32> to vector<1280x1024xbf16>
    %get3A_2 = arith.constant 0 : index
    %get3A_3 = arith.constant 0 : index
    %get3A_4 = vector.load %arg3[%get3A_2, %get3A_3] : memref<1024x1024xf32, #tpu.memory_space<vmem>>, vector<1024x1024xf32>
    %convert_element_type3A_5 = arith.truncf %get3A_4 : vector<1024x1024xf32> to vector<1024x1024xbf16>
    %dot_general3A = arith.constant dense<0.000000e+00> : vector<1280x1024xf32>
    %dot_general3A_6 = tpu.matmul %convert_element_type3A, %convert_element_type3A_5, %dot_general3A {dimension_numbers = #tpu.dot_dimension_numbers<[1], [1], [0], [0], [0, 0, 1, 0], [], []>, transpose_lhs_hint = false} : vector<1280x1024xbf16>, vector<1024x1024xbf16>, vector<1280x1024xf32> -> vector<1280x1024xf32>
    %get3A_7 = arith.constant 0 : index
    %get3A_8 = arith.constant 0 : index
    %get3A_9 = vector.load %arg4[%get3A_7, %get3A_8] : memref<1x1024xf32, #tpu.memory_space<vmem>>, vector<1x1024xf32>
    %add3A = vector.broadcast %get3A_9 : vector<1x1024xf32> to vector<1280x1024xf32>
    %add3A_10 = arith.addf %dot_general3A_6, %add3A : vector<1280x1024xf32>
    %swap3A = arith.constant 0 : index
    %swap3A_11 = arith.constant 0 : index
    %swap3A_12 = vector.load %arg5[%swap3A, %swap3A_11] : memref<1280x1024xf32, #tpu.memory_space<vmem>>, vector<1280x1024xf32>
    tpu.vector_store %arg5[%swap3A, %swap3A_11], %add3A_10 {strides = array<i32>} : memref<1280x1024xf32, #tpu.memory_space<vmem>>, vector<1280x1024xf32>,
    return
  }
  func.func @transform_1(%arg0: i32) -> (i32, i32) {
    %c0_i32 = arith.constant 0 : i32
    %c0_i32_0 = arith.constant 0 : i32
    return %arg0, %c0_i32 : i32, i32
  }
  func.func @transform_2(%arg0: i32) -> (i32, i32) {
    %c0_i32 = arith.constant 0 : i32
    %c0_i32_0 = arith.constant 0 : i32
    %c0_i32_1 = arith.constant 0 : i32
    return %c0_i32, %c0_i32_0 : i32, i32
  }
  func.func @transform_3(%arg0: i32) -> (i32, i32) {
    %c0_i32 = arith.constant 0 : i32
    %c0_i32_0 = arith.constant 0 : i32
    %c0_i32_1 = arith.constant 0 : i32
    return %c0_i32, %c0_i32_0 : i32, i32
  }
  func.func @transform_4(%arg0: i32) -> (i32, i32) {
    %add3A = arith.constant 14 : i32
    %add3A_0 = arith.addi %add3A, %arg0 : i32
    %c0_i32 = arith.constant 0 : i32
    %c0_i32_1 = arith.constant 0 : i32
    return %add3A_0, %c0_i32 : i32, i32
  }
}

</mosaic_0001>

<sc_bundles>
// kernel: kernel.10.cloned.1.call-start
scs
__scs_entry_jumppad:
0x0: {  	(pc) =	sbr.rel $0x88, $3  }
0x1: {  	(tag) =	ssettag $0x0;
	lr =	simm.s32 $0x1  }
0x2: {  	[smem:$0x3F9D] =	sst lr;
	_ =	strace $0xD0000000  }
0x3: {  	_ = 	snop  }
0x4: {  	_ = 	snop  }
0x5: {  	_ = 	snop  }
0x6: {  	_ = 	snop  }
0x7: {  	_ = 	snop  }
__scs_overlays_trampoline_lowered:
0x8: {  	[smem:$0x3FAC] =	sst s0  }
0x9: {  	[smem:$0x3FAD] =	sst s1  }
0xa: {  	[smem:$0x3FAE] =	sst s2  }
0xb: {  	[smem:$0x3FAF] =	sst s3  }
0xc: {  	[smem:$0x3FB0] =	sst s4  }
0xd: {  	[smem:$0x3FB1] =	sst s5  }
0xe: {  	[smem:$0x3FB2] =	sst s6  }
0xf: {  	[smem:$0x3FB3] =	sst s7  }
0x10: {  	[smem:$0x3FB4] =	sst s8  }
0x11: {  	[smem:$0x3FB5] =	sst s9;
	s0 =	simm.s32 @!p0 $0x0  }
0x12: {  	s1 =	sld [smem:$0x3F9B];
	s0 =	simm.s32 @p0 $0x1  }
0x13: {  	[smem:$0x3FB6] =	sst s0;
	s0 =	simm.s32 @!p1 $0x0  }
0x14: {  	s2 =	sld [smem:$0x3F9A];
	s0 =	simm.s32 @p1 $0x1  }
0x15: {  	[smem:$0x3FB7] =	sst s0;
	s0 =	simm.s32 @!p2 $0x0  }
0x16: {  	s3 =	sld [smem:$0x3FDB];
	s0 =	simm.s32 @p2 $0x1  }
0x17: {  	s4 =	simm.s32 $0x1BF5;
	[smem:$0x3FB9] =	sst s0  }
0x18: {  	s0 =	sld [smem:$0x3F9C];
	_ =	swait.ge [sflag:s4], $0x0  }
0x19: {  	s7 =	sld [smem:$0x3F9D]  }
0x1a: {  	s8 =	sadd.s32 $0xFFFFE003, lr  }
0x1b: {  	s9 =	sadd.s32 $0xFFFFFEF7, lr;
	s5 =	simm.s32 $0xFFFFFFFF;
	p2 =	slt.u32 s8, $0xFFFFF086  }
0x1c: {  	p1 =	slt.u32 s9, $0xF7A;
	s5 =	simm.s32 @!p2 $0x0  }
0x1d: {  	s5 =	simm.s32 @p1 $0x1;
	p0 =	seq.s32 s7, s2  }
0x1e: {  	s7 =	smul.u32 @!p0 $0xF7A, s2;
	p2 =	seq.s32 @!p0 s5, $0x0  }
0x1f: {  	s9 =	smul.u32 $0xF7A, s1;
	s8 =	simm.s32 @!p0 $0x1BF5;
	p2 =	por !p2, p0  }
0x20: {  	[sflag:s8] =	ssyncset.s32 @!p0 $0xFFFFF086;
	s6 =	sadd.s32 @!p0 s3, s7;
	s7 =	simm.s32 @!p0 $0x108  }
0x21: {  	s3 =	sadd.s32 s3, s9;
	s6 =	sadd.s32 @!p0 $0x88, s6;
	s7 =	simm.s32 @p2 $0x1082  }
0x22: {  	[simem:s7], [sflag:s8] =	dma.local @!p0 [hbm:s6], $0xF7A  }
0x23: {  	s9 =	sor.u32 $0xD0000000, s2;
	s6 =	simm.s32 $0x108;
	_ =	swait.ge @!p0 [sflag:s8], $0x0  }
0x24: {  	s3 =	sadd.s32 $0x88, s3;
	s6 =	simm.s32 @!p1 $0x1082;
	[sflag:s4] =	ssyncset.s32 $0xFFFFF086  }
0x25: {  	[simem:s6], [sflag:s4] =	dma.local [hbm:s3], $0xF7A  }
0x26: {  	[smem:$0x3F9D] =	sst s1;
	(tag) =	ssettag s2;
	_ =	strace s9  }
0x27: {  	s1 =	sld [smem:$0x3FAD]  }
0x28: {  	s2 =	sld [smem:$0x3FAE]  }
0x29: {  	s4 =	sld [smem:$0x3FB0]  }
0x2a: {  	p0 =	seq.s32 s5, $0x0;
	s5 =	sld [smem:$0x3FB1]  }
0x2b: {  	s6 =	sld [smem:$0x3FB2]  }
0x2c: {  	s7 =	sld [smem:$0x3FB3]  }
0x2d: {  	s3 =	simm.s32 $0x108;
	s8 =	sld [smem:$0x3FB4]  }
0x2e: {  	s3 =	simm.s32 @!p0 $0x1082;
	s9 =	sld [smem:$0x3FB5]  }
0x2f: {  	lr =	sadd.s32 s0, s3;
	s0 =	sld [smem:$0x3FAC]  }
0x30: {  	s3 =	sld [smem:$0x3FAF]  }
0x31: {  	[smem:$0x3FB8] =	sst s10  }
0x32: {  	s10 =	sld [smem:$0x3FB6];
	_ =	sdelay $0x3  }
0x33: {  	p0 =	seq.s32 s10, $0x1;
	s10 =	sld [smem:$0x3FB8];
	_ =	sdelay $0x3  }
0x34: {  	[smem:$0x3FB8] =	sst s10  }
0x35: {  	s10 =	sld [smem:$0x3FB7];
	_ =	sdelay $0x3  }
0x36: {  	p1 =	seq.s32 s10, $0x1;
	s10 =	sld [smem:$0x3FB8];
	_ =	sdelay $0x3  }
0x37: {  	[smem:$0x3FB8] =	sst s10  }
0x38: {  	s10 =	sld [smem:$0x3FB9]  }
0x39: {  	_ = 	snop;
	(pc) =	sbr.ind lr, $3  }
0x3a: {  	_ = 	snop  }
0x3b: {  	_ = 	snop  }
0x3c: {  	p2 =	seq.s32 s10, $0x1;
	s10 =	sld [smem:$0x3FB8]  }
0x3d: {  	_ =	shalt  }
0x3e: {  	_ =	shalt  }
0x3f: {  	_ =	shalt  }
0x40: {  	_ =	shalt  }
0x41: {  	_ =	shalt  }
0x42: {  	_ =	shalt  }
0x43: {  	_ =	shalt  }
0x44: {  	_ =	shalt  }
0x45: {  	_ =	shalt  }
0x46: {  	_ =	shalt  }
0x47: {  	_ =	shalt  }
0x48: {  	_ =	shalt  }
0x49: {  	_ =	shalt  }
0x4a: {  	_ =	shalt  }
0x4b: {  	_ =	shalt  }
0x4c: {  	_ =	shalt  }
0x4d: {  	_ =	shalt  }
0x4e: {  	_ =	shalt  }
0x4f: {  	_ =	shalt  }
0x50: {  	_ =	shalt  }
0x51: {  	_ =	shalt  }
0x52: {  	_ =	shalt  }
0x53: {  	_ =	shalt  }
0x54: {  	_ =	shalt  }
0x55: {  	_ =	shalt  }
0x56: {  	_ =	shalt  }
0x57: {  	_ =	shalt  }
0x58: {  	_ =	shalt  }
0x59: {  	_ =	shalt  }
0x5a: {  	_ =	shalt  }
0x5b: {  	_ =	shalt  }
0x5c: {  	_ =	shalt  }
0x5d: {  	_ =	shalt  }
0x5e: {  	_ =	shalt  }
0x5f: {  	_ =	shalt  }
0x60: {  	_ =	shalt  }
0x61: {  	_ =	shalt  }
0x62: {  	_ =	shalt  }
0x63: {  	_ =	shalt  }
0x64: {  	_ =	shalt  }
0x65: {  	_ =	shalt  }
0x66: {  	_ =	shalt  }
0x67: {  	_ =	shalt  }
0x68: {  	_ =	shalt  }
0x69: {  	_ =	shalt  }
0x6a: {  	_ =	shalt  }
0x6b: {  	_ =	shalt  }
0x6c: {  	_ =	shalt  }
0x6d: {  	_ =	shalt  }
0x6e: {  	_ =	shalt  }
0x6f: {  	_ =	shalt  }
0x70: {  	_ =	shalt  }
0x71: {  	_ =	shalt  }
0x72: {  	_ =	shalt  }
0x73: {  	_ =	shalt  }
0x74: {  	_ =	shalt  }
0x75: {  	_ =	shalt  }
0x76: {  	_ =	shalt  }
0x77: {  	_ =	shalt  }
0x78: {  	_ =	shalt  }
0x79: {  	_ =	shalt  }
0x7a: {  	_ =	shalt  }
0x7b: {  	_ =	shalt  }
0x7c: {  	_ =	shalt  }
0x7d: {  	_ =	shalt  }
0x7e: {  	_ =	shalt  }
0x7f: {  	_ =	shalt  }
0x80: {  	_ =	shalt  }
0x81: {  	_ =	shalt  }
0x82: {  	_ =	shalt  }
0x83: {  	_ =	shalt  }
0x84: {  	_ =	shalt  }
0x85: {  	_ =	shalt  }
0x86: {  	_ =	shalt  }
0x87: {  	_ =	shalt  }
.Lfunc_end0:
.L_simem_size_0:
called_computation_lowered:
.L_overlay_start_0:
0x88: {  	s2 =	sld [smem:$0x3FD9]  }
0x89: {  	s3 =	sld [smem:$0x3FFE];
	_ =	sdelay $0x1  }
0x8a: {  	s1 =	srdreg.scid  }
0x8b: {  	s0 =	sand.u32 $0x1, s1  }
0x8c: {  	s17 =	sshll.u32 s0, $0xA;
	s2 =	sadd.s32 s3, s2  }
0x8d: {  	s2 =	sadd.s32 s2, s17  }
0x8e: {  	[smem:$0x3FC4] =	sst s2  }
0x8f: {  	_ = 	snop  }
0x90: {  	s2 =	sld [smem:$0x3FC8]  }
0x91: {  	s18 =	sld [smem:$0x3FD0];
	(tm) =	ssettm $0x1  }
0x92: {  	s4 =	sld [smem:$0x3FFB];
	_ =	sdelay $0x3  }
0x93: {  	_ =	strace s4  }
0x94: {  	s4 =	sld [smem:$0x3FFC];
	_ =	sdelay $0x3  }
0x95: {  	_ =	strace s4  }
0x96: {  	s4 =	sld [smem:$0x3FFD];
	_ =	sdelay $0x3  }
0x97: {  	_ =	strace s4  }
0x98: {  	_ =	strace $0x8FFFFFFF  }
0x99: {  	s19 =	sld [smem:$0x3FDB];
	_ =	sdelay $0x1  }
0x9a: {  	s5 =	simm.s32 $_scs_section_size  }
0x9b: {  	s6 =	simm.s32 $_size__tile_overlayer_lowered;
	s7 =	simm.s32 $_tile_overlayer_lowered  }
0x9c: {  	s22 =	simm.s32 $0x1BFF;
	s21 =	sshll.u32 s7, $0x1;
	s4 =	sadd.s32 s5, s19  }
0x9d: {  	s8 =	simm.s32 $0x0;
	s20 =	sshll.u32 s6, $0x1;
	s6 =	sadd.s32 s21, s4  }
0x9e: {  	[timem:s8], [sflag:s22] =	dma.local [hbm:s6], s20  }
0x9f: {  	_ =	swait.ge [sflag:s22], s20  }
0xa0: {  	s5 =	ssub.s32 $0x0, s20;
	[sflag:s22] =	ssyncset.done $0x0  }
0xa1: {  	[sflag:s22] =	ssyncadd.s32 s5;
	_ =	sdelay $0x1  }
0xa2: {  	s23 =	simm.s32 $0x1B8B  }
0xa3: {  	_ =	swait.ge [sflag:s23], $0x1  }
0xa4: {  	[sflag:s23] =	ssyncset.done $0x0  }
0xa5: {  	s25 =	simm.s32 $0x1B8E;
	s24 =	sld [smem:$0x3FFE];
	[sflag:s23] =	ssyncadd.s32 $0xFFFFFFFF  }
0xa6: {  	s26 =	simm.s32 $execute0_lowered;
	[smem:$0x3FD2] =	sst s25  }
0xa7: {  	s6 =	sshll.u32 s26, $0x1;
	_ =	strace $0x80000046;
	[dreg:$0x1] =	wrdreg $0xFFFFFFFF  }
0xa8: {  	s28 =	simm.s32 $_size_execute0_lowered;
	s4 =	sadd.s32 s4, s6;
	[dreg:$0x0] =	wrdreg $0x0  }
0xa9: {  	s6 =	sshll.u32 s28, $0x1;
	[dreg:$0x2] =	wrdreg s4  }
0xaa: {  	[dreg:$0x3] =	wrdreg s6  }
0xab: {  	[dreg:$0x4] =	wrdreg $0xC0  }
0xac: {  	_ =	task [dreg:s8], $0x5FFFF  }
0xad: {  	[dreg:$0x1] =	wrdreg $0xFFFFFFFF  }
0xae: {  	[dreg:$0x0] =	wrdreg $0x60  }
0xaf: {  	[dreg:$0x2] =	wrdreg s24  }
0xb0: {  	[dreg:$0x3] =	wrdreg s2  }
0xb1: {  	[dreg:$0x4] =	wrdreg s18  }
0xb2: {  	[dreg:$0x5] =	wrdreg $0x9  }
0xb3: {  	_ =	task.clear_ibuf [dreg:s8], $0x6FFFF;
	_ =	strace $0x90000046  }
0xb4: {  	s29 =	simm.s32 $0x9;
	_ =	strace $0x80000048  }
0xb5: {  	_ =	swait.ge [sflag:s29], $0x1  }
0xb6: {  	[sflag:s29] =	ssyncadd.s32 $0xFFFFFFFF  }
0xb7: {  	_ =	strace $0x90000048  }
0xb8: {  	_ =	sfence  }
0xb9: {  	s30 =	sld [smem:$0x0];
	_ =	sdelay $0x2  }
0xba: {  	s31 =	sshll.u32 s1, $0xD;
	s1 =	sshrl.u32 s1, $0x2  }
0xbb: {  	s3 =	sand.u32 $0x4000, s31;
	s1 =	sadd.s32 s1, s30  }
0xbc: {  	s0 =	sor.u32 s3, s0;
	s1 =	sshll.u32 s1, $0x11  }
0xbd: {  	s0 =	sor.u32 s1, s0  }
0xbe: {  	s0 =	sadd.s32 $0x8F2B, s0  }
0xbf: {  	[sflag:s0] =	ssyncadd.remote.s32 $0x1  }
0xc0: {  	_ =	sfence.sel $0xFFFF  }
0xc1: {  	[dreg:$0x0] =	wrdreg $0xFFFFFFFF;
	(pc) =	sbr.abs _section_cstart, $3  }
0xc2: {  	[dreg:$0x1] =	wrdreg $0xFFFFFFFF  }
0xc3: {  	_ =	task.clear_ibuf [dreg:s8], $0x2FFFF;
	_ =	strace $0x9FFFFFFF  }
0xc4: {  	(tm) =	ssettm $0x7FFFFFFF  }
0xc5: {  	_ =	shalt  }
tec
execute0_lowered:
.L_overlay_start_1:
0x0: {  	(tag) =	ssettag $0x1  }
0x1: {  	s1 =	rddreg [dreg:$0x0]  }
0x2: {  	s2 =	rddreg [dreg:$0x1];
	s3 =	srdreg.scid  }
0x3: {  	s4 =	rddreg [dreg:$0x2];
	s5 =	sand.u32 $0x1, s3;
	s3 =	simm.s32 $0x0  }
0x4: {  	s9 =	simm.s32 $0x2100;
	[smem:$0x7FF] =	sst s3  }
0x5: {  	s10 =	simm.s32 $0x2900;
	_ =	strace $0x80000047;
	[dreg:$0xa] =	wrdreg s9  }
0x6: {  	s11 =	simm.s32 $0x3100;
	[dreg:$0xb] =	wrdreg s10  }
0x7: {  	s0 =	stileid.u32;
	s12 =	simm.s32 $0x3900;
	[dreg:$0xc] =	wrdreg s11  }
0x8: {  	s13 =	simm.s32 $0x4100;
	s14 =	simm.s32 $0x4900;
	[dreg:$0xd] =	wrdreg s12  }
0x9: {  	s15 =	simm.s32 $0x5100;
	s16 =	simm.s32 $0x5900;
	[dreg:$0xe] =	wrdreg s13  }
0xa: {  	s18 =	simm.s32 $0x6100;
	s19 =	simm.s32 $0x6900;
	[dreg:$0xf] =	wrdreg s14  }
0xb: {  	s21 =	simm.s32 $0x7100;
	s22 =	simm.s32 $0x7900;
	[dreg:$0x10] =	wrdreg s15  }
0xc: {  	s23 =	simm.s32 $0x8100;
	s24 =	simm.s32 $0x8900;
	[dreg:$0x11] =	wrdreg s16  }
0xd: {  	s28 =	simm.s32 $0x12900;
	s29 =	simm.s32 $0x13100;
	[dreg:$0x12] =	wrdreg s18  }
0xe: {  	s30 =	simm.s32 $0x13900;
	s25 =	sshll.u32 s0, $0x1;
	[dreg:$0x13] =	wrdreg s19  }
0xf: {  	s31 =	simm.s32 $0x1;
	s6 =	sor.u32 s5, s25;
	[dreg:$0x14] =	wrdreg s21  }
0x10: {  	s17 =	ssub.s32 $0x2, s5;
	s25 =	simm.s32 $0x9100;
	[dreg:$0x15] =	wrdreg s22  }
0x11: {  	s7 =	sshll.u32 s6, $0x5;
	s8 =	smul.u32 $0x14000, s6;
	[dreg:$0x16] =	wrdreg s23  }
0x12: {  	s6 =	smul.u32 $0x2800, s6;
	s5 =	sshrl.u32 s17, $0x1;
	[dreg:$0x17] =	wrdreg s24  }
0x13: {  	[dreg:$0x18] =	wrdreg s25;
	s9 =	simm.s32 $0x100;
	s10 =	simm.s32 $0xA100  }
0x14: {  	s12 =	simm.s32 $0xB100;
	s13 =	simm.s32 $0xB900;
	s14 =	simm.s32 $0xC100  }
0x15: {  	s15 =	simm.s32 $0xC900;
	s16 =	simm.s32 $0xD100;
	s18 =	simm.s32 $0xE100  }
0x16: {  	s19 =	simm.s32 $0xE900;
	s21 =	simm.s32 $0xF900;
	s22 =	simm.s32 $0x10100  }
0x17: {  	s23 =	simm.s32 $0x10900;
	s24 =	simm.s32 $0x11100;
	s25 =	simm.s32 $0x11900  }
0x18: {  	s1 =	sadd.s32 s7, s1;
	s7 =	simm.s32 $0x1100;
	s20 =	ssub.s32 s17, s5  }
0x19: {  	s5 =	sadd.s32 $0x200, s2;
	s1 =	sadd.s32 $0x1E00, s1;
	[dreg:$0x8] =	wrdreg s7  }
0x1a: {  	s17 =	simm.s32 $0xD900;
	s0 =	sadd.s32 s4, s6;
	[dreg:$0x4] =	wrdreg s1  }
0x1b: {  	s26 =	sshrl.u32 s8, $0x3;
	s6 =	simm.s32 $0x900;
	[dreg:$0x5] =	wrdreg s0  }
0x1c: {  	s8 =	simm.s32 $0x1900;
	s7 =	smax.u32 s20, $0x1;
	[dreg:$0x7] =	wrdreg s6  }
0x1d: {  	s20 =	simm.s32 $0xF100;
	s4 =	sadd.s32 s4, s26;
	[dreg:$0x9] =	wrdreg s8  }
0x1e: {  	v2 =	vlaneseq.u32;
	s6 =	sadd.s32 $0x300, s2;
	s8 =	simm.s32 $0x3;
	s26 =	simm.s32 $0x9900  }
0x1f: {  	vm0 =	vmmov $0xffff;
	v1 =	vshrl.u32 v2, $0x3;
	s1 =	simm.s32 $0x2;
	s4 =	sadd.s32 $0x1400, s4;
	[dreg:$0x19] =	wrdreg s26  }
0x20: {  	v0 =	vand.u32 $0x7, v2;
	v2 =	vor.u32 $0x8, v2;
	v1 =	vmul.u32 $0x8, v1;
	s26 =	simm.s32 $0x12100;
	[dreg:$0x6] =	wrdreg s4;
	s4 =	sadd.s32 $0x100, s2  }
.LBB2_1:
0x21: {  	s0 =	rddreg [dreg:$0x4]  }
0x22: {  	[tilespmem:s3], [sflag:$0x3] =	stream.linear.gather [hbm4b:s0+s3], $0x100, $0x38;
	[tilespmem:$0x14100] =	vst v63  }
0x23: {  	_ =	swait.ge [sflag:s8], $0x100  }
0x24: {  	[sflag:s8] =	ssyncset.done $0x0  }
0x25: {  	[sflag:s8] =	ssyncadd.s32 $0xFFFFFF00  }
0x26: {  	v3 =	vld [tilespmem:$0x0];
	_ =	sdelay $0x4  }
0x27: {  	v4 =	vshll.u32 v3, $0x3  }
0x28: {  	v3 =	vand.u32 $0x7, v3;
	v4 =	vand.u32 $0xFFFFFFC0, v4  }
0x29: {  	v3 =	vor.u32 v3, v4  }
0x2a: {  	v4 =	vperm.xlane v3, v0;
	_ =	sdelay $0x1  }
0x2b: {  	v4 =	vadd.s32 v1, v4;
	_ =	sdelay $0x4  }
0x2c: {  	[tilespmem:s9], [sflag:$0x1] =	stream.indirect_vreg.gather [hbm4b:s2+s3], $0x80, v4, vm0, $0xb8;
	[tilespmem:$0x14100] =	vst v63  }
0x2d: {  	s0 =	rddreg [dreg:$0x7];
	v3 =	vperm.xlane v3, v2  }
0x2e: {  	[tilespmem:s0], [sflag:$0x1] =	stream.indirect_vreg.gather [hbm4b:s4+s3], $0x80, v4, vm0, $0xb8;
	[tilespmem:$0x14100] =	vst v63  }
0x2f: {  	s11 =	rddreg [dreg:$0x8];
	v3 =	vadd.s32 v1, v3  }
0x30: {  	[tilespmem:s11], [sflag:$0x1] =	stream.indirect_vreg.gather [hbm4b:s5+s3], $0x80, v4, vm0, $0xb8;
	[tilespmem:$0x14100] =	vst v63  }
0x31: {  	s0 =	rddreg [dreg:$0x9]  }
0x32: {  	[tilespmem:s0], [sflag:$0x1] =	stream.indirect_vreg.gather [hbm4b:s6+s3], $0x80, v4, vm0, $0xb8;
	[tilespmem:$0x14100] =	vst v63  }
0x33: {  	s11 =	rddreg [dreg:$0xa]  }
0x34: {  	[tilespmem:s11], [sflag:$0x1] =	stream.indirect_vreg.gather [hbm4b:s2+s3], $0x80, v3, vm0, $0xb8;
	[tilespmem:$0x14100] =	vst v63  }
0x35: {  	s0 =	rddreg [dreg:$0xb]  }
0x36: {  	[tilespmem:s0], [sflag:$0x1] =	stream.indirect_vreg.gather [hbm4b:s4+s3], $0x80, v3, vm0, $0xb8;
	[tilespmem:$0x14100] =	vst v63  }
0x37: {  	s11 =	rddreg [dreg:$0xc]  }
0x38: {  	[tilespmem:s11], [sflag:$0x1] =	stream.indirect_vreg.gather [hbm4b:s5+s3], $0x80, v3, vm0, $0xb8;
	[tilespmem:$0x14100] =	vst v63  }
0x39: {  	s0 =	rddreg [dreg:$0xd]  }
0x3a: {  	[tilespmem:s0], [sflag:$0x1] =	stream.indirect_vreg.gather [hbm4b:s6+s3], $0x80, v3, vm0, $0xb8;
	[tilespmem:$0x14100] =	vst v63  }
0x3b: {  	v3 =	vld [tilespmem:$0x10];
	_ =	sdelay $0x4  }
0x3c: {  	v59 =	vshll.u32 v3, $0x3  }
0x3d: {  	v3 =	vand.u32 $0x7, v3;
	v4 =	vand.u32 $0xFFFFFFC0, v59  }
0x3e: {  	v3 =	vor.u32 v3, v4  }
0x3f: {  	v4 =	vperm.xlane v3, v0;
	_ =	sdelay $0x1  }
0x40: {  	v4 =	vadd.s32 v1, v4;
	_ =	sdelay $0x3  }
0x41: {  	s0 =	rddreg [dreg:$0xe]  }
0x42: {  	[tilespmem:s0], [sflag:$0x1] =	stream.indirect_vreg.gather [hbm4b:s2+s3], $0x80, v4, vm0, $0xb8;
	[tilespmem:$0x14100] =	vst v63  }
0x43: {  	s11 =	rddreg [dreg:$0xf];
	v3 =	vperm.xlane v3, v2  }
0x44: {  	[tilespmem:s11], [sflag:$0x1] =	stream.indirect_vreg.gather [hbm4b:s4+s3], $0x80, v4, vm0, $0xb8;
	[tilespmem:$0x14100] =	vst v63  }
0x45: {  	v3 =	vadd.s32 v1, v3;
	s0 =	rddreg [dreg:$0x10]  }
0x46: {  	[tilespmem:s0], [sflag:$0x1] =	stream.indirect_vreg.gather [hbm4b:s5+s3], $0x80, v4, vm0, $0xb8;
	[tilespmem:$0x14100] =	vst v63  }
0x47: {  	s11 =	rddreg [dreg:$0x11]  }
0x48: {  	[tilespmem:s11], [sflag:$0x1] =	stream.indirect_vreg.gather [hbm4b:s6+s3], $0x80, v4, vm0, $0xb8;
	[tilespmem:$0x14100] =	vst v63  }
0x49: {  	s0 =	rddreg [dreg:$0x12]  }
0x4a: {  	[tilespmem:s0], [sflag:$0x1] =	stream.indirect_vreg.gather [hbm4b:s2+s3], $0x80, v3, vm0, $0xb8;
	[tilespmem:$0x14100] =	vst v63  }
0x4b: {  	s11 =	rddreg [dreg:$0x13]  }
0x4c: {  	[tilespmem:s11], [sflag:$0x1] =	stream.indirect_vreg.gather [hbm4b:s4+s3], $0x80, v3, vm0, $0xb8;
	[tilespmem:$0x14100] =	vst v63  }
0x4d: {  	s0 =	rddreg [dreg:$0x14]  }
0x4e: {  	[tilespmem:s0], [sflag:$0x1] =	stream.indirect_vreg.gather [hbm4b:s5+s3], $0x80, v3, vm0, $0xb8;
	[tilespmem:$0x14100] =	vst v63  }
0x4f: {  	s11 =	rddreg [dreg:$0x15]  }
0x50: {  	[tilespmem:s11], [sflag:$0x1] =	stream.indirect_vreg.gather [hbm4b:s6+s3], $0x80, v3, vm0, $0xb8;
	[tilespmem:$0x14100] =	vst v63  }
0x51: {  	v3 =	vld.msk [tilespmem:$0x20], $0xff;
	_ =	sdelay $0x4  }
0x52: {  	v60 =	vshll.u32 v3, $0x3  }
0x53: {  	v3 =	vand.u32 $0x7, v3;
	v4 =	vand.u32 $0xFFFFFFC0, v60  }
0x54: {  	v3 =	vor.u32 v3, v4  }
0x55: {  	v3 =	vperm.xlane v3, v0;
	_ =	sdelay $0x1  }
0x56: {  	v3 =	vadd.s32 v1, v3;
	_ =	sdelay $0x3  }
0x57: {  	s0 =	rddreg [dreg:$0x16]  }
0x58: {  	[tilespmem:s0], [sflag:$0x1] =	stream.indirect_vreg.gather [hbm4b:s2+s3], $0x80, v3, vm0, $0xb8;
	[tilespmem:$0x14100] =	vst v63  }
0x59: {  	s11 =	rddreg [dreg:$0x17]  }
0x5a: {  	[tilespmem:s11], [sflag:$0x1] =	stream.indirect_vreg.gather [hbm4b:s4+s3], $0x80, v3, vm0, $0xb8;
	[tilespmem:$0x14100] =	vst v63  }
0x5b: {  	s0 =	rddreg [dreg:$0x18]  }
0x5c: {  	[tilespmem:s0], [sflag:$0x1] =	stream.indirect_vreg.gather [hbm4b:s5+s3], $0x80, v3, vm0, $0xb8;
	[tilespmem:$0x14100] =	vst v63  }
0x5d: {  	s11 =	rddreg [dreg:$0x19]  }
0x5e: {  	[tilespmem:s11], [sflag:$0x1] =	stream.indirect_vreg.gather [hbm4b:s6+s3], $0x80, v3, vm0, $0xb8;
	[tilespmem:$0x14100] =	vst v63  }
0x5f: {  	v3 =	vld [tilespmem:$0x80];
	_ =	sdelay $0x4  }
0x60: {  	v61 =	vshll.u32 v3, $0x3  }
0x61: {  	v3 =	vand.u32 $0x7, v3;
	v4 =	vand.u32 $0xFFFFFFC0, v61  }
0x62: {  	v3 =	vor.u32 v3, v4  }
0x63: {  	v4 =	vperm.xlane v3, v0;
	_ =	sdelay $0x1  }
0x64: {  	v4 =	vadd.s32 v1, v4;
	_ =	sdelay $0x4  }
0x65: {  	[tilespmem:s10], [sflag:$0x2] =	stream.indirect_vreg.gather [hbm4b:s2+s3], $0x80, v4, vm0, $0xb8;
	[tilespmem:$0x14100] =	vst v63  }
0x66: {  	s11 =	simm.s32 $0xA900;
	v3 =	vperm.xlane v3, v2  }
0x67: {  	[tilespmem:s11], [sflag:$0x2] =	stream.indirect_vreg.gather [hbm4b:s4+s3], $0x80, v4, vm0, $0xb8;
	[tilespmem:$0x14100] =	vst v63  }
0x68: {  	v3 =	vadd.s32 v1, v3  }
0x69: {  	[tilespmem:s12], [sflag:$0x2] =	stream.indirect_vreg.gather [hbm4b:s5+s3], $0x80, v4, vm0, $0xb8;
	[tilespmem:$0x14100] =	vst v63  }
0x6a: {  	_ = 	snop  }
0x6b: {  	[tilespmem:s13], [sflag:$0x2] =	stream.indirect_vreg.gather [hbm4b:s6+s3], $0x80, v4, vm0, $0xb8;
	[tilespmem:$0x14100] =	vst v63  }
0x6c: {  	_ = 	snop  }
0x6d: {  	[tilespmem:s14], [sflag:$0x2] =	stream.indirect_vreg.gather [hbm4b:s2+s3], $0x80, v3, vm0, $0xb8;
	[tilespmem:$0x14100] =	vst v63  }
0x6e: {  	_ = 	snop  }
0x6f: {  	[tilespmem:s15], [sflag:$0x2] =	stream.indirect_vreg.gather [hbm4b:s4+s3], $0x80, v3, vm0, $0xb8;
	[tilespmem:$0x14100] =	vst v63  }
0x70: {  	_ = 	snop  }
0x71: {  	[tilespmem:s16], [sflag:$0x2] =	stream.indirect_vreg.gather [hbm4b:s5+s3], $0x80, v3, vm0, $0xb8;
	[tilespmem:$0x14100] =	vst v63  }
0x72: {  	_ = 	snop  }
0x73: {  	[tilespmem:s17], [sflag:$0x2] =	stream.indirect_vreg.gather [hbm4b:s6+s3], $0x80, v3, vm0, $0xb8;
	[tilespmem:$0x14100] =	vst v63  }
0x74: {  	v3 =	vld [tilespmem:$0x90];
	_ =	sdelay $0x4  }
0x75: {  	v62 =	vshll.u32 v3, $0x3  }
0x76: {  	v3 =	vand.u32 $0x7, v3;
	v4 =	vand.u32 $0xFFFFFFC0, v62  }
0x77: {  	v3 =	vor.u32 v3, v4  }
0x78: {  	v4 =	vperm.xlane v3, v0;
	_ =	sdelay $0x1  }
0x79: {  	v4 =	vadd.s32 v1, v4;
	_ =	sdelay $0x4  }
0x7a: {  	[tilespmem:s18], [sflag:$0x2] =	stream.indirect_vreg.gather [hbm4b:s2+s3], $0x80, v4, vm0, $0xb8;
	[tilespmem:$0x14100] =	vst v63  }
0x7b: {  	v3 =	vperm.xlane v3, v2  }
0x7c: {  	[tilespmem:s19], [sflag:$0x2] =	stream.indirect_vreg.gather [hbm4b:s4+s3], $0x80, v4, vm0, $0xb8;
	[tilespmem:$0x14100] =	vst v63  }
0x7d: {  	v3 =	vadd.s32 v1, v3  }
0x7e: {  	[tilespmem:s20], [sflag:$0x2] =	stream.indirect_vreg.gather [hbm4b:s5+s3], $0x80, v4, vm0, $0xb8;
	[tilespmem:$0x14100] =	vst v63  }
0x7f: {  	_ = 	snop  }
0x80: {  	[tilespmem:s21], [sflag:$0x2] =	stream.indirect_vreg.gather [hbm4b:s6+s3], $0x80, v4, vm0, $0xb8;
	[tilespmem:$0x14100] =	vst v63  }
0x81: {  	_ = 	snop  }
0x82: {  	[tilespmem:s22], [sflag:$0x2] =	stream.indirect_vreg.gather [hbm4b:s2+s3], $0x80, v3, vm0, $0xb8;
	[tilespmem:$0x14100] =	vst v63  }
0x83: {  	_ = 	snop  }
0x84: {  	[tilespmem:s23], [sflag:$0x2] =	stream.indirect_vreg.gather [hbm4b:s4+s3], $0x80, v3, vm0, $0xb8;
	[tilespmem:$0x14100] =	vst v63  }
0x85: {  	_ = 	snop  }
0x86: {  	[tilespmem:s24], [sflag:$0x2] =	stream.indirect_vreg.gather [hbm4b:s5+s3], $0x80, v3, vm0, $0xb8;
	[tilespmem:$0x14100] =	vst v63  }
0x87: {  	_ = 	snop  }
0x88: {  	[tilespmem:s25], [sflag:$0x2] =	stream.indirect_vreg.gather [hbm4b:s6+s3], $0x80, v3, vm0, $0xb8;
	[tilespmem:$0x14100] =	vst v63  }
0x89: {  	v3 =	vld.msk [tilespmem:$0xA0], $0xff;
	_ =	sdelay $0x4  }
0x8a: {  	v63 =	vshll.u32 v3, $0x3  }
0x8b: {  	v3 =	vand.u32 $0x7, v3;
	v4 =	vand.u32 $0xFFFFFFC0, v63  }
0x8c: {  	v3 =	vor.u32 v3, v4  }
0x8d: {  	v3 =	vperm.xlane v3, v0;
	_ =	sdelay $0x1  }
0x8e: {  	v3 =	vadd.s32 v1, v3;
	_ =	sdelay $0x4  }
0x8f: {  	[tilespmem:s26], [sflag:$0x2] =	stream.indirect_vreg.gather [hbm4b:s2+s3], $0x80, v3, vm0, $0xb8;
	[tilespmem:$0x14100] =	vst v63  }
0x90: {  	_ = 	snop  }
0x91: {  	[tilespmem:s28], [sflag:$0x2] =	stream.indirect_vreg.gather [hbm4b:s4+s3], $0x80, v3, vm0, $0xb8;
	[tilespmem:$0x14100] =	vst v63  }
0x92: {  	_ = 	snop  }
0x93: {  	[tilespmem:s29], [sflag:$0x2] =	stream.indirect_vreg.gather [hbm4b:s5+s3], $0x80, v3, vm0, $0xb8;
	[tilespmem:$0x14100] =	vst v63  }
0x94: {  	_ = 	snop  }
0x95: {  	[tilespmem:s30], [sflag:$0x2] =	stream.indirect_vreg.gather [hbm4b:s6+s3], $0x80, v3, vm0, $0xb8;
	[tilespmem:$0x14100] =	vst v63  }
0x96: {  	_ =	swait.ge [sflag:s31], $0xA000  }
0x97: {  	[sflag:s31] =	ssyncset.done $0x0  }
0x98: {  	s11 =	rddreg [dreg:$0x5];
	[sflag:s31] =	ssyncadd.s32 $0xFFFF6000  }
0x99: {  	[hbm4b:s11+s3] =	stream.linear.scatter [tilespmem:s9], [sflag:$0x3], $0xA000, $0x38;
	[tilespmem:$0x14100] =	vst v63  }
0x9a: {  	_ =	swait.ge [sflag:s8], $0xA000  }
0x9b: {  	[sflag:s8] =	ssyncset.done $0x0  }
0x9c: {  	[sflag:s8] =	ssyncadd.s32 $0xFFFF6000  }
0x9d: {  	_ =	swait.ge [sflag:s1], $0xA000  }
0x9e: {  	p0 =	sne.s32 s7, $0x1;
	[sflag:s1] =	ssyncset.done $0x0  }
.Ltmp0:
0x9f: {  	s11 =	rddreg [dreg:$0x6];
	[sflag:s1] =	ssyncadd.s32 $0xFFFF6000;
	(pc) =	sbr.rel @p0 .LBB2_1-.Ltmp0, $4  }
0xa0: {  	[hbm4b:s11+s3] =	stream.linear.scatter [tilespmem:s10], [sflag:$0x3], $0xA000, $0x38;
	[tilespmem:$0x14100] =	vst v63  }
0xa1: {  	_ =	swait.ge [sflag:s8], $0xA000  }
0xa2: {  	[sflag:s8] =	ssyncset.done $0x0  }
0xa3: {  	s7 =	sadd.s32 $0xFFFFFFFF, s7;
	[sflag:s8] =	ssyncadd.s32 $0xFFFF6000  }
0xa4: {  	_ =	sfence.sel $0x180000  }
0xa5: {  	[bflag:$0x0] =	sbarrier.arrive $0xFFFF  }
0xa6: {  	_ =	strace $0x90000047  }
0xa7: {  	s0 =	stileid.u32;
	[bflag:$0x2] =	sbarrier.arrive $0xFFFF  }
0xa8: {  	p0 =	sne.s32 s0, $0x0;
	s0 =	rddreg [dreg:$0x3]  }
0xa9: {  	s0 =	sadd.s32 @!p0 $0x100000, s0  }
0xaa: {  	[sflag:s0] =	ssyncadd.tile.s32 @!p0 $0x1;
	_ =	shalt  }
.Lfunc_end2:
_tile_overlayer_lowered:
.L_overlay_start_2:
0xab: {  	(tag) =	ssettag $0x2  }
0xac: {  	s0 =	rddreg [dreg:$0x0];
	s2 =	stileid.u32  }
0xad: {  	s1 =	rddreg [dreg:$0x1];
	p0 =	sne.s32 s2, $0x0  }
0xae: {  	s3 =	rddreg [dreg:$0x2];
	[bflag:$0x3] =	sbarrier.arrive $0xFFFF;
	s2 =	simm.s32 @!p0 $0x1C03  }
0xaf: {  	[timem:s3], [sflag:s2] =	dma.local @!p0 [hbm:s0], s1  }
0xb0: {  	s0 =	simm.s32 @!p0 $0x3  }
0xb1: {  	_ =	swait.ge @!p0 [sflag:s0], s1  }
0xb2: {  	s1 =	ssub.s32 @!p0 $0x0, s1;
	[sflag:s0] =	ssyncset.done @!p0 $0x0  }
0xb3: {  	[sflag:s0] =	ssyncadd.s32 @!p0 s1  }
0xb4: {  	[bflag:$0x3] =	sbarrier.arrive $0xFFFF  }
0xb5: {  	_ =	shalt  }

// kernel: kernel.13.cloned.1.call-start
scs
__scs_entry_jumppad:
0x0: {  	(pc) =	sbr.rel $0x88, $3  }
0x1: {  	(tag) =	ssettag $0x0;
	lr =	simm.s32 $0x1  }
0x2: {  	[smem:$0x3F9D] =	sst lr;
	_ =	strace $0xD0000000  }
0x3: {  	_ = 	snop  }
0x4: {  	_ = 	snop  }
0x5: {  	_ = 	snop  }
0x6: {  	_ = 	snop  }
0x7: {  	_ = 	snop  }
__scs_overlays_trampoline_lowered:
0x8: {  	[smem:$0x3FAC] =	sst s0  }
0x9: {  	[smem:$0x3FAD] =	sst s1  }
0xa: {  	[smem:$0x3FAE] =	sst s2  }
0xb: {  	[smem:$0x3FAF] =	sst s3  }
0xc: {  	[smem:$0x3FB0] =	sst s4  }
0xd: {  	[smem:$0x3FB1] =	sst s5  }
0xe: {  	[smem:$0x3FB2] =	sst s6  }
0xf: {  	[smem:$0x3FB3] =	sst s7  }
0x10: {  	[smem:$0x3FB4] =	sst s8  }
0x11: {  	[smem:$0x3FB5] =	sst s9;
	s0 =	simm.s32 @!p0 $0x0  }
0x12: {  	s1 =	sld [smem:$0x3F9B];
	s0 =	simm.s32 @p0 $0x1  }
0x13: {  	[smem:$0x3FB6] =	sst s0;
	s0 =	simm.s32 @!p1 $0x0  }
0x14: {  	s2 =	sld [smem:$0x3F9A];
	s0 =	simm.s32 @p1 $0x1  }
0x15: {  	[smem:$0x3FB7] =	sst s0;
	s0 =	simm.s32 @!p2 $0x0  }
0x16: {  	s3 =	sld [smem:$0x3FDB];
	s0 =	simm.s32 @p2 $0x1  }
0x17: {  	s4 =	simm.s32 $0x1BF5;
	[smem:$0x3FB9] =	sst s0  }
0x18: {  	s0 =	sld [smem:$0x3F9C];
	_ =	swait.ge [sflag:s4], $0x0  }
0x19: {  	s7 =	sld [smem:$0x3F9D]  }
0x1a: {  	s8 =	sadd.s32 $0xFFFFE003, lr  }
0x1b: {  	s9 =	sadd.s32 $0xFFFFFEF7, lr;
	s5 =	simm.s32 $0xFFFFFFFF;
	p2 =	slt.u32 s8, $0xFFFFF086  }
0x1c: {  	p1 =	slt.u32 s9, $0xF7A;
	s5 =	simm.s32 @!p2 $0x0  }
0x1d: {  	s5 =	simm.s32 @p1 $0x1;
	p0 =	seq.s32 s7, s2  }
0x1e: {  	s7 =	smul.u32 @!p0 $0xF7A, s2;
	p2 =	seq.s32 @!p0 s5, $0x0  }
0x1f: {  	s9 =	smul.u32 $0xF7A, s1;
	s8 =	simm.s32 @!p0 $0x1BF5;
	p2 =	por !p2, p0  }
0x20: {  	[sflag:s8] =	ssyncset.s32 @!p0 $0xFFFFF086;
	s6 =	sadd.s32 @!p0 s3, s7;
	s7 =	simm.s32 @!p0 $0x108  }
0x21: {  	s3 =	sadd.s32 s3, s9;
	s6 =	sadd.s32 @!p0 $0x88, s6;
	s7 =	simm.s32 @p2 $0x1082  }
0x22: {  	[simem:s7], [sflag:s8] =	dma.local @!p0 [hbm:s6], $0xF7A  }
0x23: {  	s9 =	sor.u32 $0xD0000000, s2;
	s6 =	simm.s32 $0x108;
	_ =	swait.ge @!p0 [sflag:s8], $0x0  }
0x24: {  	s3 =	sadd.s32 $0x88, s3;
	s6 =	simm.s32 @!p1 $0x1082;
	[sflag:s4] =	ssyncset.s32 $0xFFFFF086  }
0x25: {  	[simem:s6], [sflag:s4] =	dma.local [hbm:s3], $0xF7A  }
0x26: {  	[smem:$0x3F9D] =	sst s1;
	(tag) =	ssettag s2;
	_ =	strace s9  }
0x27: {  	s1 =	sld [smem:$0x3FAD]  }
0x28: {  	s2 =	sld [smem:$0x3FAE]  }
0x29: {  	s4 =	sld [smem:$0x3FB0]  }
0x2a: {  	p0 =	seq.s32 s5, $0x0;
	s5 =	sld [smem:$0x3FB1]  }
0x2b: {  	s6 =	sld [smem:$0x3FB2]  }
0x2c: {  	s7 =	sld [smem:$0x3FB3]  }
0x2d: {  	s3 =	simm.s32 $0x108;
	s8 =	sld [smem:$0x3FB4]  }
0x2e: {  	s3 =	simm.s32 @!p0 $0x1082;
	s9 =	sld [smem:$0x3FB5]  }
0x2f: {  	lr =	sadd.s32 s0, s3;
	s0 =	sld [smem:$0x3FAC]  }
0x30: {  	s3 =	sld [smem:$0x3FAF]  }
0x31: {  	[smem:$0x3FB8] =	sst s10  }
0x32: {  	s10 =	sld [smem:$0x3FB6];
	_ =	sdelay $0x3  }
0x33: {  	p0 =	seq.s32 s10, $0x1;
	s10 =	sld [smem:$0x3FB8];
	_ =	sdelay $0x3  }
0x34: {  	[smem:$0x3FB8] =	sst s10  }
0x35: {  	s10 =	sld [smem:$0x3FB7];
	_ =	sdelay $0x3  }
0x36: {  	p1 =	seq.s32 s10, $0x1;
	s10 =	sld [smem:$0x3FB8];
	_ =	sdelay $0x3  }
0x37: {  	[smem:$0x3FB8] =	sst s10  }
0x38: {  	s10 =	sld [smem:$0x3FB9]  }
0x39: {  	_ = 	snop;
	(pc) =	sbr.ind lr, $3  }
0x3a: {  	_ = 	snop  }
0x3b: {  	_ = 	snop  }
0x3c: {  	p2 =	seq.s32 s10, $0x1;
	s10 =	sld [smem:$0x3FB8]  }
0x3d: {  	_ =	shalt  }
0x3e: {  	_ =	shalt  }
0x3f: {  	_ =	shalt  }
0x40: {  	_ =	shalt  }
0x41: {  	_ =	shalt  }
0x42: {  	_ =	shalt  }
0x43: {  	_ =	shalt  }
0x44: {  	_ =	shalt  }
0x45: {  	_ =	shalt  }
0x46: {  	_ =	shalt  }
0x47: {  	_ =	shalt  }
0x48: {  	_ =	shalt  }
0x49: {  	_ =	shalt  }
0x4a: {  	_ =	shalt  }
0x4b: {  	_ =	shalt  }
0x4c: {  	_ =	shalt  }
0x4d: {  	_ =	shalt  }
0x4e: {  	_ =	shalt  }
0x4f: {  	_ =	shalt  }
0x50: {  	_ =	shalt  }
0x51: {  	_ =	shalt  }
0x52: {  	_ =	shalt  }
0x53: {  	_ =	shalt  }
0x54: {  	_ =	shalt  }
0x55: {  	_ =	shalt  }
0x56: {  	_ =	shalt  }
0x57: {  	_ =	shalt  }
0x58: {  	_ =	shalt  }
0x59: {  	_ =	shalt  }
0x5a: {  	_ =	shalt  }
0x5b: {  	_ =	shalt  }
0x5c: {  	_ =	shalt  }
0x5d: {  	_ =	shalt  }
0x5e: {  	_ =	shalt  }
0x5f: {  	_ =	shalt  }
0x60: {  	_ =	shalt  }
0x61: {  	_ =	shalt  }
0x62: {  	_ =	shalt  }
0x63: {  	_ =	shalt  }
0x64: {  	_ =	shalt  }
0x65: {  	_ =	shalt  }
0x66: {  	_ =	shalt  }
0x67: {  	_ =	shalt  }
0x68: {  	_ =	shalt  }
0x69: {  	_ =	shalt  }
0x6a: {  	_ =	shalt  }
0x6b: {  	_ =	shalt  }
0x6c: {  	_ =	shalt  }
0x6d: {  	_ =	shalt  }
0x6e: {  	_ =	shalt  }
0x6f: {  	_ =	shalt  }
0x70: {  	_ =	shalt  }
0x71: {  	_ =	shalt  }
0x72: {  	_ =	shalt  }
0x73: {  	_ =	shalt  }
0x74: {  	_ =	shalt  }
0x75: {  	_ =	shalt  }
0x76: {  	_ =	shalt  }
0x77: {  	_ =	shalt  }
0x78: {  	_ =	shalt  }
0x79: {  	_ =	shalt  }
0x7a: {  	_ =	shalt  }
0x7b: {  	_ =	shalt  }
0x7c: {  	_ =	shalt  }
0x7d: {  	_ =	shalt  }
0x7e: {  	_ =	shalt  }
0x7f: {  	_ =	shalt  }
0x80: {  	_ =	shalt  }
0x81: {  	_ =	shalt  }
0x82: {  	_ =	shalt  }
0x83: {  	_ =	shalt  }
0x84: {  	_ =	shalt  }
0x85: {  	_ =	shalt  }
0x86: {  	_ =	shalt  }
0x87: {  	_ =	shalt  }
.Lfunc_end0:
.L_simem_size_0:
called_computation.1_lowered:
.L_overlay_start_0:
0x88: {  	s2 =	sld [smem:$0x3FD9]  }
0x89: {  	s3 =	sld [smem:$0x3FFE];
	_ =	sdelay $0x1  }
0x8a: {  	s1 =	srdreg.scid  }
0x8b: {  	s0 =	sand.u32 $0x1, s1  }
0x8c: {  	s17 =	sshll.u32 s0, $0xA;
	s2 =	sadd.s32 s3, s2  }
0x8d: {  	s2 =	sadd.s32 s2, s17  }
0x8e: {  	[smem:$0x3FC4] =	sst s2  }
0x8f: {  	_ = 	snop  }
0x90: {  	s18 =	sld [smem:$0x3FC8];
	(tm) =	ssettm $0x1  }
0x91: {  	s19 =	sld [smem:$0x3FFB];
	_ =	sdelay $0x3  }
0x92: {  	_ =	strace s19  }
0x93: {  	s2 =	sld [smem:$0x3FFC];
	_ =	sdelay $0x3  }
0x94: {  	_ =	strace s2  }
0x95: {  	s2 =	sld [smem:$0x3FFD];
	_ =	sdelay $0x3  }
0x96: {  	_ =	strace s2  }
0x97: {  	_ =	strace $0x8FFFFFFF  }
0x98: {  	s20 =	sld [smem:$0x3FDB];
	_ =	sdelay $0x1  }
0x99: {  	s4 =	simm.s32 $_scs_section_size  }
0x9a: {  	s5 =	simm.s32 $_size__tile_overlayer_lowered;
	s6 =	simm.s32 $_tile_overlayer_lowered  }
0x9b: {  	s7 =	simm.s32 $0x1BFF;
	s21 =	sshll.u32 s6, $0x1;
	s4 =	sadd.s32 s4, s20  }
0x9c: {  	s22 =	simm.s32 $0x0;
	s5 =	sshll.u32 s5, $0x1;
	s6 =	sadd.s32 s21, s4  }
0x9d: {  	[timem:s22], [sflag:s7] =	dma.local [hbm:s6], s5  }
0x9e: {  	_ =	swait.ge [sflag:s7], s5  }
0x9f: {  	s5 =	ssub.s32 $0x0, s5;
	[sflag:s7] =	ssyncset.done $0x0  }
0xa0: {  	[sflag:s7] =	ssyncadd.s32 s5;
	_ =	sdelay $0x1  }
0xa1: {  	s23 =	simm.s32 $0x1B8B  }
0xa2: {  	_ =	swait.ge [sflag:s23], $0x1  }
0xa3: {  	[sflag:s23] =	ssyncset.done $0x0  }
0xa4: {  	[sflag:s23] =	ssyncadd.s32 $0xFFFFFFFF  }
0xa5: {  	s5 =	sld [smem:$0x0]  }
0xa6: {  	s6 =	sand.u32 $0xFFFFFFFE, s1  }
0xa7: {  	p0 =	sne.s32 s1, s6  }
0xa8: {  	s6 =	sshll.u32 @p0 s6, $0xE  }
0xa9: {  	s6 =	sadd.s32 @p0 $0x11B8D, s6;
	s7 =	sshll.u32 @p0 s5, $0x11  }
0xaa: {  	s6 =	sor.u32 @p0 s7, s6  }
0xab: {  	[sflag:s6] =	ssyncadd.remote.s32 @p0 $0x1;
	_ =	sdelay $0x1  }
0xac: {  	s6 =	simm.s32 @p0 $0x1B8D  }
0xad: {  	_ =	swait.eq @p0 [sflag:s6], $0x1  }
0xae: {  	[sflag:s6] =	ssyncadd.s32 @p0 $0xFFFFFFFF  }
0xaf: {  	s7 =	sshll.u32 @!p0 s1, $0xE  }
0xb0: {  	s7 =	sor.u32 @!p0 $0x4000, s7;
	s6 =	simm.s32 @!p0 $0x1B8D  }
0xb1: {  	s5 =	sshll.u32 @!p0 s5, $0x11;
	s7 =	sadd.s32 @!p0 $0x11B8D, s7;
	_ =	swait.eq @!p0 [sflag:s6], $0x1  }
0xb2: {  	s5 =	sor.u32 @!p0 s5, s7;
	[sflag:s6] =	ssyncadd.s32 @!p0 $0xFFFFFFFF  }
0xb3: {  	s25 =	simm.s32 $0x1B8E;
	s24 =	sld [smem:$0x3FFE];
	[sflag:s5] =	ssyncadd.remote.s32 @!p0 $0x1  }
0xb4: {  	s26 =	simm.s32 $execute0_lowered;
	[smem:$0x3FD2] =	sst s25  }
0xb5: {  	s6 =	sshll.u32 s26, $0x1;
	_ =	strace $0x80000049;
	[dreg:$0x1] =	wrdreg $0xFFFFFFFF  }
0xb6: {  	s28 =	simm.s32 $_size_execute0_lowered;
	s4 =	sadd.s32 s4, s6;
	[dreg:$0x0] =	wrdreg $0x0  }
0xb7: {  	s6 =	sshll.u32 s28, $0x1;
	[dreg:$0x2] =	wrdreg s4  }
0xb8: {  	[dreg:$0x3] =	wrdreg s6  }
0xb9: {  	[dreg:$0x4] =	wrdreg $0xC0  }
0xba: {  	_ =	task [dreg:s22], $0x5FFFF  }
0xbb: {  	[dreg:$0x1] =	wrdreg $0xFFFFFFFF  }
0xbc: {  	[dreg:$0x0] =	wrdreg $0x60  }
0xbd: {  	[dreg:$0x2] =	wrdreg s24  }
0xbe: {  	[dreg:$0x3] =	wrdreg s18  }
0xbf: {  	[dreg:$0x4] =	wrdreg $0xA  }
0xc0: {  	_ =	task.clear_ibuf [dreg:s22], $0x5FFFF;
	_ =	strace $0x90000049  }
0xc1: {  	s29 =	simm.s32 $0xA;
	_ =	strace $0x8000004B  }
0xc2: {  	_ =	swait.ge [sflag:s29], $0x1  }
0xc3: {  	[sflag:s29] =	ssyncadd.s32 $0xFFFFFFFF  }
0xc4: {  	_ =	strace $0x9000004B  }
0xc5: {  	_ =	sfence  }
0xc6: {  	s30 =	sld [smem:$0x0];
	_ =	sdelay $0x2  }
0xc7: {  	s31 =	sshll.u32 s1, $0xD;
	s1 =	sshrl.u32 s1, $0x2  }
0xc8: {  	s4 =	sand.u32 $0x4000, s31;
	s1 =	sadd.s32 s1, s30  }
0xc9: {  	s0 =	sor.u32 s4, s0;
	s1 =	sshll.u32 s1, $0x11  }
0xca: {  	s0 =	sor.u32 s1, s0  }
0xcb: {  	s0 =	sadd.s32 $0x8F2B, s0  }
0xcc: {  	[sflag:s0] =	ssyncadd.remote.s32 $0x1  }
0xcd: {  	_ =	sfence.sel $0xFFFF  }
0xce: {  	[dreg:$0x0] =	wrdreg $0xFFFFFFFF;
	(pc) =	sbr.abs _section_cstart, $3  }
0xcf: {  	[dreg:$0x1] =	wrdreg $0xFFFFFFFF  }
0xd0: {  	_ =	task.clear_ibuf [dreg:s22], $0x2FFFF;
	_ =	strace $0x9FFFFFFF  }
0xd1: {  	(tm) =	ssettm $0x7FFFFFFF  }
tec
execute0_lowered:
.L_overlay_start_1:
0x0: {  	(tag) =	ssettag $0x1  }
0x1: {  	s0 =	rddreg [dreg:$0x0]  }
0x2: {  	s2 =	rddreg [dreg:$0x1]  }
0x3: {  	s1 =	srdreg.scid;
	s4 =	stileid.u32  }
0x4: {  	s3 =	simm.s32 $0x0;
	s8 =	simm.s32 $0x3;
	s28 =	simm.s32 $0x2  }
0x5: {  	s30 =	simm.s32 $0x400;
	s31 =	simm.s32 $0xC00;
	s9 =	simm.s32 $0x1400  }
0x6: {  	s10 =	simm.s32 $0x2400;
	s11 =	simm.s32 $0x2C00;
	s12 =	simm.s32 $0x3400  }
0x7: {  	s13 =	simm.s32 $0x3C00;
	s14 =	simm.s32 $0x4400;
	s15 =	simm.s32 $0x4C00  }
0x8: {  	s16 =	simm.s32 $0x5400;
	s17 =	simm.s32 $0x5C00;
	s18 =	simm.s32 $0x6400  }
0x9: {  	s19 =	simm.s32 $0x6C00;
	s20 =	simm.s32 $0x7400;
	s21 =	simm.s32 $0x7C00  }
0xa: {  	s22 =	simm.s32 $0x8400;
	s1 =	sand.u32 $0x1, s1;
	s4 =	sshll.u32 s4, $0x1  }
0xb: {  	s23 =	simm.s32 $0x8C00;
	s24 =	simm.s32 $0x9400;
	s4 =	sor.u32 s1, s4  }
0xc: {  	[smem:$0x7FF] =	sst s3;
	s5 =	sshll.u32 s4, $0x7;
	s6 =	smul.u32 $0x3C000, s4  }
0xd: {  	_ =	strace $0x8000004A;
	s4 =	smul.u32 $0x7800, s4;
	s5 =	sadd.s32 s5, s0  }
0xe: {  	s0 =	sadd.s32 $0x3600, s0;
	s5 =	sadd.s32 $0x2600, s5;
	s6 =	sshrl.u32 s6, $0x3  }
0xf: {  	s4 =	sadd.s32 s0, s4;
	[dreg:$0x3] =	wrdreg s5;
	s0 =	sadd.s32 s0, s6  }
0x10: {  	s1 =	ssub.s32 $0x2, s1;
	[dreg:$0x4] =	wrdreg s4;
	s26 =	sadd.s32 $0x1400, s0  }
0x11: {  	s25 =	sshrl.u32 s1, $0x1;
	s29 =	sadd.s32 $0x2800, s0;
	[dreg:$0x5] =	wrdreg s26  }
0x12: {  	s1 =	ssub.s32 s1, s25;
	s6 =	sadd.s32 $0x3C00, s0;
	[dreg:$0x6] =	wrdreg s29  }
0x13: {  	s25 =	simm.s32 $0x9C00;
	s7 =	sadd.s32 $0x5000, s0;
	[dreg:$0x7] =	wrdreg s6  }
0x14: {  	v2 =	vlaneseq.u32;
	s4 =	sadd.s32 $0x100, s2;
	s0 =	sadd.s32 $0x6400, s0;
	[dreg:$0x8] =	wrdreg s7  }
0x15: {  	vm0 =	vmmov $0xffff;
	v1 =	vshrl.u32 v2, $0x3;
	s5 =	sadd.s32 $0x200, s2;
	s6 =	sadd.s32 $0x300, s2;
	[dreg:$0x9] =	wrdreg s0  }
0x16: {  	v0 =	vand.u32 $0x7, v2;
	v2 =	vor.u32 $0x8, v2;
	v1 =	vmul.u32 $0x8, v1;
	s7 =	smax.u32 s1, $0x1;
	s26 =	simm.s32 $0x1;
	s0 =	simm.s32 $0xA400  }
.LBB2_1:
0x17: {  	s29 =	rddreg [dreg:$0x3]  }
0x18: {  	[tilespmem:s3], [sflag:$0x3] =	stream.linear.gather [hbm4b:s29+s3], $0x300, $0x38;
	[tilespmem:$0x14400] =	vst v63  }
0x19: {  	_ =	swait.ge [sflag:s8], $0x300  }
0x1a: {  	[sflag:s8] =	ssyncset.done $0x0  }
0x1b: {  	[sflag:s8] =	ssyncadd.s32 $0xFFFFFD00  }
0x1c: {  	v3 =	vld [tilespmem:$0x0];
	_ =	sdelay $0x4  }
0x1d: {  	v4 =	vshll.u32 v3, $0x3  }
0x1e: {  	v3 =	vand.u32 $0x7, v3;
	v4 =	vand.u32 $0xFFFFFFC0, v4  }
0x1f: {  	v3 =	vor.u32 v3, v4  }
0x20: {  	v4 =	vperm.xlane v3, v0;
	_ =	sdelay $0x1  }
0x21: {  	v4 =	vadd.s32 v1, v4;
	_ =	sdelay $0x4  }
0x22: {  	[tilespmem:s30], [sflag:$0x1] =	stream.indirect_vreg.gather [hbm4b:s2+s3], $0x80, v4, vm0, $0xb8;
	[tilespmem:$0x14400] =	vst v63  }
0x23: {  	v3 =	vperm.xlane v3, v2  }
0x24: {  	[tilespmem:s31], [sflag:$0x1] =	stream.indirect_vreg.gather [hbm4b:s4+s3], $0x80, v4, vm0, $0xb8;
	[tilespmem:$0x14400] =	vst v63  }
0x25: {  	v3 =	vadd.s32 v1, v3  }
0x26: {  	[tilespmem:s9], [sflag:$0x1] =	stream.indirect_vreg.gather [hbm4b:s5+s3], $0x80, v4, vm0, $0xb8;
	[tilespmem:$0x14400] =	vst v63  }
0x27: {  	s1 =	simm.s32 $0x1C00  }
0x28: {  	[tilespmem:s1], [sflag:$0x1] =	stream.indirect_vreg.gather [hbm4b:s6+s3], $0x80, v4, vm0, $0xb8;
	[tilespmem:$0x14400] =	vst v63  }
0x29: {  	_ = 	snop  }
0x2a: {  	[tilespmem:s10], [sflag:$0x1] =	stream.indirect_vreg.gather [hbm4b:s2+s3], $0x80, v3, vm0, $0xb8;
	[tilespmem:$0x14400] =	vst v63  }
0x2b: {  	_ = 	snop  }
0x2c: {  	[tilespmem:s11], [sflag:$0x1] =	stream.indirect_vreg.gather [hbm4b:s4+s3], $0x80, v3, vm0, $0xb8;
	[tilespmem:$0x14400] =	vst v63  }
0x2d: {  	_ = 	snop  }
0x2e: {  	[tilespmem:s12], [sflag:$0x1] =	stream.indirect_vreg.gather [hbm4b:s5+s3], $0x80, v3, vm0, $0xb8;
	[tilespmem:$0x14400] =	vst v63  }
0x2f: {  	_ = 	snop  }
0x30: {  	[tilespmem:s13], [sflag:$0x1] =	stream.indirect_vreg.gather [hbm4b:s6+s3], $0x80, v3, vm0, $0xb8;
	[tilespmem:$0x14400] =	vst v63  }
0x31: {  	v3 =	vld [tilespmem:$0x10];
	_ =	sdelay $0x4  }
0x32: {  	v47 =	vshll.u32 v3, $0x3  }
0x33: {  	v3 =	vand.u32 $0x7, v3;
	v4 =	vand.u32 $0xFFFFFFC0, v47  }
0x34: {  	v3 =	vor.u32 v3, v4  }
0x35: {  	v4 =	vperm.xlane v3, v0;
	_ =	sdelay $0x1  }
0x36: {  	v4 =	vadd.s32 v1, v4;
	_ =	sdelay $0x4  }
0x37: {  	[tilespmem:s14], [sflag:$0x1] =	stream.indirect_vreg.gather [hbm4b:s2+s3], $0x80, v4, vm0, $0xb8;
	[tilespmem:$0x14400] =	vst v63  }
0x38: {  	v3 =	vperm.xlane v3, v2  }
0x39: {  	[tilespmem:s15], [sflag:$0x1] =	stream.indirect_vreg.gather [hbm4b:s4+s3], $0x80, v4, vm0, $0xb8;
	[tilespmem:$0x14400] =	vst v63  }
0x3a: {  	v3 =	vadd.s32 v1, v3  }
0x3b: {  	[tilespmem:s16], [sflag:$0x1] =	stream.indirect_vreg.gather [hbm4b:s5+s3], $0x80, v4, vm0, $0xb8;
	[tilespmem:$0x14400] =	vst v63  }
0x3c: {  	_ = 	snop  }
0x3d: {  	[tilespmem:s17], [sflag:$0x1] =	stream.indirect_vreg.gather [hbm4b:s6+s3], $0x80, v4, vm0, $0xb8;
	[tilespmem:$0x14400] =	vst v63  }
0x3e: {  	_ = 	snop  }
0x3f: {  	[tilespmem:s18], [sflag:$0x1] =	stream.indirect_vreg.gather [hbm4b:s2+s3], $0x80, v3, vm0, $0xb8;
	[tilespmem:$0x14400] =	vst v63  }
0x40: {  	_ = 	snop  }
0x41: {  	[tilespmem:s19], [sflag:$0x1] =	stream.indirect_vreg.gather [hbm4b:s4+s3], $0x80, v3, vm0, $0xb8;
	[tilespmem:$0x14400] =	vst v63  }
0x42: {  	_ = 	snop  }
0x43: {  	[tilespmem:s20], [sflag:$0x1] =	stream.indirect_vreg.gather [hbm4b:s5+s3], $0x80, v3, vm0, $0xb8;
	[tilespmem:$0x14400] =	vst v63  }
0x44: {  	_ = 	snop  }
0x45: {  	[tilespmem:s21], [sflag:$0x1] =	stream.indirect_vreg.gather [hbm4b:s6+s3], $0x80, v3, vm0, $0xb8;
	[tilespmem:$0x14400] =	vst v63  }
0x46: {  	v3 =	vld.msk [tilespmem:$0x20], $0xff;
	_ =	sdelay $0x4  }
0x47: {  	v48 =	vshll.u32 v3, $0x3  }
0x48: {  	v3 =	vand.u32 $0x7, v3;
	v4 =	vand.u32 $0xFFFFFFC0, v48  }
0x49: {  	v3 =	vor.u32 v3, v4  }
0x4a: {  	v3 =	vperm.xlane v3, v0;
	_ =	sdelay $0x1  }
0x4b: {  	v3 =	vadd.s32 v1, v3;
	_ =	sdelay $0x4  }
0x4c: {  	[tilespmem:s22], [sflag:$0x1] =	stream.indirect_vreg.gather [hbm4b:s2+s3], $0x80, v3, vm0, $0xb8;
	[tilespmem:$0x14400] =	vst v63  }
0x4d: {  	_ = 	snop  }
0x4e: {  	[tilespmem:s23], [sflag:$0x1] =	stream.indirect_vreg.gather [hbm4b:s4+s3], $0x80, v3, vm0, $0xb8;
	[tilespmem:$0x14400] =	vst v63  }
0x4f: {  	_ = 	snop  }
0x50: {  	[tilespmem:s24], [sflag:$0x1] =	stream.indirect_vreg.gather [hbm4b:s5+s3], $0x80, v3, vm0, $0xb8;
	[tilespmem:$0x14400] =	vst v63  }
0x51: {  	_ = 	snop  }
0x52: {  	[tilespmem:s25], [sflag:$0x1] =	stream.indirect_vreg.gather [hbm4b:s6+s3], $0x80, v3, vm0, $0xb8;
	[tilespmem:$0x14400] =	vst v63  }
0x53: {  	v3 =	vld [tilespmem:$0x80];
	_ =	sdelay $0x4  }
0x54: {  	v49 =	vshll.u32 v3, $0x3  }
0x55: {  	v3 =	vand.u32 $0x7, v3;
	v4 =	vand.u32 $0xFFFFFFC0, v49  }
0x56: {  	v3 =	vor.u32 v3, v4  }
0x57: {  	v4 =	vperm.xlane v3, v0;
	_ =	sdelay $0x1  }
0x58: {  	v4 =	vadd.s32 v1, v4;
	_ =	sdelay $0x4  }
0x59: {  	[tilespmem:s0], [sflag:$0x2] =	stream.indirect_vreg.gather [hbm4b:s2+s3], $0x80, v4, vm0, $0xb8;
	[tilespmem:$0x14400] =	vst v63  }
0x5a: {  	s29 =	simm.s32 $0xAC00;
	v3 =	vperm.xlane v3, v2  }
0x5b: {  	[tilespmem:s29], [sflag:$0x2] =	stream.indirect_vreg.gather [hbm4b:s4+s3], $0x80, v4, vm0, $0xb8;
	[tilespmem:$0x14400] =	vst v63  }
0x5c: {  	v3 =	vadd.s32 v1, v3;
	s29 =	simm.s32 $0xB400  }
0x5d: {  	[tilespmem:s29], [sflag:$0x2] =	stream.indirect_vreg.gather [hbm4b:s5+s3], $0x80, v4, vm0, $0xb8;
	[tilespmem:$0x14400] =	vst v63  }
0x5e: {  	s29 =	simm.s32 $0xBC00  }
0x5f: {  	[tilespmem:s29], [sflag:$0x2] =	stream.indirect_vreg.gather [hbm4b:s6+s3], $0x80, v4, vm0, $0xb8;
	[tilespmem:$0x14400] =	vst v63  }
0x60: {  	s29 =	simm.s32 $0xC400  }
0x61: {  	[tilespmem:s29], [sflag:$0x2] =	stream.indirect_vreg.gather [hbm4b:s2+s3], $0x80, v3, vm0, $0xb8;
	[tilespmem:$0x14400] =	vst v63  }
0x62: {  	s29 =	simm.s32 $0xCC00  }
0x63: {  	[tilespmem:s29], [sflag:$0x2] =	stream.indirect_vreg.gather [hbm4b:s4+s3], $0x80, v3, vm0, $0xb8;
	[tilespmem:$0x14400] =	vst v63  }
0x64: {  	s29 =	simm.s32 $0xD400  }
0x65: {  	[tilespmem:s29], [sflag:$0x2] =	stream.indirect_vreg.gather [hbm4b:s5+s3], $0x80, v3, vm0, $0xb8;
	[tilespmem:$0x14400] =	vst v63  }
0x66: {  	s29 =	simm.s32 $0xDC00  }
0x67: {  	[tilespmem:s29], [sflag:$0x2] =	stream.indirect_vreg.gather [hbm4b:s6+s3], $0x80, v3, vm0, $0xb8;
	[tilespmem:$0x14400] =	vst v63  }
0x68: {  	v3 =	vld [tilespmem:$0x90];
	_ =	sdelay $0x4  }
0x69: {  	v50 =	vshll.u32 v3, $0x3  }
0x6a: {  	v3 =	vand.u32 $0x7, v3;
	v4 =	vand.u32 $0xFFFFFFC0, v50  }
0x6b: {  	v3 =	vor.u32 v3, v4  }
0x6c: {  	v4 =	vperm.xlane v3, v0;
	_ =	sdelay $0x1  }
0x6d: {  	v4 =	vadd.s32 v1, v4;
	_ =	sdelay $0x3  }
0x6e: {  	s29 =	simm.s32 $0xE400  }
0x6f: {  	[tilespmem:s29], [sflag:$0x2] =	stream.indirect_vreg.gather [hbm4b:s2+s3], $0x80, v4, vm0, $0xb8;
	[tilespmem:$0x14400] =	vst v63  }
0x70: {  	v3 =	vperm.xlane v3, v2;
	s29 =	simm.s32 $0xEC00  }
0x71: {  	[tilespmem:s29], [sflag:$0x2] =	stream.indirect_vreg.gather [hbm4b:s4+s3], $0x80, v4, vm0, $0xb8;
	[tilespmem:$0x14400] =	vst v63  }
0x72: {  	v3 =	vadd.s32 v1, v3;
	s29 =	simm.s32 $0xF400  }
0x73: {  	[tilespmem:s29], [sflag:$0x2] =	stream.indirect_vreg.gather [hbm4b:s5+s3], $0x80, v4, vm0, $0xb8;
	[tilespmem:$0x14400] =	vst v63  }
0x74: {  	s29 =	simm.s32 $0xFC00  }
0x75: {  	[tilespmem:s29], [sflag:$0x2] =	stream.indirect_vreg.gather [hbm4b:s6+s3], $0x80, v4, vm0, $0xb8;
	[tilespmem:$0x14400] =	vst v63  }
0x76: {  	s29 =	simm.s32 $0x10400  }
0x77: {  	[tilespmem:s29], [sflag:$0x2] =	stream.indirect_vreg.gather [hbm4b:s2+s3], $0x80, v3, vm0, $0xb8;
	[tilespmem:$0x14400] =	vst v63  }
0x78: {  	s29 =	simm.s32 $0x10C00  }
0x79: {  	[tilespmem:s29], [sflag:$0x2] =	stream.indirect_vreg.gather [hbm4b:s4+s3], $0x80, v3, vm0, $0xb8;
	[tilespmem:$0x14400] =	vst v63  }
0x7a: {  	s29 =	simm.s32 $0x11400  }
0x7b: {  	[tilespmem:s29], [sflag:$0x2] =	stream.indirect_vreg.gather [hbm4b:s5+s3], $0x80, v3, vm0, $0xb8;
	[tilespmem:$0x14400] =	vst v63  }
0x7c: {  	s29 =	simm.s32 $0x11C00  }
0x7d: {  	[tilespmem:s29], [sflag:$0x2] =	stream.indirect_vreg.gather [hbm4b:s6+s3], $0x80, v3, vm0, $0xb8;
	[tilespmem:$0x14400] =	vst v63  }
0x7e: {  	v3 =	vld.msk [tilespmem:$0xA0], $0xff;
	_ =	sdelay $0x4  }
0x7f: {  	v51 =	vshll.u32 v3, $0x3  }
0x80: {  	v3 =	vand.u32 $0x7, v3;
	v4 =	vand.u32 $0xFFFFFFC0, v51  }
0x81: {  	v3 =	vor.u32 v3, v4  }
0x82: {  	v3 =	vperm.xlane v3, v0;
	_ =	sdelay $0x1  }
0x83: {  	v3 =	vadd.s32 v1, v3;
	_ =	sdelay $0x3  }
0x84: {  	s29 =	simm.s32 $0x12400  }
0x85: {  	[tilespmem:s29], [sflag:$0x2] =	stream.indirect_vreg.gather [hbm4b:s2+s3], $0x80, v3, vm0, $0xb8;
	[tilespmem:$0x14400] =	vst v63  }
0x86: {  	s29 =	simm.s32 $0x12C00  }
0x87: {  	[tilespmem:s29], [sflag:$0x2] =	stream.indirect_vreg.gather [hbm4b:s4+s3], $0x80, v3, vm0, $0xb8;
	[tilespmem:$0x14400] =	vst v63  }
0x88: {  	s29 =	simm.s32 $0x13400  }
0x89: {  	[tilespmem:s29], [sflag:$0x2] =	stream.indirect_vreg.gather [hbm4b:s5+s3], $0x80, v3, vm0, $0xb8;
	[tilespmem:$0x14400] =	vst v63  }
0x8a: {  	s29 =	simm.s32 $0x13C00  }
0x8b: {  	[tilespmem:s29], [sflag:$0x2] =	stream.indirect_vreg.gather [hbm4b:s6+s3], $0x80, v3, vm0, $0xb8;
	[tilespmem:$0x14400] =	vst v63  }
0x8c: {  	_ =	swait.ge [sflag:s26], $0xA000  }
0x8d: {  	[sflag:s26] =	ssyncset.done $0x0  }
0x8e: {  	s29 =	rddreg [dreg:$0x4];
	[sflag:s26] =	ssyncadd.s32 $0xFFFF6000  }
0x8f: {  	[hbm4b:s29+s3] =	stream.linear.scatter [tilespmem:s30], [sflag:$0x3], $0xA000, $0x38;
	[tilespmem:$0x14400] =	vst v63  }
0x90: {  	_ =	swait.ge [sflag:s8], $0xA000  }
0x91: {  	[sflag:s8] =	ssyncset.done $0x0  }
0x92: {  	[sflag:s8] =	ssyncadd.s32 $0xFFFF6000  }
0x93: {  	v3 =	vld [tilespmem:$0x100];
	_ =	sdelay $0x4  }
0x94: {  	v52 =	vshll.u32 v3, $0x3  }
0x95: {  	v3 =	vand.u32 $0x7, v3;
	v4 =	vand.u32 $0xFFFFFFC0, v52  }
0x96: {  	v3 =	vor.u32 v3, v4  }
0x97: {  	v4 =	vperm.xlane v3, v0;
	_ =	sdelay $0x1  }
0x98: {  	v4 =	vadd.s32 v1, v4;
	_ =	sdelay $0x4  }
0x99: {  	[tilespmem:s30], [sflag:$0x1] =	stream.indirect_vreg.gather [hbm4b:s2+s3], $0x80, v4, vm0, $0xb8;
	[tilespmem:$0x14400] =	vst v63  }
0x9a: {  	v3 =	vperm.xlane v3, v2  }
0x9b: {  	[tilespmem:s31], [sflag:$0x1] =	stream.indirect_vreg.gather [hbm4b:s4+s3], $0x80, v4, vm0, $0xb8;
	[tilespmem:$0x14400] =	vst v63  }
0x9c: {  	v3 =	vadd.s32 v1, v3  }
0x9d: {  	[tilespmem:s9], [sflag:$0x1] =	stream.indirect_vreg.gather [hbm4b:s5+s3], $0x80, v4, vm0, $0xb8;
	[tilespmem:$0x14400] =	vst v63  }
0x9e: {  	_ = 	snop  }
0x9f: {  	[tilespmem:s1], [sflag:$0x1] =	stream.indirect_vreg.gather [hbm4b:s6+s3], $0x80, v4, vm0, $0xb8;
	[tilespmem:$0x14400] =	vst v63  }
0xa0: {  	_ = 	snop  }
0xa1: {  	[tilespmem:s10], [sflag:$0x1] =	stream.indirect_vreg.gather [hbm4b:s2+s3], $0x80, v3, vm0, $0xb8;
	[tilespmem:$0x14400] =	vst v63  }
0xa2: {  	_ = 	snop  }
0xa3: {  	[tilespmem:s11], [sflag:$0x1] =	stream.indirect_vreg.gather [hbm4b:s4+s3], $0x80, v3, vm0, $0xb8;
	[tilespmem:$0x14400] =	vst v63  }
0xa4: {  	_ = 	snop  }
0xa5: {  	[tilespmem:s12], [sflag:$0x1] =	stream.indirect_vreg.gather [hbm4b:s5+s3], $0x80, v3, vm0, $0xb8;
	[tilespmem:$0x14400] =	vst v63  }
0xa6: {  	_ = 	snop  }
0xa7: {  	[tilespmem:s13], [sflag:$0x1] =	stream.indirect_vreg.gather [hbm4b:s6+s3], $0x80, v3, vm0, $0xb8;
	[tilespmem:$0x14400] =	vst v63  }
0xa8: {  	v3 =	vld [tilespmem:$0x110];
	_ =	sdelay $0x4  }
0xa9: {  	v53 =	vshll.u32 v3, $0x3  }
0xaa: {  	v3 =	vand.u32 $0x7, v3;
	v4 =	vand.u32 $0xFFFFFFC0, v53  }
0xab: {  	v3 =	vor.u32 v3, v4  }
0xac: {  	v4 =	vperm.xlane v3, v0;
	_ =	sdelay $0x1  }
0xad: {  	v4 =	vadd.s32 v1, v4;
	_ =	sdelay $0x4  }
0xae: {  	[tilespmem:s14], [sflag:$0x1] =	stream.indirect_vreg.gather [hbm4b:s2+s3], $0x80, v4, vm0, $0xb8;
	[tilespmem:$0x14400] =	vst v63  }
0xaf: {  	v3 =	vperm.xlane v3, v2  }
0xb0: {  	[tilespmem:s15], [sflag:$0x1] =	stream.indirect_vreg.gather [hbm4b:s4+s3], $0x80, v4, vm0, $0xb8;
	[tilespmem:$0x14400] =	vst v63  }
0xb1: {  	v3 =	vadd.s32 v1, v3  }
0xb2: {  	[tilespmem:s16], [sflag:$0x1] =	stream.indirect_vreg.gather [hbm4b:s5+s3], $0x80, v4, vm0, $0xb8;
	[tilespmem:$0x14400] =	vst v63  }
0xb3: {  	_ = 	snop  }
0xb4: {  	[tilespmem:s17], [sflag:$0x1] =	stream.indirect_vreg.gather [hbm4b:s6+s3], $0x80, v4, vm0, $0xb8;
	[tilespmem:$0x14400] =	vst v63  }
0xb5: {  	_ = 	snop  }
0xb6: {  	[tilespmem:s18], [sflag:$0x1] =	stream.indirect_vreg.gather [hbm4b:s2+s3], $0x80, v3, vm0, $0xb8;
	[tilespmem:$0x14400] =	vst v63  }
0xb7: {  	_ = 	snop  }
0xb8: {  	[tilespmem:s19], [sflag:$0x1] =	stream.indirect_vreg.gather [hbm4b:s4+s3], $0x80, v3, vm0, $0xb8;
	[tilespmem:$0x14400] =	vst v63  }
0xb9: {  	_ = 	snop  }
0xba: {  	[tilespmem:s20], [sflag:$0x1] =	stream.indirect_vreg.gather [hbm4b:s5+s3], $0x80, v3, vm0, $0xb8;
	[tilespmem:$0x14400] =	vst v63  }
0xbb: {  	_ = 	snop  }
0xbc: {  	[tilespmem:s21], [sflag:$0x1] =	stream.indirect_vreg.gather [hbm4b:s6+s3], $0x80, v3, vm0, $0xb8;
	[tilespmem:$0x14400] =	vst v63  }
0xbd: {  	v3 =	vld.msk [tilespmem:$0x120], $0xff;
	_ =	sdelay $0x4  }
0xbe: {  	v54 =	vshll.u32 v3, $0x3  }
0xbf: {  	v3 =	vand.u32 $0x7, v3;
	v4 =	vand.u32 $0xFFFFFFC0, v54  }
0xc0: {  	v3 =	vor.u32 v3, v4  }
0xc1: {  	v3 =	vperm.xlane v3, v0;
	_ =	sdelay $0x1  }
0xc2: {  	v3 =	vadd.s32 v1, v3;
	_ =	sdelay $0x4  }
0xc3: {  	[tilespmem:s22], [sflag:$0x1] =	stream.indirect_vreg.gather [hbm4b:s2+s3], $0x80, v3, vm0, $0xb8;
	[tilespmem:$0x14400] =	vst v63  }
0xc4: {  	_ = 	snop  }
0xc5: {  	[tilespmem:s23], [sflag:$0x1] =	stream.indirect_vreg.gather [hbm4b:s4+s3], $0x80, v3, vm0, $0xb8;
	[tilespmem:$0x14400] =	vst v63  }
0xc6: {  	_ = 	snop  }
0xc7: {  	[tilespmem:s24], [sflag:$0x1] =	stream.indirect_vreg.gather [hbm4b:s5+s3], $0x80, v3, vm0, $0xb8;
	[tilespmem:$0x14400] =	vst v63  }
0xc8: {  	_ = 	snop  }
0xc9: {  	[tilespmem:s25], [sflag:$0x1] =	stream.indirect_vreg.gather [hbm4b:s6+s3], $0x80, v3, vm0, $0xb8;
	[tilespmem:$0x14400] =	vst v63  }
0xca: {  	_ =	swait.ge [sflag:s28], $0xA000  }
0xcb: {  	[sflag:s28] =	ssyncset.done $0x0  }
0xcc: {  	s29 =	rddreg [dreg:$0x5];
	[sflag:s28] =	ssyncadd.s32 $0xFFFF6000  }
0xcd: {  	[hbm4b:s29+s3] =	stream.linear.scatter [tilespmem:s0], [sflag:$0x3], $0xA000, $0x38;
	[tilespmem:$0x14400] =	vst v63  }
0xce: {  	_ =	swait.ge [sflag:s8], $0xA000  }
0xcf: {  	[sflag:s8] =	ssyncset.done $0x0  }
0xd0: {  	[sflag:s8] =	ssyncadd.s32 $0xFFFF6000  }
0xd1: {  	v3 =	vld [tilespmem:$0x180];
	_ =	sdelay $0x4  }
0xd2: {  	v55 =	vshll.u32 v3, $0x3  }
0xd3: {  	v3 =	vand.u32 $0x7, v3;
	v4 =	vand.u32 $0xFFFFFFC0, v55  }
0xd4: {  	v3 =	vor.u32 v3, v4  }
0xd5: {  	v4 =	vperm.xlane v3, v0;
	_ =	sdelay $0x1  }
0xd6: {  	v4 =	vadd.s32 v1, v4;
	_ =	sdelay $0x4  }
0xd7: {  	[tilespmem:s0], [sflag:$0x2] =	stream.indirect_vreg.gather [hbm4b:s2+s3], $0x80, v4, vm0, $0xb8;
	[tilespmem:$0x14400] =	vst v63  }
0xd8: {  	s29 =	simm.s32 $0xAC00;
	v3 =	vperm.xlane v3, v2  }
0xd9: {  	[tilespmem:s29], [sflag:$0x2] =	stream.indirect_vreg.gather [hbm4b:s4+s3], $0x80, v4, vm0, $0xb8;
	[tilespmem:$0x14400] =	vst v63  }
0xda: {  	v3 =	vadd.s32 v1, v3;
	s29 =	simm.s32 $0xB400  }
0xdb: {  	[tilespmem:s29], [sflag:$0x2] =	stream.indirect_vreg.gather [hbm4b:s5+s3], $0x80, v4, vm0, $0xb8;
	[tilespmem:$0x14400] =	vst v63  }
0xdc: {  	s29 =	simm.s32 $0xBC00  }
0xdd: {  	[tilespmem:s29], [sflag:$0x2] =	stream.indirect_vreg.gather [hbm4b:s6+s3], $0x80, v4, vm0, $0xb8;
	[tilespmem:$0x14400] =	vst v63  }
0xde: {  	s29 =	simm.s32 $0xC400  }
0xdf: {  	[tilespmem:s29], [sflag:$0x2] =	stream.indirect_vreg.gather [hbm4b:s2+s3], $0x80, v3, vm0, $0xb8;
	[tilespmem:$0x14400] =	vst v63  }
0xe0: {  	s29 =	simm.s32 $0xCC00  }
0xe1: {  	[tilespmem:s29], [sflag:$0x2] =	stream.indirect_vreg.gather [hbm4b:s4+s3], $0x80, v3, vm0, $0xb8;
	[tilespmem:$0x14400] =	vst v63  }
0xe2: {  	s29 =	simm.s32 $0xD400  }
0xe3: {  	[tilespmem:s29], [sflag:$0x2] =	stream.indirect_vreg.gather [hbm4b:s5+s3], $0x80, v3, vm0, $0xb8;
	[tilespmem:$0x14400] =	vst v63  }
0xe4: {  	s29 =	simm.s32 $0xDC00  }
0xe5: {  	[tilespmem:s29], [sflag:$0x2] =	stream.indirect_vreg.gather [hbm4b:s6+s3], $0x80, v3, vm0, $0xb8;
	[tilespmem:$0x14400] =	vst v63  }
0xe6: {  	v3 =	vld [tilespmem:$0x190];
	_ =	sdelay $0x4  }
0xe7: {  	v56 =	vshll.u32 v3, $0x3  }
0xe8: {  	v3 =	vand.u32 $0x7, v3;
	v4 =	vand.u32 $0xFFFFFFC0, v56  }
0xe9: {  	v3 =	vor.u32 v3, v4  }
0xea: {  	v4 =	vperm.xlane v3, v0;
	_ =	sdelay $0x1  }
0xeb: {  	v4 =	vadd.s32 v1, v4;
	_ =	sdelay $0x3  }
0xec: {  	s29 =	simm.s32 $0xE400  }
0xed: {  	[tilespmem:s29], [sflag:$0x2] =	stream.indirect_vreg.gather [hbm4b:s2+s3], $0x80, v4, vm0, $0xb8;
	[tilespmem:$0x14400] =	vst v63  }
0xee: {  	v3 =	vperm.xlane v3, v2;
	s29 =	simm.s32 $0xEC00  }
0xef: {  	[tilespmem:s29], [sflag:$0x2] =	stream.indirect_vreg.gather [hbm4b:s4+s3], $0x80, v4, vm0, $0xb8;
	[tilespmem:$0x14400] =	vst v63  }
0xf0: {  	v3 =	vadd.s32 v1, v3;
	s29 =	simm.s32 $0xF400  }
0xf1: {  	[tilespmem:s29], [sflag:$0x2] =	stream.indirect_vreg.gather [hbm4b:s5+s3], $0x80, v4, vm0, $0xb8;
	[tilespmem:$0x14400] =	vst v63  }
0xf2: {  	s29 =	simm.s32 $0xFC00  }
0xf3: {  	[tilespmem:s29], [sflag:$0x2] =	stream.indirect_vreg.gather [hbm4b:s6+s3], $0x80, v4, vm0, $0xb8;
	[tilespmem:$0x14400] =	vst v63  }
0xf4: {  	s29 =	simm.s32 $0x10400  }
0xf5: {  	[tilespmem:s29], [sflag:$0x2] =	stream.indirect_vreg.gather [hbm4b:s2+s3], $0x80, v3, vm0, $0xb8;
	[tilespmem:$0x14400] =	vst v63  }
0xf6: {  	s29 =	simm.s32 $0x10C00  }
0xf7: {  	[tilespmem:s29], [sflag:$0x2] =	stream.indirect_vreg.gather [hbm4b:s4+s3], $0x80, v3, vm0, $0xb8;
	[tilespmem:$0x14400] =	vst v63  }
0xf8: {  	s29 =	simm.s32 $0x11400  }
0xf9: {  	[tilespmem:s29], [sflag:$0x2] =	stream.indirect_vreg.gather [hbm4b:s5+s3], $0x80, v3, vm0, $0xb8;
	[tilespmem:$0x14400] =	vst v63  }
0xfa: {  	s29 =	simm.s32 $0x11C00  }
0xfb: {  	[tilespmem:s29], [sflag:$0x2] =	stream.indirect_vreg.gather [hbm4b:s6+s3], $0x80, v3, vm0, $0xb8;
	[tilespmem:$0x14400] =	vst v63  }
0xfc: {  	v3 =	vld.msk [tilespmem:$0x1A0], $0xff;
	_ =	sdelay $0x4  }
0xfd: {  	v57 =	vshll.u32 v3, $0x3  }
0xfe: {  	v3 =	vand.u32 $0x7, v3;
	v4 =	vand.u32 $0xFFFFFFC0, v57  }
0xff: {  	v3 =	vor.u32 v3, v4  }
0x100: {  	v3 =	vperm.xlane v3, v0;
	_ =	sdelay $0x1  }
0x101: {  	v3 =	vadd.s32 v1, v3;
	_ =	sdelay $0x3  }
0x102: {  	s29 =	simm.s32 $0x12400  }
0x103: {  	[tilespmem:s29], [sflag:$0x2] =	stream.indirect_vreg.gather [hbm4b:s2+s3], $0x80, v3, vm0, $0xb8;
	[tilespmem:$0x14400] =	vst v63  }
0x104: {  	s29 =	simm.s32 $0x12C00  }
0x105: {  	[tilespmem:s29], [sflag:$0x2] =	stream.indirect_vreg.gather [hbm4b:s4+s3], $0x80, v3, vm0, $0xb8;
	[tilespmem:$0x14400] =	vst v63  }
0x106: {  	s29 =	simm.s32 $0x13400  }
0x107: {  	[tilespmem:s29], [sflag:$0x2] =	stream.indirect_vreg.gather [hbm4b:s5+s3], $0x80, v3, vm0, $0xb8;
	[tilespmem:$0x14400] =	vst v63  }
0x108: {  	s29 =	simm.s32 $0x13C00  }
0x109: {  	[tilespmem:s29], [sflag:$0x2] =	stream.indirect_vreg.gather [hbm4b:s6+s3], $0x80, v3, vm0, $0xb8;
	[tilespmem:$0x14400] =	vst v63  }
0x10a: {  	_ =	swait.ge [sflag:s26], $0xA000  }
0x10b: {  	[sflag:s26] =	ssyncset.done $0x0  }
0x10c: {  	s29 =	rddreg [dreg:$0x6];
	[sflag:s26] =	ssyncadd.s32 $0xFFFF6000  }
0x10d: {  	[hbm4b:s29+s3] =	stream.linear.scatter [tilespmem:s30], [sflag:$0x3], $0xA000, $0x38;
	[tilespmem:$0x14400] =	vst v63  }
0x10e: {  	_ =	swait.ge [sflag:s8], $0xA000  }
0x10f: {  	[sflag:s8] =	ssyncset.done $0x0  }
0x110: {  	[sflag:s8] =	ssyncadd.s32 $0xFFFF6000  }
0x111: {  	v3 =	vld [tilespmem:$0x200];
	_ =	sdelay $0x4  }
0x112: {  	v58 =	vshll.u32 v3, $0x3  }
0x113: {  	v3 =	vand.u32 $0x7, v3;
	v4 =	vand.u32 $0xFFFFFFC0, v58  }
0x114: {  	v3 =	vor.u32 v3, v4  }
0x115: {  	v4 =	vperm.xlane v3, v0;
	_ =	sdelay $0x1  }
0x116: {  	v4 =	vadd.s32 v1, v4;
	_ =	sdelay $0x4  }
0x117: {  	[tilespmem:s30], [sflag:$0x1] =	stream.indirect_vreg.gather [hbm4b:s2+s3], $0x80, v4, vm0, $0xb8;
	[tilespmem:$0x14400] =	vst v63  }
0x118: {  	v3 =	vperm.xlane v3, v2  }
0x119: {  	[tilespmem:s31], [sflag:$0x1] =	stream.indirect_vreg.gather [hbm4b:s4+s3], $0x80, v4, vm0, $0xb8;
	[tilespmem:$0x14400] =	vst v63  }
0x11a: {  	v3 =	vadd.s32 v1, v3  }
0x11b: {  	[tilespmem:s9], [sflag:$0x1] =	stream.indirect_vreg.gather [hbm4b:s5+s3], $0x80, v4, vm0, $0xb8;
	[tilespmem:$0x14400] =	vst v63  }
0x11c: {  	_ = 	snop  }
0x11d: {  	[tilespmem:s1], [sflag:$0x1] =	stream.indirect_vreg.gather [hbm4b:s6+s3], $0x80, v4, vm0, $0xb8;
	[tilespmem:$0x14400] =	vst v63  }
0x11e: {  	_ = 	snop  }
0x11f: {  	[tilespmem:s10], [sflag:$0x1] =	stream.indirect_vreg.gather [hbm4b:s2+s3], $0x80, v3, vm0, $0xb8;
	[tilespmem:$0x14400] =	vst v63  }
0x120: {  	_ = 	snop  }
0x121: {  	[tilespmem:s11], [sflag:$0x1] =	stream.indirect_vreg.gather [hbm4b:s4+s3], $0x80, v3, vm0, $0xb8;
	[tilespmem:$0x14400] =	vst v63  }
0x122: {  	_ = 	snop  }
0x123: {  	[tilespmem:s12], [sflag:$0x1] =	stream.indirect_vreg.gather [hbm4b:s5+s3], $0x80, v3, vm0, $0xb8;
	[tilespmem:$0x14400] =	vst v63  }
0x124: {  	_ = 	snop  }
0x125: {  	[tilespmem:s13], [sflag:$0x1] =	stream.indirect_vreg.gather [hbm4b:s6+s3], $0x80, v3, vm0, $0xb8;
	[tilespmem:$0x14400] =	vst v63  }
0x126: {  	v3 =	vld [tilespmem:$0x210];
	_ =	sdelay $0x4  }
0x127: {  	v59 =	vshll.u32 v3, $0x3  }
0x128: {  	v3 =	vand.u32 $0x7, v3;
	v4 =	vand.u32 $0xFFFFFFC0, v59  }
0x129: {  	v3 =	vor.u32 v3, v4  }
0x12a: {  	v4 =	vperm.xlane v3, v0;
	_ =	sdelay $0x1  }
0x12b: {  	v4 =	vadd.s32 v1, v4;
	_ =	sdelay $0x4  }
0x12c: {  	[tilespmem:s14], [sflag:$0x1] =	stream.indirect_vreg.gather [hbm4b:s2+s3], $0x80, v4, vm0, $0xb8;
	[tilespmem:$0x14400] =	vst v63  }
0x12d: {  	v3 =	vperm.xlane v3, v2  }
0x12e: {  	[tilespmem:s15], [sflag:$0x1] =	stream.indirect_vreg.gather [hbm4b:s4+s3], $0x80, v4, vm0, $0xb8;
	[tilespmem:$0x14400] =	vst v63  }
0x12f: {  	v3 =	vadd.s32 v1, v3  }
0x130: {  	[tilespmem:s16], [sflag:$0x1] =	stream.indirect_vreg.gather [hbm4b:s5+s3], $0x80, v4, vm0, $0xb8;
	[tilespmem:$0x14400] =	vst v63  }
0x131: {  	_ = 	snop  }
0x132: {  	[tilespmem:s17], [sflag:$0x1] =	stream.indirect_vreg.gather [hbm4b:s6+s3], $0x80, v4, vm0, $0xb8;
	[tilespmem:$0x14400] =	vst v63  }
0x133: {  	_ = 	snop  }
0x134: {  	[tilespmem:s18], [sflag:$0x1] =	stream.indirect_vreg.gather [hbm4b:s2+s3], $0x80, v3, vm0, $0xb8;
	[tilespmem:$0x14400] =	vst v63  }
0x135: {  	_ = 	snop  }
0x136: {  	[tilespmem:s19], [sflag:$0x1] =	stream.indirect_vreg.gather [hbm4b:s4+s3], $0x80, v3, vm0, $0xb8;
	[tilespmem:$0x14400] =	vst v63  }
0x137: {  	_ = 	snop  }
0x138: {  	[tilespmem:s20], [sflag:$0x1] =	stream.indirect_vreg.gather [hbm4b:s5+s3], $0x80, v3, vm0, $0xb8;
	[tilespmem:$0x14400] =	vst v63  }
0x139: {  	_ = 	snop  }
0x13a: {  	[tilespmem:s21], [sflag:$0x1] =	stream.indirect_vreg.gather [hbm4b:s6+s3], $0x80, v3, vm0, $0xb8;
	[tilespmem:$0x14400] =	vst v63  }
0x13b: {  	v3 =	vld.msk [tilespmem:$0x220], $0xff;
	_ =	sdelay $0x4  }
0x13c: {  	v60 =	vshll.u32 v3, $0x3  }
0x13d: {  	v3 =	vand.u32 $0x7, v3;
	v4 =	vand.u32 $0xFFFFFFC0, v60  }
0x13e: {  	v3 =	vor.u32 v3, v4  }
0x13f: {  	v3 =	vperm.xlane v3, v0;
	_ =	sdelay $0x1  }
0x140: {  	v3 =	vadd.s32 v1, v3;
	_ =	sdelay $0x4  }
0x141: {  	[tilespmem:s22], [sflag:$0x1] =	stream.indirect_vreg.gather [hbm4b:s2+s3], $0x80, v3, vm0, $0xb8;
	[tilespmem:$0x14400] =	vst v63  }
0x142: {  	_ = 	snop  }
0x143: {  	[tilespmem:s23], [sflag:$0x1] =	stream.indirect_vreg.gather [hbm4b:s4+s3], $0x80, v3, vm0, $0xb8;
	[tilespmem:$0x14400] =	vst v63  }
0x144: {  	_ = 	snop  }
0x145: {  	[tilespmem:s24], [sflag:$0x1] =	stream.indirect_vreg.gather [hbm4b:s5+s3], $0x80, v3, vm0, $0xb8;
	[tilespmem:$0x14400] =	vst v63  }
0x146: {  	_ = 	snop  }
0x147: {  	[tilespmem:s25], [sflag:$0x1] =	stream.indirect_vreg.gather [hbm4b:s6+s3], $0x80, v3, vm0, $0xb8;
	[tilespmem:$0x14400] =	vst v63  }
0x148: {  	_ =	swait.ge [sflag:s28], $0xA000  }
0x149: {  	[sflag:s28] =	ssyncset.done $0x0  }
0x14a: {  	s1 =	rddreg [dreg:$0x7];
	[sflag:s28] =	ssyncadd.s32 $0xFFFF6000  }
0x14b: {  	[hbm4b:s1+s3] =	stream.linear.scatter [tilespmem:s0], [sflag:$0x3], $0xA000, $0x38;
	[tilespmem:$0x14400] =	vst v63  }
0x14c: {  	_ =	swait.ge [sflag:s8], $0xA000  }
0x14d: {  	[sflag:s8] =	ssyncset.done $0x0  }
0x14e: {  	[sflag:s8] =	ssyncadd.s32 $0xFFFF6000  }
0x14f: {  	v3 =	vld [tilespmem:$0x280];
	_ =	sdelay $0x4  }
0x150: {  	v61 =	vshll.u32 v3, $0x3  }
0x151: {  	v3 =	vand.u32 $0x7, v3;
	v4 =	vand.u32 $0xFFFFFFC0, v61  }
0x152: {  	v3 =	vor.u32 v3, v4  }
0x153: {  	v4 =	vperm.xlane v3, v0;
	_ =	sdelay $0x1  }
0x154: {  	v4 =	vadd.s32 v1, v4;
	_ =	sdelay $0x4  }
0x155: {  	[tilespmem:s0], [sflag:$0x2] =	stream.indirect_vreg.gather [hbm4b:s2+s3], $0x80, v4, vm0, $0xb8;
	[tilespmem:$0x14400] =	vst v63  }
0x156: {  	s29 =	simm.s32 $0xAC00;
	v3 =	vperm.xlane v3, v2  }
0x157: {  	[tilespmem:s29], [sflag:$0x2] =	stream.indirect_vreg.gather [hbm4b:s4+s3], $0x80, v4, vm0, $0xb8;
	[tilespmem:$0x14400] =	vst v63  }
0x158: {  	v3 =	vadd.s32 v1, v3;
	s29 =	simm.s32 $0xB400  }
0x159: {  	[tilespmem:s29], [sflag:$0x2] =	stream.indirect_vreg.gather [hbm4b:s5+s3], $0x80, v4, vm0, $0xb8;
	[tilespmem:$0x14400] =	vst v63  }
0x15a: {  	s29 =	simm.s32 $0xBC00  }
0x15b: {  	[tilespmem:s29], [sflag:$0x2] =	stream.indirect_vreg.gather [hbm4b:s6+s3], $0x80, v4, vm0, $0xb8;
	[tilespmem:$0x14400] =	vst v63  }
0x15c: {  	s29 =	simm.s32 $0xC400  }
0x15d: {  	[tilespmem:s29], [sflag:$0x2] =	stream.indirect_vreg.gather [hbm4b:s2+s3], $0x80, v3, vm0, $0xb8;
	[tilespmem:$0x14400] =	vst v63  }
0x15e: {  	s29 =	simm.s32 $0xCC00  }
0x15f: {  	[tilespmem:s29], [sflag:$0x2] =	stream.indirect_vreg.gather [hbm4b:s4+s3], $0x80, v3, vm0, $0xb8;
	[tilespmem:$0x14400] =	vst v63  }
0x160: {  	s29 =	simm.s32 $0xD400  }
0x161: {  	[tilespmem:s29], [sflag:$0x2] =	stream.indirect_vreg.gather [hbm4b:s5+s3], $0x80, v3, vm0, $0xb8;
	[tilespmem:$0x14400] =	vst v63  }
0x162: {  	s29 =	simm.s32 $0xDC00  }
0x163: {  	[tilespmem:s29], [sflag:$0x2] =	stream.indirect_vreg.gather [hbm4b:s6+s3], $0x80, v3, vm0, $0xb8;
	[tilespmem:$0x14400] =	vst v63  }
0x164: {  	v3 =	vld [tilespmem:$0x290];
	_ =	sdelay $0x4  }
0x165: {  	v62 =	vshll.u32 v3, $0x3  }
0x166: {  	v3 =	vand.u32 $0x7, v3;
	v4 =	vand.u32 $0xFFFFFFC0, v62  }
0x167: {  	v3 =	vor.u32 v3, v4  }
0x168: {  	v4 =	vperm.xlane v3, v0;
	_ =	sdelay $0x1  }
0x169: {  	v4 =	vadd.s32 v1, v4;
	_ =	sdelay $0x3  }
0x16a: {  	s29 =	simm.s32 $0xE400  }
0x16b: {  	[tilespmem:s29], [sflag:$0x2] =	stream.indirect_vreg.gather [hbm4b:s2+s3], $0x80, v4, vm0, $0xb8;
	[tilespmem:$0x14400] =	vst v63  }
0x16c: {  	v3 =	vperm.xlane v3, v2;
	s29 =	simm.s32 $0xEC00  }
0x16d: {  	[tilespmem:s29], [sflag:$0x2] =	stream.indirect_vreg.gather [hbm4b:s4+s3], $0x80, v4, vm0, $0xb8;
	[tilespmem:$0x14400] =	vst v63  }
0x16e: {  	v3 =	vadd.s32 v1, v3;
	s29 =	simm.s32 $0xF400  }
0x16f: {  	[tilespmem:s29], [sflag:$0x2] =	stream.indirect_vreg.gather [hbm4b:s5+s3], $0x80, v4, vm0, $0xb8;
	[tilespmem:$0x14400] =	vst v63  }
0x170: {  	s29 =	simm.s32 $0xFC00  }
0x171: {  	[tilespmem:s29], [sflag:$0x2] =	stream.indirect_vreg.gather [hbm4b:s6+s3], $0x80, v4, vm0, $0xb8;
	[tilespmem:$0x14400] =	vst v63  }
0x172: {  	s29 =	simm.s32 $0x10400  }
0x173: {  	[tilespmem:s29], [sflag:$0x2] =	stream.indirect_vreg.gather [hbm4b:s2+s3], $0x80, v3, vm0, $0xb8;
	[tilespmem:$0x14400] =	vst v63  }
0x174: {  	s29 =	simm.s32 $0x10C00  }
0x175: {  	[tilespmem:s29], [sflag:$0x2] =	stream.indirect_vreg.gather [hbm4b:s4+s3], $0x80, v3, vm0, $0xb8;
	[tilespmem:$0x14400] =	vst v63  }
0x176: {  	s29 =	simm.s32 $0x11400  }
0x177: {  	[tilespmem:s29], [sflag:$0x2] =	stream.indirect_vreg.gather [hbm4b:s5+s3], $0x80, v3, vm0, $0xb8;
	[tilespmem:$0x14400] =	vst v63  }
0x178: {  	s29 =	simm.s32 $0x11C00  }
0x179: {  	[tilespmem:s29], [sflag:$0x2] =	stream.indirect_vreg.gather [hbm4b:s6+s3], $0x80, v3, vm0, $0xb8;
	[tilespmem:$0x14400] =	vst v63  }
0x17a: {  	v3 =	vld.msk [tilespmem:$0x2A0], $0xff;
	_ =	sdelay $0x4  }
0x17b: {  	v63 =	vshll.u32 v3, $0x3  }
0x17c: {  	v3 =	vand.u32 $0x7, v3;
	v4 =	vand.u32 $0xFFFFFFC0, v63  }
0x17d: {  	v3 =	vor.u32 v3, v4  }
0x17e: {  	v3 =	vperm.xlane v3, v0;
	_ =	sdelay $0x1  }
0x17f: {  	v3 =	vadd.s32 v1, v3;
	_ =	sdelay $0x3  }
0x180: {  	s29 =	simm.s32 $0x12400  }
0x181: {  	[tilespmem:s29], [sflag:$0x2] =	stream.indirect_vreg.gather [hbm4b:s2+s3], $0x80, v3, vm0, $0xb8;
	[tilespmem:$0x14400] =	vst v63  }
0x182: {  	s29 =	simm.s32 $0x12C00  }
0x183: {  	[tilespmem:s29], [sflag:$0x2] =	stream.indirect_vreg.gather [hbm4b:s4+s3], $0x80, v3, vm0, $0xb8;
	[tilespmem:$0x14400] =	vst v63  }
0x184: {  	s29 =	simm.s32 $0x13400  }
0x185: {  	[tilespmem:s29], [sflag:$0x2] =	stream.indirect_vreg.gather [hbm4b:s5+s3], $0x80, v3, vm0, $0xb8;
	[tilespmem:$0x14400] =	vst v63  }
0x186: {  	s29 =	simm.s32 $0x13C00  }
0x187: {  	[tilespmem:s29], [sflag:$0x2] =	stream.indirect_vreg.gather [hbm4b:s6+s3], $0x80, v3, vm0, $0xb8;
	[tilespmem:$0x14400] =	vst v63  }
0x188: {  	_ =	swait.ge [sflag:s26], $0xA000  }
0x189: {  	[sflag:s26] =	ssyncset.done $0x0  }
0x18a: {  	s1 =	rddreg [dreg:$0x8];
	[sflag:s26] =	ssyncadd.s32 $0xFFFF6000  }
0x18b: {  	[hbm4b:s1+s3] =	stream.linear.scatter [tilespmem:s30], [sflag:$0x3], $0xA000, $0x38;
	[tilespmem:$0x14400] =	vst v63  }
0x18c: {  	_ =	swait.ge [sflag:s8], $0xA000  }
0x18d: {  	[sflag:s8] =	ssyncset.done $0x0  }
0x18e: {  	[sflag:s8] =	ssyncadd.s32 $0xFFFF6000  }
0x18f: {  	_ =	swait.ge [sflag:s28], $0xA000  }
0x190: {  	p0 =	sne.s32 s7, $0x1;
	[sflag:s28] =	ssyncset.done $0x0  }
.Ltmp0:
0x191: {  	s1 =	rddreg [dreg:$0x9];
	[sflag:s28] =	ssyncadd.s32 $0xFFFF6000;
	(pc) =	sbr.rel @p0 .LBB2_1-.Ltmp0, $4  }
0x192: {  	[hbm4b:s1+s3] =	stream.linear.scatter [tilespmem:s0], [sflag:$0x3], $0xA000, $0x38;
	[tilespmem:$0x14400] =	vst v63  }
0x193: {  	_ =	swait.ge [sflag:s8], $0xA000  }
0x194: {  	[sflag:s8] =	ssyncset.done $0x0  }
0x195: {  	s7 =	sadd.s32 $0xFFFFFFFF, s7;
	[sflag:s8] =	ssyncadd.s32 $0xFFFF6000  }
0x196: {  	_ =	sfence.sel $0x180000  }
0x197: {  	[bflag:$0x0] =	sbarrier.arrive $0xFFFF  }
0x198: {  	_ =	strace $0x9000004A  }
0x199: {  	s0 =	stileid.u32;
	[bflag:$0x2] =	sbarrier.arrive $0xFFFF  }
0x19a: {  	p0 =	sne.s32 s0, $0x0;
	s0 =	rddreg [dreg:$0x2]  }
0x19b: {  	s0 =	sadd.s32 @!p0 $0x100000, s0  }
0x19c: {  	[sflag:s0] =	ssyncadd.tile.s32 @!p0 $0x1;
	_ =	shalt  }
.Lfunc_end2:
_tile_overlayer_lowered:
.L_overlay_start_2:
0x19d: {  	(tag) =	ssettag $0x2  }
0x19e: {  	s0 =	rddreg [dreg:$0x0];
	s2 =	stileid.u32  }
0x19f: {  	s1 =	rddreg [dreg:$0x1];
	p0 =	sne.s32 s2, $0x0  }
0x1a0: {  	s3 =	rddreg [dreg:$0x2];
	[bflag:$0x3] =	sbarrier.arrive $0xFFFF;
	s2 =	simm.s32 @!p0 $0x1C03  }
0x1a1: {  	[timem:s3], [sflag:s2] =	dma.local @!p0 [hbm:s0], s1  }
0x1a2: {  	s0 =	simm.s32 @!p0 $0x3  }
0x1a3: {  	_ =	swait.ge @!p0 [sflag:s0], s1  }
0x1a4: {  	s1 =	ssub.s32 @!p0 $0x0, s1;
	[sflag:s0] =	ssyncset.done @!p0 $0x0  }
0x1a5: {  	[sflag:s0] =	ssyncadd.s32 @!p0 s1  }
0x1a6: {  	[bflag:$0x3] =	sbarrier.arrive $0xFFFF  }
0x1a7: {  	_ =	shalt  }

// kernel: kernel.16.cloned.1.call-start
scs
__scs_entry_jumppad:
0x0: {  	(pc) =	sbr.rel $0x88, $3  }
0x1: {  	(tag) =	ssettag $0x0;
	lr =	simm.s32 $0x1  }
0x2: {  	[smem:$0x3F9D] =	sst lr;
	_ =	strace $0xD0000000  }
0x3: {  	_ = 	snop  }
0x4: {  	_ = 	snop  }
0x5: {  	_ = 	snop  }
0x6: {  	_ = 	snop  }
0x7: {  	_ = 	snop  }
__scs_overlays_trampoline_lowered:
0x8: {  	[smem:$0x3FAC] =	sst s0  }
0x9: {  	[smem:$0x3FAD] =	sst s1  }
0xa: {  	[smem:$0x3FAE] =	sst s2  }
0xb: {  	[smem:$0x3FAF] =	sst s3  }
0xc: {  	[smem:$0x3FB0] =	sst s4  }
0xd: {  	[smem:$0x3FB1] =	sst s5  }
0xe: {  	[smem:$0x3FB2] =	sst s6  }
0xf: {  	[smem:$0x3FB3] =	sst s7  }
0x10: {  	[smem:$0x3FB4] =	sst s8  }
0x11: {  	[smem:$0x3FB5] =	sst s9;
	s0 =	simm.s32 @!p0 $0x0  }
0x12: {  	s1 =	sld [smem:$0x3F9B];
	s0 =	simm.s32 @p0 $0x1  }
0x13: {  	[smem:$0x3FB6] =	sst s0;
	s0 =	simm.s32 @!p1 $0x0  }
0x14: {  	s2 =	sld [smem:$0x3F9A];
	s0 =	simm.s32 @p1 $0x1  }
0x15: {  	[smem:$0x3FB7] =	sst s0;
	s0 =	simm.s32 @!p2 $0x0  }
0x16: {  	s3 =	sld [smem:$0x3FDB];
	s0 =	simm.s32 @p2 $0x1  }
0x17: {  	s4 =	simm.s32 $0x1BF5;
	[smem:$0x3FB9] =	sst s0  }
0x18: {  	s0 =	sld [smem:$0x3F9C];
	_ =	swait.ge [sflag:s4], $0x0  }
0x19: {  	s7 =	sld [smem:$0x3F9D]  }
0x1a: {  	s8 =	sadd.s32 $0xFFFFE003, lr  }
0x1b: {  	s9 =	sadd.s32 $0xFFFFFEF7, lr;
	s5 =	simm.s32 $0xFFFFFFFF;
	p2 =	slt.u32 s8, $0xFFFFF086  }
0x1c: {  	p1 =	slt.u32 s9, $0xF7A;
	s5 =	simm.s32 @!p2 $0x0  }
0x1d: {  	s5 =	simm.s32 @p1 $0x1;
	p0 =	seq.s32 s7, s2  }
0x1e: {  	s7 =	smul.u32 @!p0 $0xF7A, s2;
	p2 =	seq.s32 @!p0 s5, $0x0  }
0x1f: {  	s9 =	smul.u32 $0xF7A, s1;
	s8 =	simm.s32 @!p0 $0x1BF5;
	p2 =	por !p2, p0  }
0x20: {  	[sflag:s8] =	ssyncset.s32 @!p0 $0xFFFFF086;
	s6 =	sadd.s32 @!p0 s3, s7;
	s7 =	simm.s32 @!p0 $0x108  }
0x21: {  	s3 =	sadd.s32 s3, s9;
	s6 =	sadd.s32 @!p0 $0x88, s6;
	s7 =	simm.s32 @p2 $0x1082  }
0x22: {  	[simem:s7], [sflag:s8] =	dma.local @!p0 [hbm:s6], $0xF7A  }
0x23: {  	s9 =	sor.u32 $0xD0000000, s2;
	s6 =	simm.s32 $0x108;
	_ =	swait.ge @!p0 [sflag:s8], $0x0  }
0x24: {  	s3 =	sadd.s32 $0x88, s3;
	s6 =	simm.s32 @!p1 $0x1082;
	[sflag:s4] =	ssyncset.s32 $0xFFFFF086  }
0x25: {  	[simem:s6], [sflag:s4] =	dma.local [hbm:s3], $0xF7A  }
0x26: {  	[smem:$0x3F9D] =	sst s1;
	(tag) =	ssettag s2;
	_ =	strace s9  }
0x27: {  	s1 =	sld [smem:$0x3FAD]  }
0x28: {  	s2 =	sld [smem:$0x3FAE]  }
0x29: {  	s4 =	sld [smem:$0x3FB0]  }
0x2a: {  	p0 =	seq.s32 s5, $0x0;
	s5 =	sld [smem:$0x3FB1]  }
0x2b: {  	s6 =	sld [smem:$0x3FB2]  }
0x2c: {  	s7 =	sld [smem:$0x3FB3]  }
0x2d: {  	s3 =	simm.s32 $0x108;
	s8 =	sld [smem:$0x3FB4]  }
0x2e: {  	s3 =	simm.s32 @!p0 $0x1082;
	s9 =	sld [smem:$0x3FB5]  }
0x2f: {  	lr =	sadd.s32 s0, s3;
	s0 =	sld [smem:$0x3FAC]  }
0x30: {  	s3 =	sld [smem:$0x3FAF]  }
0x31: {  	[smem:$0x3FB8] =	sst s10  }
0x32: {  	s10 =	sld [smem:$0x3FB6];
	_ =	sdelay $0x3  }
0x33: {  	p0 =	seq.s32 s10, $0x1;
	s10 =	sld [smem:$0x3FB8];
	_ =	sdelay $0x3  }
0x34: {  	[smem:$0x3FB8] =	sst s10  }
0x35: {  	s10 =	sld [smem:$0x3FB7];
	_ =	sdelay $0x3  }
0x36: {  	p1 =	seq.s32 s10, $0x1;
	s10 =	sld [smem:$0x3FB8];
	_ =	sdelay $0x3  }
0x37: {  	[smem:$0x3FB8] =	sst s10  }
0x38: {  	s10 =	sld [smem:$0x3FB9]  }
0x39: {  	_ = 	snop;
	(pc) =	sbr.ind lr, $3  }
0x3a: {  	_ = 	snop  }
0x3b: {  	_ = 	snop  }
0x3c: {  	p2 =	seq.s32 s10, $0x1;
	s10 =	sld [smem:$0x3FB8]  }
0x3d: {  	_ =	shalt  }
0x3e: {  	_ =	shalt  }
0x3f: {  	_ =	shalt  }
0x40: {  	_ =	shalt  }
0x41: {  	_ =	shalt  }
0x42: {  	_ =	shalt  }
0x43: {  	_ =	shalt  }
0x44: {  	_ =	shalt  }
0x45: {  	_ =	shalt  }
0x46: {  	_ =	shalt  }
0x47: {  	_ =	shalt  }
0x48: {  	_ =	shalt  }
0x49: {  	_ =	shalt  }
0x4a: {  	_ =	shalt  }
0x4b: {  	_ =	shalt  }
0x4c: {  	_ =	shalt  }
0x4d: {  	_ =	shalt  }
0x4e: {  	_ =	shalt  }
0x4f: {  	_ =	shalt  }
0x50: {  	_ =	shalt  }
0x51: {  	_ =	shalt  }
0x52: {  	_ =	shalt  }
0x53: {  	_ =	shalt  }
0x54: {  	_ =	shalt  }
0x55: {  	_ =	shalt  }
0x56: {  	_ =	shalt  }
0x57: {  	_ =	shalt  }
0x58: {  	_ =	shalt  }
0x59: {  	_ =	shalt  }
0x5a: {  	_ =	shalt  }
0x5b: {  	_ =	shalt  }
0x5c: {  	_ =	shalt  }
0x5d: {  	_ =	shalt  }
0x5e: {  	_ =	shalt  }
0x5f: {  	_ =	shalt  }
0x60: {  	_ =	shalt  }
0x61: {  	_ =	shalt  }
0x62: {  	_ =	shalt  }
0x63: {  	_ =	shalt  }
0x64: {  	_ =	shalt  }
0x65: {  	_ =	shalt  }
0x66: {  	_ =	shalt  }
0x67: {  	_ =	shalt  }
0x68: {  	_ =	shalt  }
0x69: {  	_ =	shalt  }
0x6a: {  	_ =	shalt  }
0x6b: {  	_ =	shalt  }
0x6c: {  	_ =	shalt  }
0x6d: {  	_ =	shalt  }
0x6e: {  	_ =	shalt  }
0x6f: {  	_ =	shalt  }
0x70: {  	_ =	shalt  }
0x71: {  	_ =	shalt  }
0x72: {  	_ =	shalt  }
0x73: {  	_ =	shalt  }
0x74: {  	_ =	shalt  }
0x75: {  	_ =	shalt  }
0x76: {  	_ =	shalt  }
0x77: {  	_ =	shalt  }
0x78: {  	_ =	shalt  }
0x79: {  	_ =	shalt  }
0x7a: {  	_ =	shalt  }
0x7b: {  	_ =	shalt  }
0x7c: {  	_ =	shalt  }
0x7d: {  	_ =	shalt  }
0x7e: {  	_ =	shalt  }
0x7f: {  	_ =	shalt  }
0x80: {  	_ =	shalt  }
0x81: {  	_ =	shalt  }
0x82: {  	_ =	shalt  }
0x83: {  	_ =	shalt  }
0x84: {  	_ =	shalt  }
0x85: {  	_ =	shalt  }
0x86: {  	_ =	shalt  }
0x87: {  	_ =	shalt  }
.Lfunc_end0:
.L_simem_size_0:
called_computation.2_lowered:
.L_overlay_start_0:
0x88: {  	s2 =	sld [smem:$0x3FD9]  }
0x89: {  	s3 =	sld [smem:$0x3FFE];
	_ =	sdelay $0x1  }
0x8a: {  	s1 =	srdreg.scid  }
0x8b: {  	s0 =	sand.u32 $0x1, s1  }
0x8c: {  	s17 =	sshll.u32 s0, $0xA;
	s2 =	sadd.s32 s3, s2  }
0x8d: {  	s2 =	sadd.s32 s2, s17  }
0x8e: {  	[smem:$0x3FC4] =	sst s2  }
0x8f: {  	_ = 	snop  }
0x90: {  	s18 =	sld [smem:$0x3FC8];
	(tm) =	ssettm $0x1  }
0x91: {  	s19 =	sld [smem:$0x3FFB];
	_ =	sdelay $0x3  }
0x92: {  	_ =	strace s19  }
0x93: {  	s2 =	sld [smem:$0x3FFC];
	_ =	sdelay $0x3  }
0x94: {  	_ =	strace s2  }
0x95: {  	s2 =	sld [smem:$0x3FFD];
	_ =	sdelay $0x3  }
0x96: {  	_ =	strace s2  }
0x97: {  	_ =	strace $0x8FFFFFFF  }
0x98: {  	s20 =	sld [smem:$0x3FDB];
	_ =	sdelay $0x1  }
0x99: {  	s4 =	simm.s32 $_scs_section_size  }
0x9a: {  	s5 =	simm.s32 $_size__tile_overlayer_lowered;
	s6 =	simm.s32 $_tile_overlayer_lowered  }
0x9b: {  	s7 =	simm.s32 $0x1BFF;
	s21 =	sshll.u32 s6, $0x1;
	s4 =	sadd.s32 s4, s20  }
0x9c: {  	s22 =	simm.s32 $0x0;
	s5 =	sshll.u32 s5, $0x1;
	s6 =	sadd.s32 s21, s4  }
0x9d: {  	[timem:s22], [sflag:s7] =	dma.local [hbm:s6], s5  }
0x9e: {  	_ =	swait.ge [sflag:s7], s5  }
0x9f: {  	s5 =	ssub.s32 $0x0, s5;
	[sflag:s7] =	ssyncset.done $0x0  }
0xa0: {  	[sflag:s7] =	ssyncadd.s32 s5;
	_ =	sdelay $0x1  }
0xa1: {  	s23 =	simm.s32 $0x1B8B  }
0xa2: {  	_ =	swait.ge [sflag:s23], $0x1  }
0xa3: {  	[sflag:s23] =	ssyncset.done $0x0  }
0xa4: {  	[sflag:s23] =	ssyncadd.s32 $0xFFFFFFFF  }
0xa5: {  	s5 =	sld [smem:$0x0]  }
0xa6: {  	s6 =	sand.u32 $0xFFFFFFFE, s1  }
0xa7: {  	p0 =	sne.s32 s1, s6  }
0xa8: {  	s6 =	sshll.u32 @p0 s6, $0xE  }
0xa9: {  	s6 =	sadd.s32 @p0 $0x11B8D, s6;
	s7 =	sshll.u32 @p0 s5, $0x11  }
0xaa: {  	s6 =	sor.u32 @p0 s7, s6  }
0xab: {  	[sflag:s6] =	ssyncadd.remote.s32 @p0 $0x1;
	_ =	sdelay $0x1  }
0xac: {  	s6 =	simm.s32 @p0 $0x1B8D  }
0xad: {  	_ =	swait.eq @p0 [sflag:s6], $0x1  }
0xae: {  	[sflag:s6] =	ssyncadd.s32 @p0 $0xFFFFFFFF  }
0xaf: {  	s7 =	sshll.u32 @!p0 s1, $0xE  }
0xb0: {  	s7 =	sor.u32 @!p0 $0x4000, s7;
	s6 =	simm.s32 @!p0 $0x1B8D  }
0xb1: {  	s5 =	sshll.u32 @!p0 s5, $0x11;
	s7 =	sadd.s32 @!p0 $0x11B8D, s7;
	_ =	swait.eq @!p0 [sflag:s6], $0x1  }
0xb2: {  	s5 =	sor.u32 @!p0 s5, s7;
	[sflag:s6] =	ssyncadd.s32 @!p0 $0xFFFFFFFF  }
0xb3: {  	s25 =	simm.s32 $0x1B8E;
	s24 =	sld [smem:$0x3FFE];
	[sflag:s5] =	ssyncadd.remote.s32 @!p0 $0x1  }
0xb4: {  	s26 =	simm.s32 $execute0_lowered;
	[smem:$0x3FD2] =	sst s25  }
0xb5: {  	s6 =	sshll.u32 s26, $0x1;
	_ =	strace $0x8000004C;
	[dreg:$0x1] =	wrdreg $0xFFFFFFFF  }
0xb6: {  	s28 =	simm.s32 $_size_execute0_lowered;
	s4 =	sadd.s32 s4, s6;
	[dreg:$0x0] =	wrdreg $0x0  }
0xb7: {  	s6 =	sshll.u32 s28, $0x1;
	[dreg:$0x2] =	wrdreg s4  }
0xb8: {  	[dreg:$0x3] =	wrdreg s6  }
0xb9: {  	[dreg:$0x4] =	wrdreg $0xC0  }
0xba: {  	_ =	task [dreg:s22], $0x5FFFF  }
0xbb: {  	[dreg:$0x1] =	wrdreg $0xFFFFFFFF  }
0xbc: {  	[dreg:$0x0] =	wrdreg $0x60  }
0xbd: {  	[dreg:$0x2] =	wrdreg s24  }
0xbe: {  	[dreg:$0x3] =	wrdreg s18  }
0xbf: {  	[dreg:$0x4] =	wrdreg $0xB  }
0xc0: {  	_ =	task.clear_ibuf [dreg:s22], $0x5FFFF;
	_ =	strace $0x9000004C  }
0xc1: {  	s29 =	simm.s32 $0xB;
	_ =	strace $0x8000004E  }
0xc2: {  	_ =	swait.ge [sflag:s29], $0x1  }
0xc3: {  	[sflag:s29] =	ssyncadd.s32 $0xFFFFFFFF  }
0xc4: {  	_ =	strace $0x9000004E  }
0xc5: {  	_ =	sfence  }
0xc6: {  	s30 =	sld [smem:$0x0];
	_ =	sdelay $0x2  }
0xc7: {  	s31 =	sshll.u32 s1, $0xD;
	s1 =	sshrl.u32 s1, $0x2  }
0xc8: {  	s4 =	sand.u32 $0x4000, s31;
	s1 =	sadd.s32 s1, s30  }
0xc9: {  	s0 =	sor.u32 s4, s0;
	s1 =	sshll.u32 s1, $0x11  }
0xca: {  	s0 =	sor.u32 s1, s0  }
0xcb: {  	s0 =	sadd.s32 $0x8F2B, s0  }
0xcc: {  	[sflag:s0] =	ssyncadd.remote.s32 $0x1  }
0xcd: {  	_ =	sfence.sel $0xFFFF  }
0xce: {  	[dreg:$0x0] =	wrdreg $0xFFFFFFFF;
	(pc) =	sbr.abs _section_cstart, $3  }
0xcf: {  	[dreg:$0x1] =	wrdreg $0xFFFFFFFF  }
0xd0: {  	_ =	task.clear_ibuf [dreg:s22], $0x2FFFF;
	_ =	strace $0x9FFFFFFF  }
0xd1: {  	(tm) =	ssettm $0x7FFFFFFF  }
tec
execute0_lowered:
.L_overlay_start_1:
0x0: {  	(tag) =	ssettag $0x1  }
0x1: {  	s0 =	rddreg [dreg:$0x0]  }
0x2: {  	s2 =	rddreg [dreg:$0x1]  }
0x3: {  	s1 =	srdreg.scid;
	s4 =	stileid.u32  }
0x4: {  	s3 =	simm.s32 $0x0;
	s8 =	simm.s32 $0x3;
	s28 =	simm.s32 $0x2  }
0x5: {  	s30 =	simm.s32 $0x400;
	s31 =	simm.s32 $0xC00;
	s9 =	simm.s32 $0x1400  }
0x6: {  	s10 =	simm.s32 $0x2400;
	s11 =	simm.s32 $0x2C00;
	s12 =	simm.s32 $0x3400  }
0x7: {  	s13 =	simm.s32 $0x3C00;
	s14 =	simm.s32 $0x4400;
	s15 =	simm.s32 $0x4C00  }
0x8: {  	s16 =	simm.s32 $0x5400;
	s17 =	simm.s32 $0x5C00;
	s18 =	simm.s32 $0x6400  }
0x9: {  	s19 =	simm.s32 $0x6C00;
	s20 =	simm.s32 $0x7400;
	s21 =	simm.s32 $0x7C00  }
0xa: {  	s22 =	simm.s32 $0x8400;
	s1 =	sand.u32 $0x1, s1;
	s4 =	sshll.u32 s4, $0x1  }
0xb: {  	s23 =	simm.s32 $0x8C00;
	s24 =	simm.s32 $0x9400;
	s4 =	sor.u32 s1, s4  }
0xc: {  	[smem:$0x7FF] =	sst s3;
	s5 =	sshll.u32 s4, $0x7;
	s6 =	smul.u32 $0x3C000, s4  }
0xd: {  	_ =	strace $0x8000004D;
	s4 =	smul.u32 $0x7800, s4;
	s5 =	sadd.s32 s5, s0  }
0xe: {  	s0 =	sadd.s32 $0xF4600, s0;
	s5 =	sadd.s32 $0xF3600, s5;
	s6 =	sshrl.u32 s6, $0x3  }
0xf: {  	s4 =	sadd.s32 s0, s4;
	[dreg:$0x3] =	wrdreg s5;
	s0 =	sadd.s32 s0, s6  }
0x10: {  	s1 =	ssub.s32 $0x2, s1;
	[dreg:$0x4] =	wrdreg s4;
	s26 =	sadd.s32 $0x1400, s0  }
0x11: {  	s25 =	sshrl.u32 s1, $0x1;
	s29 =	sadd.s32 $0x2800, s0;
	[dreg:$0x5] =	wrdreg s26  }
0x12: {  	s1 =	ssub.s32 s1, s25;
	s6 =	sadd.s32 $0x3C00, s0;
	[dreg:$0x6] =	wrdreg s29  }
0x13: {  	s25 =	simm.s32 $0x9C00;
	s7 =	sadd.s32 $0x5000, s0;
	[dreg:$0x7] =	wrdreg s6  }
0x14: {  	v2 =	vlaneseq.u32;
	s4 =	sadd.s32 $0x100, s2;
	s0 =	sadd.s32 $0x6400, s0;
	[dreg:$0x8] =	wrdreg s7  }
0x15: {  	vm0 =	vmmov $0xffff;
	v1 =	vshrl.u32 v2, $0x3;
	s5 =	sadd.s32 $0x200, s2;
	s6 =	sadd.s32 $0x300, s2;
	[dreg:$0x9] =	wrdreg s0  }
0x16: {  	v0 =	vand.u32 $0x7, v2;
	v2 =	vor.u32 $0x8, v2;
	v1 =	vmul.u32 $0x8, v1;
	s7 =	smax.u32 s1, $0x1;
	s26 =	simm.s32 $0x1;
	s0 =	simm.s32 $0xA400  }
.LBB2_1:
0x17: {  	s29 =	rddreg [dreg:$0x3]  }
0x18: {  	[tilespmem:s3], [sflag:$0x3] =	stream.linear.gather [hbm4b:s29+s3], $0x300, $0x38;
	[tilespmem:$0x14400] =	vst v63  }
0x19: {  	_ =	swait.ge [sflag:s8], $0x300  }
0x1a: {  	[sflag:s8] =	ssyncset.done $0x0  }
0x1b: {  	[sflag:s8] =	ssyncadd.s32 $0xFFFFFD00  }
0x1c: {  	v3 =	vld [tilespmem:$0x0];
	_ =	sdelay $0x4  }
0x1d: {  	v4 =	vshll.u32 v3, $0x3  }
0x1e: {  	v3 =	vand.u32 $0x7, v3;
	v4 =	vand.u32 $0xFFFFFFC0, v4  }
0x1f: {  	v3 =	vor.u32 v3, v4  }
0x20: {  	v4 =	vperm.xlane v3, v0;
	_ =	sdelay $0x1  }
0x21: {  	v4 =	vadd.s32 v1, v4;
	_ =	sdelay $0x4  }
0x22: {  	[tilespmem:s30], [sflag:$0x1] =	stream.indirect_vreg.gather [hbm4b:s2+s3], $0x80, v4, vm0, $0xb8;
	[tilespmem:$0x14400] =	vst v63  }
0x23: {  	v3 =	vperm.xlane v3, v2  }
0x24: {  	[tilespmem:s31], [sflag:$0x1] =	stream.indirect_vreg.gather [hbm4b:s4+s3], $0x80, v4, vm0, $0xb8;
	[tilespmem:$0x14400] =	vst v63  }
0x25: {  	v3 =	vadd.s32 v1, v3  }
0x26: {  	[tilespmem:s9], [sflag:$0x1] =	stream.indirect_vreg.gather [hbm4b:s5+s3], $0x80, v4, vm0, $0xb8;
	[tilespmem:$0x14400] =	vst v63  }
0x27: {  	s1 =	simm.s32 $0x1C00  }
0x28: {  	[tilespmem:s1], [sflag:$0x1] =	stream.indirect_vreg.gather [hbm4b:s6+s3], $0x80, v4, vm0, $0xb8;
	[tilespmem:$0x14400] =	vst v63  }
0x29: {  	_ = 	snop  }
0x2a: {  	[tilespmem:s10], [sflag:$0x1] =	stream.indirect_vreg.gather [hbm4b:s2+s3], $0x80, v3, vm0, $0xb8;
	[tilespmem:$0x14400] =	vst v63  }
0x2b: {  	_ = 	snop  }
0x2c: {  	[tilespmem:s11], [sflag:$0x1] =	stream.indirect_vreg.gather [hbm4b:s4+s3], $0x80, v3, vm0, $0xb8;
	[tilespmem:$0x14400] =	vst v63  }
0x2d: {  	_ = 	snop  }
0x2e: {  	[tilespmem:s12], [sflag:$0x1] =	stream.indirect_vreg.gather [hbm4b:s5+s3], $0x80, v3, vm0, $0xb8;
	[tilespmem:$0x14400] =	vst v63  }
0x2f: {  	_ = 	snop  }
0x30: {  	[tilespmem:s13], [sflag:$0x1] =	stream.indirect_vreg.gather [hbm4b:s6+s3], $0x80, v3, vm0, $0xb8;
	[tilespmem:$0x14400] =	vst v63  }
0x31: {  	v3 =	vld [tilespmem:$0x10];
	_ =	sdelay $0x4  }
0x32: {  	v47 =	vshll.u32 v3, $0x3  }
0x33: {  	v3 =	vand.u32 $0x7, v3;
	v4 =	vand.u32 $0xFFFFFFC0, v47  }
0x34: {  	v3 =	vor.u32 v3, v4  }
0x35: {  	v4 =	vperm.xlane v3, v0;
	_ =	sdelay $0x1  }
0x36: {  	v4 =	vadd.s32 v1, v4;
	_ =	sdelay $0x4  }
0x37: {  	[tilespmem:s14], [sflag:$0x1] =	stream.indirect_vreg.gather [hbm4b:s2+s3], $0x80, v4, vm0, $0xb8;
	[tilespmem:$0x14400] =	vst v63  }
0x38: {  	v3 =	vperm.xlane v3, v2  }
0x39: {  	[tilespmem:s15], [sflag:$0x1] =	stream.indirect_vreg.gather [hbm4b:s4+s3], $0x80, v4, vm0, $0xb8;
	[tilespmem:$0x14400] =	vst v63  }
0x3a: {  	v3 =	vadd.s32 v1, v3  }
0x3b: {  	[tilespmem:s16], [sflag:$0x1] =	stream.indirect_vreg.gather [hbm4b:s5+s3], $0x80, v4, vm0, $0xb8;
	[tilespmem:$0x14400] =	vst v63  }
0x3c: {  	_ = 	snop  }
0x3d: {  	[tilespmem:s17], [sflag:$0x1] =	stream.indirect_vreg.gather [hbm4b:s6+s3], $0x80, v4, vm0, $0xb8;
	[tilespmem:$0x14400] =	vst v63  }
0x3e: {  	_ = 	snop  }
0x3f: {  	[tilespmem:s18], [sflag:$0x1] =	stream.indirect_vreg.gather [hbm4b:s2+s3], $0x80, v3, vm0, $0xb8;
	[tilespmem:$0x14400] =	vst v63  }
0x40: {  	_ = 	snop  }
0x41: {  	[tilespmem:s19], [sflag:$0x1] =	stream.indirect_vreg.gather [hbm4b:s4+s3], $0x80, v3, vm0, $0xb8;
	[tilespmem:$0x14400] =	vst v63  }
0x42: {  	_ = 	snop  }
0x43: {  	[tilespmem:s20], [sflag:$0x1] =	stream.indirect_vreg.gather [hbm4b:s5+s3], $0x80, v3, vm0, $0xb8;
	[tilespmem:$0x14400] =	vst v63  }
0x44: {  	_ = 	snop  }
0x45: {  	[tilespmem:s21], [sflag:$0x1] =	stream.indirect_vreg.gather [hbm4b:s6+s3], $0x80, v3, vm0, $0xb8;
	[tilespmem:$0x14400] =	vst v63  }
0x46: {  	v3 =	vld.msk [tilespmem:$0x20], $0xff;
	_ =	sdelay $0x4  }
0x47: {  	v48 =	vshll.u32 v3, $0x3  }
0x48: {  	v3 =	vand.u32 $0x7, v3;
	v4 =	vand.u32 $0xFFFFFFC0, v48  }
0x49: {  	v3 =	vor.u32 v3, v4  }
0x4a: {  	v3 =	vperm.xlane v3, v0;
	_ =	sdelay $0x1  }
0x4b: {  	v3 =	vadd.s32 v1, v3;
	_ =	sdelay $0x4  }
0x4c: {  	[tilespmem:s22], [sflag:$0x1] =	stream.indirect_vreg.gather [hbm4b:s2+s3], $0x80, v3, vm0, $0xb8;
	[tilespmem:$0x14400] =	vst v63  }
0x4d: {  	_ = 	snop  }
0x4e: {  	[tilespmem:s23], [sflag:$0x1] =	stream.indirect_vreg.gather [hbm4b:s4+s3], $0x80, v3, vm0, $0xb8;
	[tilespmem:$0x14400] =	vst v63  }
0x4f: {  	_ = 	snop  }
0x50: {  	[tilespmem:s24], [sflag:$0x1] =	stream.indirect_vreg.gather [hbm4b:s5+s3], $0x80, v3, vm0, $0xb8;
	[tilespmem:$0x14400] =	vst v63  }
0x51: {  	_ = 	snop  }
0x52: {  	[tilespmem:s25], [sflag:$0x1] =	stream.indirect_vreg.gather [hbm4b:s6+s3], $0x80, v3, vm0, $0xb8;
	[tilespmem:$0x14400] =	vst v63  }
0x53: {  	v3 =	vld [tilespmem:$0x80];
	_ =	sdelay $0x4  }
0x54: {  	v49 =	vshll.u32 v3, $0x3  }
0x55: {  	v3 =	vand.u32 $0x7, v3;
	v4 =	vand.u32 $0xFFFFFFC0, v49  }
0x56: {  	v3 =	vor.u32 v3, v4  }
0x57: {  	v4 =	vperm.xlane v3, v0;
	_ =	sdelay $0x1  }
0x58: {  	v4 =	vadd.s32 v1, v4;
	_ =	sdelay $0x4  }
0x59: {  	[tilespmem:s0], [sflag:$0x2] =	stream.indirect_vreg.gather [hbm4b:s2+s3], $0x80, v4, vm0, $0xb8;
	[tilespmem:$0x14400] =	vst v63  }
0x5a: {  	s29 =	simm.s32 $0xAC00;
	v3 =	vperm.xlane v3, v2  }
0x5b: {  	[tilespmem:s29], [sflag:$0x2] =	stream.indirect_vreg.gather [hbm4b:s4+s3], $0x80, v4, vm0, $0xb8;
	[tilespmem:$0x14400] =	vst v63  }
0x5c: {  	v3 =	vadd.s32 v1, v3;
	s29 =	simm.s32 $0xB400  }
0x5d: {  	[tilespmem:s29], [sflag:$0x2] =	stream.indirect_vreg.gather [hbm4b:s5+s3], $0x80, v4, vm0, $0xb8;
	[tilespmem:$0x14400] =	vst v63  }
0x5e: {  	s29 =	simm.s32 $0xBC00  }
0x5f: {  	[tilespmem:s29], [sflag:$0x2] =	stream.indirect_vreg.gather [hbm4b:s6+s3], $0x80, v4, vm0, $0xb8;
	[tilespmem:$0x14400] =	vst v63  }
0x60: {  	s29 =	simm.s32 $0xC400  }
0x61: {  	[tilespmem:s29], [sflag:$0x2] =	stream.indirect_vreg.gather [hbm4b:s2+s3], $0x80, v3, vm0, $0xb8;
	[tilespmem:$0x14400] =	vst v63  }
0x62: {  	s29 =	simm.s32 $0xCC00  }
0x63: {  	[tilespmem:s29], [sflag:$0x2] =	stream.indirect_vreg.gather [hbm4b:s4+s3], $0x80, v3, vm0, $0xb8;
	[tilespmem:$0x14400] =	vst v63  }
0x64: {  	s29 =	simm.s32 $0xD400  }
0x65: {  	[tilespmem:s29], [sflag:$0x2] =	stream.indirect_vreg.gather [hbm4b:s5+s3], $0x80, v3, vm0, $0xb8;
	[tilespmem:$0x14400] =	vst v63  }
0x66: {  	s29 =	simm.s32 $0xDC00  }
0x67: {  	[tilespmem:s29], [sflag:$0x2] =	stream.indirect_vreg.gather [hbm4b:s6+s3], $0x80, v3, vm0, $0xb8;
	[tilespmem:$0x14400] =	vst v63  }
0x68: {  	v3 =	vld [tilespmem:$0x90];
	_ =	sdelay $0x4  }
0x69: {  	v50 =	vshll.u32 v3, $0x3  }
0x6a: {  	v3 =	vand.u32 $0x7, v3;
	v4 =	vand.u32 $0xFFFFFFC0, v50  }
0x6b: {  	v3 =	vor.u32 v3, v4  }
0x6c: {  	v4 =	vperm.xlane v3, v0;
	_ =	sdelay $0x1  }
0x6d: {  	v4 =	vadd.s32 v1, v4;
	_ =	sdelay $0x3  }
0x6e: {  	s29 =	simm.s32 $0xE400  }
0x6f: {  	[tilespmem:s29], [sflag:$0x2] =	stream.indirect_vreg.gather [hbm4b:s2+s3], $0x80, v4, vm0, $0xb8;
	[tilespmem:$0x14400] =	vst v63  }
0x70: {  	v3 =	vperm.xlane v3, v2;
	s29 =	simm.s32 $0xEC00  }
0x71: {  	[tilespmem:s29], [sflag:$0x2] =	stream.indirect_vreg.gather [hbm4b:s4+s3], $0x80, v4, vm0, $0xb8;
	[tilespmem:$0x14400] =	vst v63  }
0x72: {  	v3 =	vadd.s32 v1, v3;
	s29 =	simm.s32 $0xF400  }
0x73: {  	[tilespmem:s29], [sflag:$0x2] =	stream.indirect_vreg.gather [hbm4b:s5+s3], $0x80, v4, vm0, $0xb8;
	[tilespmem:$0x14400] =	vst v63  }
0x74: {  	s29 =	simm.s32 $0xFC00  }
0x75: {  	[tilespmem:s29], [sflag:$0x2] =	stream.indirect_vreg.gather [hbm4b:s6+s3], $0x80, v4, vm0, $0xb8;
	[tilespmem:$0x14400] =	vst v63  }
0x76: {  	s29 =	simm.s32 $0x10400  }
0x77: {  	[tilespmem:s29], [sflag:$0x2] =	stream.indirect_vreg.gather [hbm4b:s2+s3], $0x80, v3, vm0, $0xb8;
	[tilespmem:$0x14400] =	vst v63  }
0x78: {  	s29 =	simm.s32 $0x10C00  }
0x79: {  	[tilespmem:s29], [sflag:$0x2] =	stream.indirect_vreg.gather [hbm4b:s4+s3], $0x80, v3, vm0, $0xb8;
	[tilespmem:$0x14400] =	vst v63  }
0x7a: {  	s29 =	simm.s32 $0x11400  }
0x7b: {  	[tilespmem:s29], [sflag:$0x2] =	stream.indirect_vreg.gather [hbm4b:s5+s3], $0x80, v3, vm0, $0xb8;
	[tilespmem:$0x14400] =	vst v63  }
0x7c: {  	s29 =	simm.s32 $0x11C00  }
0x7d: {  	[tilespmem:s29], [sflag:$0x2] =	stream.indirect_vreg.gather [hbm4b:s6+s3], $0x80, v3, vm0, $0xb8;
	[tilespmem:$0x14400] =	vst v63  }
0x7e: {  	v3 =	vld.msk [tilespmem:$0xA0], $0xff;
	_ =	sdelay $0x4  }
0x7f: {  	v51 =	vshll.u32 v3, $0x3  }
0x80: {  	v3 =	vand.u32 $0x7, v3;
	v4 =	vand.u32 $0xFFFFFFC0, v51  }
0x81: {  	v3 =	vor.u32 v3, v4  }
0x82: {  	v3 =	vperm.xlane v3, v0;
	_ =	sdelay $0x1  }
0x83: {  	v3 =	vadd.s32 v1, v3;
	_ =	sdelay $0x3  }
0x84: {  	s29 =	simm.s32 $0x12400  }
0x85: {  	[tilespmem:s29], [sflag:$0x2] =	stream.indirect_vreg.gather [hbm4b:s2+s3], $0x80, v3, vm0, $0xb8;
	[tilespmem:$0x14400] =	vst v63  }
0x86: {  	s29 =	simm.s32 $0x12C00  }
0x87: {  	[tilespmem:s29], [sflag:$0x2] =	stream.indirect_vreg.gather [hbm4b:s4+s3], $0x80, v3, vm0, $0xb8;
	[tilespmem:$0x14400] =	vst v63  }
0x88: {  	s29 =	simm.s32 $0x13400  }
0x89: {  	[tilespmem:s29], [sflag:$0x2] =	stream.indirect_vreg.gather [hbm4b:s5+s3], $0x80, v3, vm0, $0xb8;
	[tilespmem:$0x14400] =	vst v63  }
0x8a: {  	s29 =	simm.s32 $0x13C00  }
0x8b: {  	[tilespmem:s29], [sflag:$0x2] =	stream.indirect_vreg.gather [hbm4b:s6+s3], $0x80, v3, vm0, $0xb8;
	[tilespmem:$0x14400] =	vst v63  }
0x8c: {  	_ =	swait.ge [sflag:s26], $0xA000  }
0x8d: {  	[sflag:s26] =	ssyncset.done $0x0  }
0x8e: {  	s29 =	rddreg [dreg:$0x4];
	[sflag:s26] =	ssyncadd.s32 $0xFFFF6000  }
0x8f: {  	[hbm4b:s29+s3] =	stream.linear.scatter [tilespmem:s30], [sflag:$0x3], $0xA000, $0x38;
	[tilespmem:$0x14400] =	vst v63  }
0x90: {  	_ =	swait.ge [sflag:s8], $0xA000  }
0x91: {  	[sflag:s8] =	ssyncset.done $0x0  }
0x92: {  	[sflag:s8] =	ssyncadd.s32 $0xFFFF6000  }
0x93: {  	v3 =	vld [tilespmem:$0x100];
	_ =	sdelay $0x4  }
0x94: {  	v52 =	vshll.u32 v3, $0x3  }
0x95: {  	v3 =	vand.u32 $0x7, v3;
	v4 =	vand.u32 $0xFFFFFFC0, v52  }
0x96: {  	v3 =	vor.u32 v3, v4  }
0x97: {  	v4 =	vperm.xlane v3, v0;
	_ =	sdelay $0x1  }
0x98: {  	v4 =	vadd.s32 v1, v4;
	_ =	sdelay $0x4  }
0x99: {  	[tilespmem:s30], [sflag:$0x1] =	stream.indirect_vreg.gather [hbm4b:s2+s3], $0x80, v4, vm0, $0xb8;
	[tilespmem:$0x14400] =	vst v63  }
0x9a: {  	v3 =	vperm.xlane v3, v2  }
0x9b: {  	[tilespmem:s31], [sflag:$0x1] =	stream.indirect_vreg.gather [hbm4b:s4+s3], $0x80, v4, vm0, $0xb8;
	[tilespmem:$0x14400] =	vst v63  }
0x9c: {  	v3 =	vadd.s32 v1, v3  }
0x9d: {  	[tilespmem:s9], [sflag:$0x1] =	stream.indirect_vreg.gather [hbm4b:s5+s3], $0x80, v4, vm0, $0xb8;
	[tilespmem:$0x14400] =	vst v63  }
0x9e: {  	_ = 	snop  }
0x9f: {  	[tilespmem:s1], [sflag:$0x1] =	stream.indirect_vreg.gather [hbm4b:s6+s3], $0x80, v4, vm0, $0xb8;
	[tilespmem:$0x14400] =	vst v63  }
0xa0: {  	_ = 	snop  }
0xa1: {  	[tilespmem:s10], [sflag:$0x1] =	stream.indirect_vreg.gather [hbm4b:s2+s3], $0x80, v3, vm0, $0xb8;
	[tilespmem:$0x14400] =	vst v63  }
0xa2: {  	_ = 	snop  }
0xa3: {  	[tilespmem:s11], [sflag:$0x1] =	stream.indirect_vreg.gather [hbm4b:s4+s3], $0x80, v3, vm0, $0xb8;
	[tilespmem:$0x14400] =	vst v63  }
0xa4: {  	_ = 	snop  }
0xa5: {  	[tilespmem:s12], [sflag:$0x1] =	stream.indirect_vreg.gather [hbm4b:s5+s3], $0x80, v3, vm0, $0xb8;
	[tilespmem:$0x14400] =	vst v63  }
0xa6: {  	_ = 	snop  }
0xa7: {  	[tilespmem:s13], [sflag:$0x1] =	stream.indirect_vreg.gather [hbm4b:s6+s3], $0x80, v3, vm0, $0xb8;
	[tilespmem:$0x14400] =	vst v63  }
0xa8: {  	v3 =	vld [tilespmem:$0x110];
	_ =	sdelay $0x4  }
0xa9: {  	v53 =	vshll.u32 v3, $0x3  }
0xaa: {  	v3 =	vand.u32 $0x7, v3;
	v4 =	vand.u32 $0xFFFFFFC0, v53  }
0xab: {  	v3 =	vor.u32 v3, v4  }
0xac: {  	v4 =	vperm.xlane v3, v0;
	_ =	sdelay $0x1  }
0xad: {  	v4 =	vadd.s32 v1, v4;
	_ =	sdelay $0x4  }
0xae: {  	[tilespmem:s14], [sflag:$0x1] =	stream.indirect_vreg.gather [hbm4b:s2+s3], $0x80, v4, vm0, $0xb8;
	[tilespmem:$0x14400] =	vst v63  }
0xaf: {  	v3 =	vperm.xlane v3, v2  }
0xb0: {  	[tilespmem:s15], [sflag:$0x1] =	stream.indirect_vreg.gather [hbm4b:s4+s3], $0x80, v4, vm0, $0xb8;
	[tilespmem:$0x14400] =	vst v63  }
0xb1: {  	v3 =	vadd.s32 v1, v3  }
0xb2: {  	[tilespmem:s16], [sflag:$0x1] =	stream.indirect_vreg.gather [hbm4b:s5+s3], $0x80, v4, vm0, $0xb8;
	[tilespmem:$0x14400] =	vst v63  }
0xb3: {  	_ = 	snop  }
0xb4: {  	[tilespmem:s17], [sflag:$0x1] =	stream.indirect_vreg.gather [hbm4b:s6+s3], $0x80, v4, vm0, $0xb8;
	[tilespmem:$0x14400] =	vst v63  }
0xb5: {  	_ = 	snop  }
0xb6: {  	[tilespmem:s18], [sflag:$0x1] =	stream.indirect_vreg.gather [hbm4b:s2+s3], $0x80, v3, vm0, $0xb8;
	[tilespmem:$0x14400] =	vst v63  }
0xb7: {  	_ = 	snop  }
0xb8: {  	[tilespmem:s19], [sflag:$0x1] =	stream.indirect_vreg.gather [hbm4b:s4+s3], $0x80, v3, vm0, $0xb8;
	[tilespmem:$0x14400] =	vst v63  }
0xb9: {  	_ = 	snop  }
0xba: {  	[tilespmem:s20], [sflag:$0x1] =	stream.indirect_vreg.gather [hbm4b:s5+s3], $0x80, v3, vm0, $0xb8;
	[tilespmem:$0x14400] =	vst v63  }
0xbb: {  	_ = 	snop  }
0xbc: {  	[tilespmem:s21], [sflag:$0x1] =	stream.indirect_vreg.gather [hbm4b:s6+s3], $0x80, v3, vm0, $0xb8;
	[tilespmem:$0x14400] =	vst v63  }
0xbd: {  	v3 =	vld.msk [tilespmem:$0x120], $0xff;
	_ =	sdelay $0x4  }
0xbe: {  	v54 =	vshll.u32 v3, $0x3  }
0xbf: {  	v3 =	vand.u32 $0x7, v3;
	v4 =	vand.u32 $0xFFFFFFC0, v54  }
0xc0: {  	v3 =	vor.u32 v3, v4  }
0xc1: {  	v3 =	vperm.xlane v3, v0;
	_ =	sdelay $0x1  }
0xc2: {  	v3 =	vadd.s32 v1, v3;
	_ =	sdelay $0x4  }
0xc3: {  	[tilespmem:s22], [sflag:$0x1] =	stream.indirect_vreg.gather [hbm4b:s2+s3], $0x80, v3, vm0, $0xb8;
	[tilespmem:$0x14400] =	vst v63  }
0xc4: {  	_ = 	snop  }
0xc5: {  	[tilespmem:s23], [sflag:$0x1] =	stream.indirect_vreg.gather [hbm4b:s4+s3], $0x80, v3, vm0, $0xb8;
	[tilespmem:$0x14400] =	vst v63  }
0xc6: {  	_ = 	snop  }
0xc7: {  	[tilespmem:s24], [sflag:$0x1] =	stream.indirect_vreg.gather [hbm4b:s5+s3], $0x80, v3, vm0, $0xb8;
	[tilespmem:$0x14400] =	vst v63  }
0xc8: {  	_ = 	snop  }
0xc9: {  	[tilespmem:s25], [sflag:$0x1] =	stream.indirect_vreg.gather [hbm4b:s6+s3], $0x80, v3, vm0, $0xb8;
	[tilespmem:$0x14400] =	vst v63  }
0xca: {  	_ =	swait.ge [sflag:s28], $0xA000  }
0xcb: {  	[sflag:s28] =	ssyncset.done $0x0  }
0xcc: {  	s29 =	rddreg [dreg:$0x5];
	[sflag:s28] =	ssyncadd.s32 $0xFFFF6000  }
0xcd: {  	[hbm4b:s29+s3] =	stream.linear.scatter [tilespmem:s0], [sflag:$0x3], $0xA000, $0x38;
	[tilespmem:$0x14400] =	vst v63  }
0xce: {  	_ =	swait.ge [sflag:s8], $0xA000  }
0xcf: {  	[sflag:s8] =	ssyncset.done $0x0  }
0xd0: {  	[sflag:s8] =	ssyncadd.s32 $0xFFFF6000  }
0xd1: {  	v3 =	vld [tilespmem:$0x180];
	_ =	sdelay $0x4  }
0xd2: {  	v55 =	vshll.u32 v3, $0x3  }
0xd3: {  	v3 =	vand.u32 $0x7, v3;
	v4 =	vand.u32 $0xFFFFFFC0, v55  }
0xd4: {  	v3 =	vor.u32 v3, v4  }
0xd5: {  	v4 =	vperm.xlane v3, v0;
	_ =	sdelay $0x1  }
0xd6: {  	v4 =	vadd.s32 v1, v4;
	_ =	sdelay $0x4  }
0xd7: {  	[tilespmem:s0], [sflag:$0x2] =	stream.indirect_vreg.gather [hbm4b:s2+s3], $0x80, v4, vm0, $0xb8;
	[tilespmem:$0x14400] =	vst v63  }
0xd8: {  	s29 =	simm.s32 $0xAC00;
	v3 =	vperm.xlane v3, v2  }
0xd9: {  	[tilespmem:s29], [sflag:$0x2] =	stream.indirect_vreg.gather [hbm4b:s4+s3], $0x80, v4, vm0, $0xb8;
	[tilespmem:$0x14400] =	vst v63  }
0xda: {  	v3 =	vadd.s32 v1, v3;
	s29 =	simm.s32 $0xB400  }
0xdb: {  	[tilespmem:s29], [sflag:$0x2] =	stream.indirect_vreg.gather [hbm4b:s5+s3], $0x80, v4, vm0, $0xb8;
	[tilespmem:$0x14400] =	vst v63  }
0xdc: {  	s29 =	simm.s32 $0xBC00  }
0xdd: {  	[tilespmem:s29], [sflag:$0x2] =	stream.indirect_vreg.gather [hbm4b:s6+s3], $0x80, v4, vm0, $0xb8;
	[tilespmem:$0x14400] =	vst v63  }
0xde: {  	s29 =	simm.s32 $0xC400  }
0xdf: {  	[tilespmem:s29], [sflag:$0x2] =	stream.indirect_vreg.gather [hbm4b:s2+s3], $0x80, v3, vm0, $0xb8;
	[tilespmem:$0x14400] =	vst v63  }
0xe0: {  	s29 =	simm.s32 $0xCC00  }
0xe1: {  	[tilespmem:s29], [sflag:$0x2] =	stream.indirect_vreg.gather [hbm4b:s4+s3], $0x80, v3, vm0, $0xb8;
	[tilespmem:$0x14400] =	vst v63  }
0xe2: {  	s29 =	simm.s32 $0xD400  }
0xe3: {  	[tilespmem:s29], [sflag:$0x2] =	stream.indirect_vreg.gather [hbm4b:s5+s3], $0x80, v3, vm0, $0xb8;
	[tilespmem:$0x14400] =	vst v63  }
0xe4: {  	s29 =	simm.s32 $0xDC00  }
0xe5: {  	[tilespmem:s29], [sflag:$0x2] =	stream.indirect_vreg.gather [hbm4b:s6+s3], $0x80, v3, vm0, $0xb8;
	[tilespmem:$0x14400] =	vst v63  }
0xe6: {  	v3 =	vld [tilespmem:$0x190];
	_ =	sdelay $0x4  }
0xe7: {  	v56 =	vshll.u32 v3, $0x3  }
0xe8: {  	v3 =	vand.u32 $0x7, v3;
	v4 =	vand.u32 $0xFFFFFFC0, v56  }
0xe9: {  	v3 =	vor.u32 v3, v4  }
0xea: {  	v4 =	vperm.xlane v3, v0;
	_ =	sdelay $0x1  }
0xeb: {  	v4 =	vadd.s32 v1, v4;
	_ =	sdelay $0x3  }
0xec: {  	s29 =	simm.s32 $0xE400  }
0xed: {  	[tilespmem:s29], [sflag:$0x2] =	stream.indirect_vreg.gather [hbm4b:s2+s3], $0x80, v4, vm0, $0xb8;
	[tilespmem:$0x14400] =	vst v63  }
0xee: {  	v3 =	vperm.xlane v3, v2;
	s29 =	simm.s32 $0xEC00  }
0xef: {  	[tilespmem:s29], [sflag:$0x2] =	stream.indirect_vreg.gather [hbm4b:s4+s3], $0x80, v4, vm0, $0xb8;
	[tilespmem:$0x14400] =	vst v63  }
0xf0: {  	v3 =	vadd.s32 v1, v3;
	s29 =	simm.s32 $0xF400  }
0xf1: {  	[tilespmem:s29], [sflag:$0x2] =	stream.indirect_vreg.gather [hbm4b:s5+s3], $0x80, v4, vm0, $0xb8;
	[tilespmem:$0x14400] =	vst v63  }
0xf2: {  	s29 =	simm.s32 $0xFC00  }
0xf3: {  	[tilespmem:s29], [sflag:$0x2] =	stream.indirect_vreg.gather [hbm4b:s6+s3], $0x80, v4, vm0, $0xb8;
	[tilespmem:$0x14400] =	vst v63  }
0xf4: {  	s29 =	simm.s32 $0x10400  }
0xf5: {  	[tilespmem:s29], [sflag:$0x2] =	stream.indirect_vreg.gather [hbm4b:s2+s3], $0x80, v3, vm0, $0xb8;
	[tilespmem:$0x14400] =	vst v63  }
0xf6: {  	s29 =	simm.s32 $0x10C00  }
0xf7: {  	[tilespmem:s29], [sflag:$0x2] =	stream.indirect_vreg.gather [hbm4b:s4+s3], $0x80, v3, vm0, $0xb8;
	[tilespmem:$0x14400] =	vst v63  }
0xf8: {  	s29 =	simm.s32 $0x11400  }
0xf9: {  	[tilespmem:s29], [sflag:$0x2] =	stream.indirect_vreg.gather [hbm4b:s5+s3], $0x80, v3, vm0, $0xb8;
	[tilespmem:$0x14400] =	vst v63  }
0xfa: {  	s29 =	simm.s32 $0x11C00  }
0xfb: {  	[tilespmem:s29], [sflag:$0x2] =	stream.indirect_vreg.gather [hbm4b:s6+s3], $0x80, v3, vm0, $0xb8;
	[tilespmem:$0x14400] =	vst v63  }
0xfc: {  	v3 =	vld.msk [tilespmem:$0x1A0], $0xff;
	_ =	sdelay $0x4  }
0xfd: {  	v57 =	vshll.u32 v3, $0x3  }
0xfe: {  	v3 =	vand.u32 $0x7, v3;
	v4 =	vand.u32 $0xFFFFFFC0, v57  }
0xff: {  	v3 =	vor.u32 v3, v4  }
0x100: {  	v3 =	vperm.xlane v3, v0;
	_ =	sdelay $0x1  }
0x101: {  	v3 =	vadd.s32 v1, v3;
	_ =	sdelay $0x3  }
0x102: {  	s29 =	simm.s32 $0x12400  }
0x103: {  	[tilespmem:s29], [sflag:$0x2] =	stream.indirect_vreg.gather [hbm4b:s2+s3], $0x80, v3, vm0, $0xb8;
	[tilespmem:$0x14400] =	vst v63  }
0x104: {  	s29 =	simm.s32 $0x12C00  }
0x105: {  	[tilespmem:s29], [sflag:$0x2] =	stream.indirect_vreg.gather [hbm4b:s4+s3], $0x80, v3, vm0, $0xb8;
	[tilespmem:$0x14400] =	vst v63  }
0x106: {  	s29 =	simm.s32 $0x13400  }
0x107: {  	[tilespmem:s29], [sflag:$0x2] =	stream.indirect_vreg.gather [hbm4b:s5+s3], $0x80, v3, vm0, $0xb8;
	[tilespmem:$0x14400] =	vst v63  }
0x108: {  	s29 =	simm.s32 $0x13C00  }
0x109: {  	[tilespmem:s29], [sflag:$0x2] =	stream.indirect_vreg.gather [hbm4b:s6+s3], $0x80, v3, vm0, $0xb8;
	[tilespmem:$0x14400] =	vst v63  }
0x10a: {  	_ =	swait.ge [sflag:s26], $0xA000  }
0x10b: {  	[sflag:s26] =	ssyncset.done $0x0  }
0x10c: {  	s29 =	rddreg [dreg:$0x6];
	[sflag:s26] =	ssyncadd.s32 $0xFFFF6000  }
0x10d: {  	[hbm4b:s29+s3] =	stream.linear.scatter [tilespmem:s30], [sflag:$0x3], $0xA000, $0x38;
	[tilespmem:$0x14400] =	vst v63  }
0x10e: {  	_ =	swait.ge [sflag:s8], $0xA000  }
0x10f: {  	[sflag:s8] =	ssyncset.done $0x0  }
0x110: {  	[sflag:s8] =	ssyncadd.s32 $0xFFFF6000  }
0x111: {  	v3 =	vld [tilespmem:$0x200];
	_ =	sdelay $0x4  }
0x112: {  	v58 =	vshll.u32 v3, $0x3  }
0x113: {  	v3 =	vand.u32 $0x7, v3;
	v4 =	vand.u32 $0xFFFFFFC0, v58  }
0x114: {  	v3 =	vor.u32 v3, v4  }
0x115: {  	v4 =	vperm.xlane v3, v0;
	_ =	sdelay $0x1  }
0x116: {  	v4 =	vadd.s32 v1, v4;
	_ =	sdelay $0x4  }
0x117: {  	[tilespmem:s30], [sflag:$0x1] =	stream.indirect_vreg.gather [hbm4b:s2+s3], $0x80, v4, vm0, $0xb8;
	[tilespmem:$0x14400] =	vst v63  }
0x118: {  	v3 =	vperm.xlane v3, v2  }
0x119: {  	[tilespmem:s31], [sflag:$0x1] =	stream.indirect_vreg.gather [hbm4b:s4+s3], $0x80, v4, vm0, $0xb8;
	[tilespmem:$0x14400] =	vst v63  }
0x11a: {  	v3 =	vadd.s32 v1, v3  }
0x11b: {  	[tilespmem:s9], [sflag:$0x1] =	stream.indirect_vreg.gather [hbm4b:s5+s3], $0x80, v4, vm0, $0xb8;
	[tilespmem:$0x14400] =	vst v63  }
0x11c: {  	_ = 	snop  }
0x11d: {  	[tilespmem:s1], [sflag:$0x1] =	stream.indirect_vreg.gather [hbm4b:s6+s3], $0x80, v4, vm0, $0xb8;
	[tilespmem:$0x14400] =	vst v63  }
0x11e: {  	_ = 	snop  }
0x11f: {  	[tilespmem:s10], [sflag:$0x1] =	stream.indirect_vreg.gather [hbm4b:s2+s3], $0x80, v3, vm0, $0xb8;
	[tilespmem:$0x14400] =	vst v63  }
0x120: {  	_ = 	snop  }
0x121: {  	[tilespmem:s11], [sflag:$0x1] =	stream.indirect_vreg.gather [hbm4b:s4+s3], $0x80, v3, vm0, $0xb8;
	[tilespmem:$0x14400] =	vst v63  }
0x122: {  	_ = 	snop  }
0x123: {  	[tilespmem:s12], [sflag:$0x1] =	stream.indirect_vreg.gather [hbm4b:s5+s3], $0x80, v3, vm0, $0xb8;
	[tilespmem:$0x14400] =	vst v63  }
0x124: {  	_ = 	snop  }
0x125: {  	[tilespmem:s13], [sflag:$0x1] =	stream.indirect_vreg.gather [hbm4b:s6+s3], $0x80, v3, vm0, $0xb8;
	[tilespmem:$0x14400] =	vst v63  }
0x126: {  	v3 =	vld [tilespmem:$0x210];
	_ =	sdelay $0x4  }
0x127: {  	v59 =	vshll.u32 v3, $0x3  }
0x128: {  	v3 =	vand.u32 $0x7, v3;
	v4 =	vand.u32 $0xFFFFFFC0, v59  }
0x129: {  	v3 =	vor.u32 v3, v4  }
0x12a: {  	v4 =	vperm.xlane v3, v0;
	_ =	sdelay $0x1  }
0x12b: {  	v4 =	vadd.s32 v1, v4;
	_ =	sdelay $0x4  }
0x12c: {  	[tilespmem:s14], [sflag:$0x1] =	stream.indirect_vreg.gather [hbm4b:s2+s3], $0x80, v4, vm0, $0xb8;
	[tilespmem:$0x14400] =	vst v63  }
0x12d: {  	v3 =	vperm.xlane v3, v2  }
0x12e: {  	[tilespmem:s15], [sflag:$0x1] =	stream.indirect_vreg.gather [hbm4b:s4+s3], $0x80, v4, vm0, $0xb8;
	[tilespmem:$0x14400] =	vst v63  }
0x12f: {  	v3 =	vadd.s32 v1, v3  }
0x130: {  	[tilespmem:s16], [sflag:$0x1] =	stream.indirect_vreg.gather [hbm4b:s5+s3], $0x80, v4, vm0, $0xb8;
	[tilespmem:$0x14400] =	vst v63  }
0x131: {  	_ = 	snop  }
0x132: {  	[tilespmem:s17], [sflag:$0x1] =	stream.indirect_vreg.gather [hbm4b:s6+s3], $0x80, v4, vm0, $0xb8;
	[tilespmem:$0x14400] =	vst v63  }
0x133: {  	_ = 	snop  }
0x134: {  	[tilespmem:s18], [sflag:$0x1] =	stream.indirect_vreg.gather [hbm4b:s2+s3], $0x80, v3, vm0, $0xb8;
	[tilespmem:$0x14400] =	vst v63  }
0x135: {  	_ = 	snop  }
0x136: {  	[tilespmem:s19], [sflag:$0x1] =	stream.indirect_vreg.gather [hbm4b:s4+s3], $0x80, v3, vm0, $0xb8;
	[tilespmem:$0x14400] =	vst v63  }
0x137: {  	_ = 	snop  }
0x138: {  	[tilespmem:s20], [sflag:$0x1] =	stream.indirect_vreg.gather [hbm4b:s5+s3], $0x80, v3, vm0, $0xb8;
	[tilespmem:$0x14400] =	vst v63  }
0x139: {  	_ = 	snop  }
0x13a: {  	[tilespmem:s21], [sflag:$0x1] =	stream.indirect_vreg.gather [hbm4b:s6+s3], $0x80, v3, vm0, $0xb8;
	[tilespmem:$0x14400] =	vst v63  }
0x13b: {  	v3 =	vld.msk [tilespmem:$0x220], $0xff;
	_ =	sdelay $0x4  }
0x13c: {  	v60 =	vshll.u32 v3, $0x3  }
0x13d: {  	v3 =	vand.u32 $0x7, v3;
	v4 =	vand.u32 $0xFFFFFFC0, v60  }
0x13e: {  	v3 =	vor.u32 v3, v4  }
0x13f: {  	v3 =	vperm.xlane v3, v0;
	_ =	sdelay $0x1  }
0x140: {  	v3 =	vadd.s32 v1, v3;
	_ =	sdelay $0x4  }
0x141: {  	[tilespmem:s22], [sflag:$0x1] =	stream.indirect_vreg.gather [hbm4b:s2+s3], $0x80, v3, vm0, $0xb8;
	[tilespmem:$0x14400] =	vst v63  }
0x142: {  	_ = 	snop  }
0x143: {  	[tilespmem:s23], [sflag:$0x1] =	stream.indirect_vreg.gather [hbm4b:s4+s3], $0x80, v3, vm0, $0xb8;
	[tilespmem:$0x14400] =	vst v63  }
0x144: {  	_ = 	snop  }
0x145: {  	[tilespmem:s24], [sflag:$0x1] =	stream.indirect_vreg.gather [hbm4b:s5+s3], $0x80, v3, vm0, $0xb8;
	[tilespmem:$0x14400] =	vst v63  }
0x146: {  	_ = 	snop  }
0x147: {  	[tilespmem:s25], [sflag:$0x1] =	stream.indirect_vreg.gather [hbm4b:s6+s3], $0x80, v3, vm0, $0xb8;
	[tilespmem:$0x14400] =	vst v63  }
0x148: {  	_ =	swait.ge [sflag:s28], $0xA000  }
0x149: {  	[sflag:s28] =	ssyncset.done $0x0  }
0x14a: {  	s1 =	rddreg [dreg:$0x7];
	[sflag:s28] =	ssyncadd.s32 $0xFFFF6000  }
0x14b: {  	[hbm4b:s1+s3] =	stream.linear.scatter [tilespmem:s0], [sflag:$0x3], $0xA000, $0x38;
	[tilespmem:$0x14400] =	vst v63  }
0x14c: {  	_ =	swait.ge [sflag:s8], $0xA000  }
0x14d: {  	[sflag:s8] =	ssyncset.done $0x0  }
0x14e: {  	[sflag:s8] =	ssyncadd.s32 $0xFFFF6000  }
0x14f: {  	v3 =	vld [tilespmem:$0x280];
	_ =	sdelay $0x4  }
0x150: {  	v61 =	vshll.u32 v3, $0x3  }
0x151: {  	v3 =	vand.u32 $0x7, v3;
	v4 =	vand.u32 $0xFFFFFFC0, v61  }
0x152: {  	v3 =	vor.u32 v3, v4  }
0x153: {  	v4 =	vperm.xlane v3, v0;
	_ =	sdelay $0x1  }
0x154: {  	v4 =	vadd.s32 v1, v4;
	_ =	sdelay $0x4  }
0x155: {  	[tilespmem:s0], [sflag:$0x2] =	stream.indirect_vreg.gather [hbm4b:s2+s3], $0x80, v4, vm0, $0xb8;
	[tilespmem:$0x14400] =	vst v63  }
0x156: {  	s29 =	simm.s32 $0xAC00;
	v3 =	vperm.xlane v3, v2  }
0x157: {  	[tilespmem:s29], [sflag:$0x2] =	stream.indirect_vreg.gather [hbm4b:s4+s3], $0x80, v4, vm0, $0xb8;
	[tilespmem:$0x14400] =	vst v63  }
0x158: {  	v3 =	vadd.s32 v1, v3;
	s29 =	simm.s32 $0xB400  }
0x159: {  	[tilespmem:s29], [sflag:$0x2] =	stream.indirect_vreg.gather [hbm4b:s5+s3], $0x80, v4, vm0, $0xb8;
	[tilespmem:$0x14400] =	vst v63  }
0x15a: {  	s29 =	simm.s32 $0xBC00  }
0x15b: {  	[tilespmem:s29], [sflag:$0x2] =	stream.indirect_vreg.gather [hbm4b:s6+s3], $0x80, v4, vm0, $0xb8;
	[tilespmem:$0x14400] =	vst v63  }
0x15c: {  	s29 =	simm.s32 $0xC400  }
0x15d: {  	[tilespmem:s29], [sflag:$0x2] =	stream.indirect_vreg.gather [hbm4b:s2+s3], $0x80, v3, vm0, $0xb8;
	[tilespmem:$0x14400] =	vst v63  }
0x15e: {  	s29 =	simm.s32 $0xCC00  }
0x15f: {  	[tilespmem:s29], [sflag:$0x2] =	stream.indirect_vreg.gather [hbm4b:s4+s3], $0x80, v3, vm0, $0xb8;
	[tilespmem:$0x14400] =	vst v63  }
0x160: {  	s29 =	simm.s32 $0xD400  }
0x161: {  	[tilespmem:s29], [sflag:$0x2] =	stream.indirect_vreg.gather [hbm4b:s5+s3], $0x80, v3, vm0, $0xb8;
	[tilespmem:$0x14400] =	vst v63  }
0x162: {  	s29 =	simm.s32 $0xDC00  }
0x163: {  	[tilespmem:s29], [sflag:$0x2] =	stream.indirect_vreg.gather [hbm4b:s6+s3], $0x80, v3, vm0, $0xb8;
	[tilespmem:$0x14400] =	vst v63  }
0x164: {  	v3 =	vld [tilespmem:$0x290];
	_ =	sdelay $0x4  }
0x165: {  	v62 =	vshll.u32 v3, $0x3  }
0x166: {  	v3 =	vand.u32 $0x7, v3;
	v4 =	vand.u32 $0xFFFFFFC0, v62  }
0x167: {  	v3 =	vor.u32 v3, v4  }
0x168: {  	v4 =	vperm.xlane v3, v0;
	_ =	sdelay $0x1  }
0x169: {  	v4 =	vadd.s32 v1, v4;
	_ =	sdelay $0x3  }
0x16a: {  	s29 =	simm.s32 $0xE400  }
0x16b: {  	[tilespmem:s29], [sflag:$0x2] =	stream.indirect_vreg.gather [hbm4b:s2+s3], $0x80, v4, vm0, $0xb8;
	[tilespmem:$0x14400] =	vst v63  }
0x16c: {  	v3 =	vperm.xlane v3, v2;
	s29 =	simm.s32 $0xEC00  }
0x16d: {  	[tilespmem:s29], [sflag:$0x2] =	stream.indirect_vreg.gather [hbm4b:s4+s3], $0x80, v4, vm0, $0xb8;
	[tilespmem:$0x14400] =	vst v63  }
0x16e: {  	v3 =	vadd.s32 v1, v3;
	s29 =	simm.s32 $0xF400  }
0x16f: {  	[tilespmem:s29], [sflag:$0x2] =	stream.indirect_vreg.gather [hbm4b:s5+s3], $0x80, v4, vm0, $0xb8;
	[tilespmem:$0x14400] =	vst v63  }
0x170: {  	s29 =	simm.s32 $0xFC00  }
0x171: {  	[tilespmem:s29], [sflag:$0x2] =	stream.indirect_vreg.gather [hbm4b:s6+s3], $0x80, v4, vm0, $0xb8;
	[tilespmem:$0x14400] =	vst v63  }
0x172: {  	s29 =	simm.s32 $0x10400  }
0x173: {  	[tilespmem:s29], [sflag:$0x2] =	stream.indirect_vreg.gather [hbm4b:s2+s3], $0x80, v3, vm0, $0xb8;
	[tilespmem:$0x14400] =	vst v63  }
0x174: {  	s29 =	simm.s32 $0x10C00  }
0x175: {  	[tilespmem:s29], [sflag:$0x2] =	stream.indirect_vreg.gather [hbm4b:s4+s3], $0x80, v3, vm0, $0xb8;
	[tilespmem:$0x14400] =	vst v63  }
0x176: {  	s29 =	simm.s32 $0x11400  }
0x177: {  	[tilespmem:s29], [sflag:$0x2] =	stream.indirect_vreg.gather [hbm4b:s5+s3], $0x80, v3, vm0, $0xb8;
	[tilespmem:$0x14400] =	vst v63  }
0x178: {  	s29 =	simm.s32 $0x11C00  }
0x179: {  	[tilespmem:s29], [sflag:$0x2] =	stream.indirect_vreg.gather [hbm4b:s6+s3], $0x80, v3, vm0, $0xb8;
	[tilespmem:$0x14400] =	vst v63  }
0x17a: {  	v3 =	vld.msk [tilespmem:$0x2A0], $0xff;
	_ =	sdelay $0x4  }
0x17b: {  	v63 =	vshll.u32 v3, $0x3  }
0x17c: {  	v3 =	vand.u32 $0x7, v3;
	v4 =	vand.u32 $0xFFFFFFC0, v63  }
0x17d: {  	v3 =	vor.u32 v3, v4  }
0x17e: {  	v3 =	vperm.xlane v3, v0;
	_ =	sdelay $0x1  }
0x17f: {  	v3 =	vadd.s32 v1, v3;
	_ =	sdelay $0x3  }
0x180: {  	s29 =	simm.s32 $0x12400  }
0x181: {  	[tilespmem:s29], [sflag:$0x2] =	stream.indirect_vreg.gather [hbm4b:s2+s3], $0x80, v3, vm0, $0xb8;
	[tilespmem:$0x14400] =	vst v63  }
0x182: {  	s29 =	simm.s32 $0x12C00  }
0x183: {  	[tilespmem:s29], [sflag:$0x2] =	stream.indirect_vreg.gather [hbm4b:s4+s3], $0x80, v3, vm0, $0xb8;
	[tilespmem:$0x14400] =	vst v63  }
0x184: {  	s29 =	simm.s32 $0x13400  }
0x185: {  	[tilespmem:s29], [sflag:$0x2] =	stream.indirect_vreg.gather [hbm4b:s5+s3], $0x80, v3, vm0, $0xb8;
	[tilespmem:$0x14400] =	vst v63  }
0x186: {  	s29 =	simm.s32 $0x13C00  }
0x187: {  	[tilespmem:s29], [sflag:$0x2] =	stream.indirect_vreg.gather [hbm4b:s6+s3], $0x80, v3, vm0, $0xb8;
	[tilespmem:$0x14400] =	vst v63  }
0x188: {  	_ =	swait.ge [sflag:s26], $0xA000  }
0x189: {  	[sflag:s26] =	ssyncset.done $0x0  }
0x18a: {  	s1 =	rddreg [dreg:$0x8];
	[sflag:s26] =	ssyncadd.s32 $0xFFFF6000  }
0x18b: {  	[hbm4b:s1+s3] =	stream.linear.scatter [tilespmem:s30], [sflag:$0x3], $0xA000, $0x38;
	[tilespmem:$0x14400] =	vst v63  }
0x18c: {  	_ =	swait.ge [sflag:s8], $0xA000  }
0x18d: {  	[sflag:s8] =	ssyncset.done $0x0  }
0x18e: {  	[sflag:s8] =	ssyncadd.s32 $0xFFFF6000  }
0x18f: {  	_ =	swait.ge [sflag:s28], $0xA000  }
0x190: {  	p0 =	sne.s32 s7, $0x1;
	[sflag:s28] =	ssyncset.done $0x0  }
.Ltmp0:
0x191: {  	s1 =	rddreg [dreg:$0x9];
	[sflag:s28] =	ssyncadd.s32 $0xFFFF6000;
	(pc) =	sbr.rel @p0 .LBB2_1-.Ltmp0, $4  }
0x192: {  	[hbm4b:s1+s3] =	stream.linear.scatter [tilespmem:s0], [sflag:$0x3], $0xA000, $0x38;
	[tilespmem:$0x14400] =	vst v63  }
0x193: {  	_ =	swait.ge [sflag:s8], $0xA000  }
0x194: {  	[sflag:s8] =	ssyncset.done $0x0  }
0x195: {  	s7 =	sadd.s32 $0xFFFFFFFF, s7;
	[sflag:s8] =	ssyncadd.s32 $0xFFFF6000  }
0x196: {  	_ =	sfence.sel $0x180000  }
0x197: {  	[bflag:$0x0] =	sbarrier.arrive $0xFFFF  }
0x198: {  	_ =	strace $0x9000004D  }
0x199: {  	s0 =	stileid.u32;
	[bflag:$0x2] =	sbarrier.arrive $0xFFFF  }
0x19a: {  	p0 =	sne.s32 s0, $0x0;
	s0 =	rddreg [dreg:$0x2]  }
0x19b: {  	s0 =	sadd.s32 @!p0 $0x100000, s0  }
0x19c: {  	[sflag:s0] =	ssyncadd.tile.s32 @!p0 $0x1;
	_ =	shalt  }
.Lfunc_end2:
_tile_overlayer_lowered:
.L_overlay_start_2:
0x19d: {  	(tag) =	ssettag $0x2  }
0x19e: {  	s0 =	rddreg [dreg:$0x0];
	s2 =	stileid.u32  }
0x19f: {  	s1 =	rddreg [dreg:$0x1];
	p0 =	sne.s32 s2, $0x0  }
0x1a0: {  	s3 =	rddreg [dreg:$0x2];
	[bflag:$0x3] =	sbarrier.arrive $0xFFFF;
	s2 =	simm.s32 @!p0 $0x1C03  }
0x1a1: {  	[timem:s3], [sflag:s2] =	dma.local @!p0 [hbm:s0], s1  }
0x1a2: {  	s0 =	simm.s32 @!p0 $0x3  }
0x1a3: {  	_ =	swait.ge @!p0 [sflag:s0], s1  }
0x1a4: {  	s1 =	ssub.s32 @!p0 $0x0, s1;
	[sflag:s0] =	ssyncset.done @!p0 $0x0  }
0x1a5: {  	[sflag:s0] =	ssyncadd.s32 @!p0 s1  }
0x1a6: {  	[bflag:$0x3] =	sbarrier.arrive $0xFFFF  }
0x1a7: {  	_ =	shalt  }

// kernel: kernel.19.cloned.1.call-start
scs
__scs_entry_jumppad:
0x0: {  	(pc) =	sbr.rel $0x88, $3  }
0x1: {  	(tag) =	ssettag $0x0;
	lr =	simm.s32 $0x1  }
0x2: {  	[smem:$0x3F9D] =	sst lr;
	_ =	strace $0xD0000000  }
0x3: {  	_ = 	snop  }
0x4: {  	_ = 	snop  }
0x5: {  	_ = 	snop  }
0x6: {  	_ = 	snop  }
0x7: {  	_ = 	snop  }
__scs_overlays_trampoline_lowered:
0x8: {  	[smem:$0x3FAC] =	sst s0  }
0x9: {  	[smem:$0x3FAD] =	sst s1  }
0xa: {  	[smem:$0x3FAE] =	sst s2  }
0xb: {  	[smem:$0x3FAF] =	sst s3  }
0xc: {  	[smem:$0x3FB0] =	sst s4  }
0xd: {  	[smem:$0x3FB1] =	sst s5  }
0xe: {  	[smem:$0x3FB2] =	sst s6  }
0xf: {  	[smem:$0x3FB3] =	sst s7  }
0x10: {  	[smem:$0x3FB4] =	sst s8  }
0x11: {  	[smem:$0x3FB5] =	sst s9;
	s0 =	simm.s32 @!p0 $0x0  }
0x12: {  	s1 =	sld [smem:$0x3F9B];
	s0 =	simm.s32 @p0 $0x1  }
0x13: {  	[smem:$0x3FB6] =	sst s0;
	s0 =	simm.s32 @!p1 $0x0  }
0x14: {  	s2 =	sld [smem:$0x3F9A];
	s0 =	simm.s32 @p1 $0x1  }
0x15: {  	[smem:$0x3FB7] =	sst s0;
	s0 =	simm.s32 @!p2 $0x0  }
0x16: {  	s3 =	sld [smem:$0x3FDB];
	s0 =	simm.s32 @p2 $0x1  }
0x17: {  	s4 =	simm.s32 $0x1BF5;
	[smem:$0x3FB9] =	sst s0  }
0x18: {  	s0 =	sld [smem:$0x3F9C];
	_ =	swait.ge [sflag:s4], $0x0  }
0x19: {  	s7 =	sld [smem:$0x3F9D]  }
0x1a: {  	s8 =	sadd.s32 $0xFFFFE003, lr  }
0x1b: {  	s9 =	sadd.s32 $0xFFFFFEF7, lr;
	s5 =	simm.s32 $0xFFFFFFFF;
	p2 =	slt.u32 s8, $0xFFFFF086  }
0x1c: {  	p1 =	slt.u32 s9, $0xF7A;
	s5 =	simm.s32 @!p2 $0x0  }
0x1d: {  	s5 =	simm.s32 @p1 $0x1;
	p0 =	seq.s32 s7, s2  }
0x1e: {  	s7 =	smul.u32 @!p0 $0xF7A, s2;
	p2 =	seq.s32 @!p0 s5, $0x0  }
0x1f: {  	s9 =	smul.u32 $0xF7A, s1;
	s8 =	simm.s32 @!p0 $0x1BF5;
	p2 =	por !p2, p0  }
0x20: {  	[sflag:s8] =	ssyncset.s32 @!p0 $0xFFFFF086;
	s6 =	sadd.s32 @!p0 s3, s7;
	s7 =	simm.s32 @!p0 $0x108  }
0x21: {  	s3 =	sadd.s32 s3, s9;
	s6 =	sadd.s32 @!p0 $0x88, s6;
	s7 =	simm.s32 @p2 $0x1082  }
0x22: {  	[simem:s7], [sflag:s8] =	dma.local @!p0 [hbm:s6], $0xF7A  }
0x23: {  	s9 =	sor.u32 $0xD0000000, s2;
	s6 =	simm.s32 $0x108;
	_ =	swait.ge @!p0 [sflag:s8], $0x0  }
0x24: {  	s3 =	sadd.s32 $0x88, s3;
	s6 =	simm.s32 @!p1 $0x1082;
	[sflag:s4] =	ssyncset.s32 $0xFFFFF086  }
0x25: {  	[simem:s6], [sflag:s4] =	dma.local [hbm:s3], $0xF7A  }
0x26: {  	[smem:$0x3F9D] =	sst s1;
	(tag) =	ssettag s2;
	_ =	strace s9  }
0x27: {  	s1 =	sld [smem:$0x3FAD]  }
0x28: {  	s2 =	sld [smem:$0x3FAE]  }
0x29: {  	s4 =	sld [smem:$0x3FB0]  }
0x2a: {  	p0 =	seq.s32 s5, $0x0;
	s5 =	sld [smem:$0x3FB1]  }
0x2b: {  	s6 =	sld [smem:$0x3FB2]  }
0x2c: {  	s7 =	sld [smem:$0x3FB3]  }
0x2d: {  	s3 =	simm.s32 $0x108;
	s8 =	sld [smem:$0x3FB4]  }
0x2e: {  	s3 =	simm.s32 @!p0 $0x1082;
	s9 =	sld [smem:$0x3FB5]  }
0x2f: {  	lr =	sadd.s32 s0, s3;
	s0 =	sld [smem:$0x3FAC]  }
0x30: {  	s3 =	sld [smem:$0x3FAF]  }
0x31: {  	[smem:$0x3FB8] =	sst s10  }
0x32: {  	s10 =	sld [smem:$0x3FB6];
	_ =	sdelay $0x3  }
0x33: {  	p0 =	seq.s32 s10, $0x1;
	s10 =	sld [smem:$0x3FB8];
	_ =	sdelay $0x3  }
0x34: {  	[smem:$0x3FB8] =	sst s10  }
0x35: {  	s10 =	sld [smem:$0x3FB7];
	_ =	sdelay $0x3  }
0x36: {  	p1 =	seq.s32 s10, $0x1;
	s10 =	sld [smem:$0x3FB8];
	_ =	sdelay $0x3  }
0x37: {  	[smem:$0x3FB8] =	sst s10  }
0x38: {  	s10 =	sld [smem:$0x3FB9]  }
0x39: {  	_ = 	snop;
	(pc) =	sbr.ind lr, $3  }
0x3a: {  	_ = 	snop  }
0x3b: {  	_ = 	snop  }
0x3c: {  	p2 =	seq.s32 s10, $0x1;
	s10 =	sld [smem:$0x3FB8]  }
0x3d: {  	_ =	shalt  }
0x3e: {  	_ =	shalt  }
0x3f: {  	_ =	shalt  }
0x40: {  	_ =	shalt  }
0x41: {  	_ =	shalt  }
0x42: {  	_ =	shalt  }
0x43: {  	_ =	shalt  }
0x44: {  	_ =	shalt  }
0x45: {  	_ =	shalt  }
0x46: {  	_ =	shalt  }
0x47: {  	_ =	shalt  }
0x48: {  	_ =	shalt  }
0x49: {  	_ =	shalt  }
0x4a: {  	_ =	shalt  }
0x4b: {  	_ =	shalt  }
0x4c: {  	_ =	shalt  }
0x4d: {  	_ =	shalt  }
0x4e: {  	_ =	shalt  }
0x4f: {  	_ =	shalt  }
0x50: {  	_ =	shalt  }
0x51: {  	_ =	shalt  }
0x52: {  	_ =	shalt  }
0x53: {  	_ =	shalt  }
0x54: {  	_ =	shalt  }
0x55: {  	_ =	shalt  }
0x56: {  	_ =	shalt  }
0x57: {  	_ =	shalt  }
0x58: {  	_ =	shalt  }
0x59: {  	_ =	shalt  }
0x5a: {  	_ =	shalt  }
0x5b: {  	_ =	shalt  }
0x5c: {  	_ =	shalt  }
0x5d: {  	_ =	shalt  }
0x5e: {  	_ =	shalt  }
0x5f: {  	_ =	shalt  }
0x60: {  	_ =	shalt  }
0x61: {  	_ =	shalt  }
0x62: {  	_ =	shalt  }
0x63: {  	_ =	shalt  }
0x64: {  	_ =	shalt  }
0x65: {  	_ =	shalt  }
0x66: {  	_ =	shalt  }
0x67: {  	_ =	shalt  }
0x68: {  	_ =	shalt  }
0x69: {  	_ =	shalt  }
0x6a: {  	_ =	shalt  }
0x6b: {  	_ =	shalt  }
0x6c: {  	_ =	shalt  }
0x6d: {  	_ =	shalt  }
0x6e: {  	_ =	shalt  }
0x6f: {  	_ =	shalt  }
0x70: {  	_ =	shalt  }
0x71: {  	_ =	shalt  }
0x72: {  	_ =	shalt  }
0x73: {  	_ =	shalt  }
0x74: {  	_ =	shalt  }
0x75: {  	_ =	shalt  }
0x76: {  	_ =	shalt  }
0x77: {  	_ =	shalt  }
0x78: {  	_ =	shalt  }
0x79: {  	_ =	shalt  }
0x7a: {  	_ =	shalt  }
0x7b: {  	_ =	shalt  }
0x7c: {  	_ =	shalt  }
0x7d: {  	_ =	shalt  }
0x7e: {  	_ =	shalt  }
0x7f: {  	_ =	shalt  }
0x80: {  	_ =	shalt  }
0x81: {  	_ =	shalt  }
0x82: {  	_ =	shalt  }
0x83: {  	_ =	shalt  }
0x84: {  	_ =	shalt  }
0x85: {  	_ =	shalt  }
0x86: {  	_ =	shalt  }
0x87: {  	_ =	shalt  }
.Lfunc_end0:
.L_simem_size_0:
called_computation.3_lowered:
.L_overlay_start_0:
0x88: {  	s2 =	sld [smem:$0x3FD9]  }
0x89: {  	s3 =	sld [smem:$0x3FFE];
	_ =	sdelay $0x1  }
0x8a: {  	s1 =	srdreg.scid  }
0x8b: {  	s0 =	sand.u32 $0x1, s1  }
0x8c: {  	s17 =	sshll.u32 s0, $0xA;
	s2 =	sadd.s32 s3, s2  }
0x8d: {  	s2 =	sadd.s32 s2, s17  }
0x8e: {  	[smem:$0x3FC4] =	sst s2  }
0x8f: {  	_ = 	snop  }
0x90: {  	s18 =	sld [smem:$0x3FC8];
	(tm) =	ssettm $0x1  }
0x91: {  	s19 =	sld [smem:$0x3FFB];
	_ =	sdelay $0x3  }
0x92: {  	_ =	strace s19  }
0x93: {  	s2 =	sld [smem:$0x3FFC];
	_ =	sdelay $0x3  }
0x94: {  	_ =	strace s2  }
0x95: {  	s2 =	sld [smem:$0x3FFD];
	_ =	sdelay $0x3  }
0x96: {  	_ =	strace s2  }
0x97: {  	_ =	strace $0x8FFFFFFF  }
0x98: {  	s20 =	sld [smem:$0x3FDB];
	_ =	sdelay $0x1  }
0x99: {  	s4 =	simm.s32 $_scs_section_size  }
0x9a: {  	s5 =	simm.s32 $_size__tile_overlayer_lowered;
	s6 =	simm.s32 $_tile_overlayer_lowered  }
0x9b: {  	s7 =	simm.s32 $0x1BFF;
	s21 =	sshll.u32 s6, $0x1;
	s4 =	sadd.s32 s4, s20  }
0x9c: {  	s22 =	simm.s32 $0x0;
	s5 =	sshll.u32 s5, $0x1;
	s6 =	sadd.s32 s21, s4  }
0x9d: {  	[timem:s22], [sflag:s7] =	dma.local [hbm:s6], s5  }
0x9e: {  	_ =	swait.ge [sflag:s7], s5  }
0x9f: {  	s5 =	ssub.s32 $0x0, s5;
	[sflag:s7] =	ssyncset.done $0x0  }
0xa0: {  	[sflag:s7] =	ssyncadd.s32 s5;
	_ =	sdelay $0x1  }
0xa1: {  	s23 =	simm.s32 $0x1B8B  }
0xa2: {  	_ =	swait.ge [sflag:s23], $0x1  }
0xa3: {  	[sflag:s23] =	ssyncset.done $0x0  }
0xa4: {  	[sflag:s23] =	ssyncadd.s32 $0xFFFFFFFF  }
0xa5: {  	s5 =	sld [smem:$0x0]  }
0xa6: {  	s6 =	sand.u32 $0xFFFFFFFE, s1  }
0xa7: {  	p0 =	sne.s32 s1, s6  }
0xa8: {  	s6 =	sshll.u32 @p0 s6, $0xE  }
0xa9: {  	s6 =	sadd.s32 @p0 $0x11B8D, s6;
	s7 =	sshll.u32 @p0 s5, $0x11  }
0xaa: {  	s6 =	sor.u32 @p0 s7, s6  }
0xab: {  	[sflag:s6] =	ssyncadd.remote.s32 @p0 $0x1;
	_ =	sdelay $0x1  }
0xac: {  	s6 =	simm.s32 @p0 $0x1B8D  }
0xad: {  	_ =	swait.eq @p0 [sflag:s6], $0x1  }
0xae: {  	[sflag:s6] =	ssyncadd.s32 @p0 $0xFFFFFFFF  }
0xaf: {  	s7 =	sshll.u32 @!p0 s1, $0xE  }
0xb0: {  	s7 =	sor.u32 @!p0 $0x4000, s7;
	s6 =	simm.s32 @!p0 $0x1B8D  }
0xb1: {  	s5 =	sshll.u32 @!p0 s5, $0x11;
	s7 =	sadd.s32 @!p0 $0x11B8D, s7;
	_ =	swait.eq @!p0 [sflag:s6], $0x1  }
0xb2: {  	s5 =	sor.u32 @!p0 s5, s7;
	[sflag:s6] =	ssyncadd.s32 @!p0 $0xFFFFFFFF  }
0xb3: {  	s25 =	simm.s32 $0x1B8E;
	s24 =	sld [smem:$0x3FFE];
	[sflag:s5] =	ssyncadd.remote.s32 @!p0 $0x1  }
0xb4: {  	s26 =	simm.s32 $execute0_lowered;
	[smem:$0x3FD2] =	sst s25  }
0xb5: {  	s6 =	sshll.u32 s26, $0x1;
	_ =	strace $0x8000004F;
	[dreg:$0x1] =	wrdreg $0xFFFFFFFF  }
0xb6: {  	s28 =	simm.s32 $_size_execute0_lowered;
	s4 =	sadd.s32 s4, s6;
	[dreg:$0x0] =	wrdreg $0x0  }
0xb7: {  	s6 =	sshll.u32 s28, $0x1;
	[dreg:$0x2] =	wrdreg s4  }
0xb8: {  	[dreg:$0x3] =	wrdreg s6  }
0xb9: {  	[dreg:$0x4] =	wrdreg $0xC0  }
0xba: {  	_ =	task [dreg:s22], $0x5FFFF  }
0xbb: {  	[dreg:$0x1] =	wrdreg $0xFFFFFFFF  }
0xbc: {  	[dreg:$0x0] =	wrdreg $0x60  }
0xbd: {  	[dreg:$0x2] =	wrdreg s24  }
0xbe: {  	[dreg:$0x3] =	wrdreg s18  }
0xbf: {  	[dreg:$0x4] =	wrdreg $0xC  }
0xc0: {  	_ =	task.clear_ibuf [dreg:s22], $0x5FFFF;
	_ =	strace $0x9000004F  }
0xc1: {  	s29 =	simm.s32 $0xC;
	_ =	strace $0x80000051  }
0xc2: {  	_ =	swait.ge [sflag:s29], $0x1  }
0xc3: {  	[sflag:s29] =	ssyncadd.s32 $0xFFFFFFFF  }
0xc4: {  	_ =	strace $0x90000051  }
0xc5: {  	_ =	sfence  }
0xc6: {  	s30 =	sld [smem:$0x0];
	_ =	sdelay $0x2  }
0xc7: {  	s31 =	sshll.u32 s1, $0xD;
	s1 =	sshrl.u32 s1, $0x2  }
0xc8: {  	s4 =	sand.u32 $0x4000, s31;
	s1 =	sadd.s32 s1, s30  }
0xc9: {  	s0 =	sor.u32 s4, s0;
	s1 =	sshll.u32 s1, $0x11  }
0xca: {  	s0 =	sor.u32 s1, s0  }
0xcb: {  	s0 =	sadd.s32 $0x8F2B, s0  }
0xcc: {  	[sflag:s0] =	ssyncadd.remote.s32 $0x1  }
0xcd: {  	_ =	sfence.sel $0xFFFF  }
0xce: {  	[dreg:$0x0] =	wrdreg $0xFFFFFFFF;
	(pc) =	sbr.abs _section_cstart, $3  }
0xcf: {  	[dreg:$0x1] =	wrdreg $0xFFFFFFFF  }
0xd0: {  	_ =	task.clear_ibuf [dreg:s22], $0x2FFFF;
	_ =	strace $0x9FFFFFFF  }
0xd1: {  	(tm) =	ssettm $0x7FFFFFFF  }
tec
execute0_lowered:
.L_overlay_start_1:
0x0: {  	(tag) =	ssettag $0x1  }
0x1: {  	s1 =	rddreg [dreg:$0x0];
	s3 =	srdreg.scid  }
0x2: {  	s2 =	rddreg [dreg:$0x1];
	s4 =	sand.u32 $0x1, s3;
	s3 =	simm.s32 $0x0  }
0x3: {  	s8 =	simm.s32 $0x1900;
	[smem:$0x7FF] =	sst s3  }
0x4: {  	s9 =	simm.s32 $0x2100;
	_ =	strace $0x80000050;
	[dreg:$0x8] =	wrdreg s8  }
0x5: {  	s10 =	simm.s32 $0x2900;
	[dreg:$0x9] =	wrdreg s9  }
0x6: {  	s11 =	simm.s32 $0x3100;
	[dreg:$0xa] =	wrdreg s10  }
0x7: {  	s12 =	simm.s32 $0x3900;
	[dreg:$0xb] =	wrdreg s11  }
0x8: {  	s0 =	stileid.u32;
	s13 =	simm.s32 $0x4100;
	[dreg:$0xc] =	wrdreg s12  }
0x9: {  	s14 =	simm.s32 $0x4900;
	s15 =	simm.s32 $0x5100;
	[dreg:$0xd] =	wrdreg s13  }
0xa: {  	s16 =	simm.s32 $0x5900;
	s17 =	simm.s32 $0x6100;
	[dreg:$0xe] =	wrdreg s14  }
0xb: {  	s19 =	simm.s32 $0x6900;
	s21 =	simm.s32 $0x7100;
	[dreg:$0xf] =	wrdreg s15  }
0xc: {  	s22 =	simm.s32 $0x7900;
	s23 =	simm.s32 $0x8100;
	[dreg:$0x10] =	wrdreg s16  }
0xd: {  	s24 =	simm.s32 $0x8900;
	s25 =	simm.s32 $0x9100;
	[dreg:$0x11] =	wrdreg s17  }
0xe: {  	s26 =	simm.s32 $0x9900;
	s28 =	simm.s32 $0x12900;
	[dreg:$0x12] =	wrdreg s19  }
0xf: {  	s29 =	simm.s32 $0x13100;
	s30 =	simm.s32 $0x13900;
	[dreg:$0x13] =	wrdreg s21  }
0x10: {  	s31 =	simm.s32 $0x1;
	s5 =	sshll.u32 s0, $0x1;
	[dreg:$0x14] =	wrdreg s22  }
0x11: {  	s5 =	sor.u32 s4, s5;
	s4 =	ssub.s32 $0x2, s4;
	[dreg:$0x15] =	wrdreg s23  }
0x12: {  	s6 =	sshll.u32 s5, $0x5;
	s7 =	smul.u32 $0x14000, s5;
	[dreg:$0x16] =	wrdreg s24  }
0x13: {  	s5 =	smul.u32 $0x2800, s5;
	s18 =	sshrl.u32 s4, $0x1;
	[dreg:$0x17] =	wrdreg s25  }
0x14: {  	s8 =	simm.s32 $0x3;
	s9 =	simm.s32 $0x100;
	[dreg:$0x18] =	wrdreg s26  }
0x15: {  	s10 =	simm.s32 $0xA100;
	s12 =	simm.s32 $0xB100;
	s13 =	simm.s32 $0xB900  }
0x16: {  	s14 =	simm.s32 $0xC100;
	s15 =	simm.s32 $0xC900;
	s16 =	simm.s32 $0xD100  }
0x17: {  	s17 =	simm.s32 $0xD900;
	s19 =	simm.s32 $0xE900;
	s21 =	simm.s32 $0xF900  }
0x18: {  	s22 =	simm.s32 $0x10100;
	s23 =	simm.s32 $0x10900;
	s24 =	simm.s32 $0x11100  }
0x19: {  	s25 =	simm.s32 $0x11900;
	s26 =	simm.s32 $0x12100;
	s6 =	sadd.s32 s6, s1  }
0x1a: {  	s1 =	sadd.s32 $0x1E4600, s1;
	s20 =	ssub.s32 s4, s18;
	s4 =	sadd.s32 $0x100, s2  }
0x1b: {  	s18 =	simm.s32 $0xE100;
	s6 =	sadd.s32 $0x2200, s6;
	s7 =	sshrl.u32 s7, $0x3  }
0x1c: {  	s5 =	sadd.s32 s1, s5;
	[dreg:$0x3] =	wrdreg s6;
	s1 =	sadd.s32 s1, s7  }
0x1d: {  	[dreg:$0x4] =	wrdreg s5;
	s6 =	simm.s32 $0x900;
	s7 =	simm.s32 $0x1100  }
0x1e: {  	v2 =	vlaneseq.u32;
	s5 =	sadd.s32 $0x200, s2;
	s1 =	sadd.s32 $0x1400, s1;
	[dreg:$0x6] =	wrdreg s6  }
0x1f: {  	vm0 =	vmmov $0xffff;
	v1 =	vshrl.u32 v2, $0x3;
	[dreg:$0x7] =	wrdreg s7;
	s6 =	sadd.s32 $0x300, s2;
	s7 =	smax.u32 s20, $0x1  }
0x20: {  	v0 =	vand.u32 $0x7, v2;
	v2 =	vor.u32 $0x8, v2;
	v1 =	vmul.u32 $0x8, v1;
	s20 =	simm.s32 $0xF100;
	[dreg:$0x5] =	wrdreg s1;
	s1 =	simm.s32 $0x2  }
.LBB2_1:
0x21: {  	s0 =	rddreg [dreg:$0x3]  }
0x22: {  	[tilespmem:s3], [sflag:$0x3] =	stream.linear.gather [hbm4b:s0+s3], $0x100, $0x38;
	[tilespmem:$0x14100] =	vst v63  }
0x23: {  	_ =	swait.ge [sflag:s8], $0x100  }
0x24: {  	[sflag:s8] =	ssyncset.done $0x0  }
0x25: {  	[sflag:s8] =	ssyncadd.s32 $0xFFFFFF00  }
0x26: {  	v3 =	vld [tilespmem:$0x0];
	_ =	sdelay $0x4  }
0x27: {  	v4 =	vshll.u32 v3, $0x3  }
0x28: {  	v3 =	vand.u32 $0x7, v3;
	v4 =	vand.u32 $0xFFFFFFC0, v4  }
0x29: {  	v3 =	vor.u32 v3, v4  }
0x2a: {  	v4 =	vperm.xlane v3, v0;
	_ =	sdelay $0x1  }
0x2b: {  	v4 =	vadd.s32 v1, v4;
	_ =	sdelay $0x4  }
0x2c: {  	[tilespmem:s9], [sflag:$0x1] =	stream.indirect_vreg.gather [hbm4b:s2+s3], $0x80, v4, vm0, $0xb8;
	[tilespmem:$0x14100] =	vst v63  }
0x2d: {  	s0 =	rddreg [dreg:$0x6];
	v3 =	vperm.xlane v3, v2  }
0x2e: {  	[tilespmem:s0], [sflag:$0x1] =	stream.indirect_vreg.gather [hbm4b:s4+s3], $0x80, v4, vm0, $0xb8;
	[tilespmem:$0x14100] =	vst v63  }
0x2f: {  	s11 =	rddreg [dreg:$0x7];
	v3 =	vadd.s32 v1, v3  }
0x30: {  	[tilespmem:s11], [sflag:$0x1] =	stream.indirect_vreg.gather [hbm4b:s5+s3], $0x80, v4, vm0, $0xb8;
	[tilespmem:$0x14100] =	vst v63  }
0x31: {  	s0 =	rddreg [dreg:$0x8]  }
0x32: {  	[tilespmem:s0], [sflag:$0x1] =	stream.indirect_vreg.gather [hbm4b:s6+s3], $0x80, v4, vm0, $0xb8;
	[tilespmem:$0x14100] =	vst v63  }
0x33: {  	s11 =	rddreg [dreg:$0x9]  }
0x34: {  	[tilespmem:s11], [sflag:$0x1] =	stream.indirect_vreg.gather [hbm4b:s2+s3], $0x80, v3, vm0, $0xb8;
	[tilespmem:$0x14100] =	vst v63  }
0x35: {  	s0 =	rddreg [dreg:$0xa]  }
0x36: {  	[tilespmem:s0], [sflag:$0x1] =	stream.indirect_vreg.gather [hbm4b:s4+s3], $0x80, v3, vm0, $0xb8;
	[tilespmem:$0x14100] =	vst v63  }
0x37: {  	s11 =	rddreg [dreg:$0xb]  }
0x38: {  	[tilespmem:s11], [sflag:$0x1] =	stream.indirect_vreg.gather [hbm4b:s5+s3], $0x80, v3, vm0, $0xb8;
	[tilespmem:$0x14100] =	vst v63  }
0x39: {  	s0 =	rddreg [dreg:$0xc]  }
0x3a: {  	[tilespmem:s0], [sflag:$0x1] =	stream.indirect_vreg.gather [hbm4b:s6+s3], $0x80, v3, vm0, $0xb8;
	[tilespmem:$0x14100] =	vst v63  }
0x3b: {  	v3 =	vld [tilespmem:$0x10];
	_ =	sdelay $0x4  }
0x3c: {  	v59 =	vshll.u32 v3, $0x3  }
0x3d: {  	v3 =	vand.u32 $0x7, v3;
	v4 =	vand.u32 $0xFFFFFFC0, v59  }
0x3e: {  	v3 =	vor.u32 v3, v4  }
0x3f: {  	v4 =	vperm.xlane v3, v0;
	_ =	sdelay $0x1  }
0x40: {  	v4 =	vadd.s32 v1, v4;
	_ =	sdelay $0x3  }
0x41: {  	s0 =	rddreg [dreg:$0xd]  }
0x42: {  	[tilespmem:s0], [sflag:$0x1] =	stream.indirect_vreg.gather [hbm4b:s2+s3], $0x80, v4, vm0, $0xb8;
	[tilespmem:$0x14100] =	vst v63  }
0x43: {  	s11 =	rddreg [dreg:$0xe];
	v3 =	vperm.xlane v3, v2  }
0x44: {  	[tilespmem:s11], [sflag:$0x1] =	stream.indirect_vreg.gather [hbm4b:s4+s3], $0x80, v4, vm0, $0xb8;
	[tilespmem:$0x14100] =	vst v63  }
0x45: {  	v3 =	vadd.s32 v1, v3;
	s0 =	rddreg [dreg:$0xf]  }
0x46: {  	[tilespmem:s0], [sflag:$0x1] =	stream.indirect_vreg.gather [hbm4b:s5+s3], $0x80, v4, vm0, $0xb8;
	[tilespmem:$0x14100] =	vst v63  }
0x47: {  	s11 =	rddreg [dreg:$0x10]  }
0x48: {  	[tilespmem:s11], [sflag:$0x1] =	stream.indirect_vreg.gather [hbm4b:s6+s3], $0x80, v4, vm0, $0xb8;
	[tilespmem:$0x14100] =	vst v63  }
0x49: {  	s0 =	rddreg [dreg:$0x11]  }
0x4a: {  	[tilespmem:s0], [sflag:$0x1] =	stream.indirect_vreg.gather [hbm4b:s2+s3], $0x80, v3, vm0, $0xb8;
	[tilespmem:$0x14100] =	vst v63  }
0x4b: {  	s11 =	rddreg [dreg:$0x12]  }
0x4c: {  	[tilespmem:s11], [sflag:$0x1] =	stream.indirect_vreg.gather [hbm4b:s4+s3], $0x80, v3, vm0, $0xb8;
	[tilespmem:$0x14100] =	vst v63  }
0x4d: {  	s0 =	rddreg [dreg:$0x13]  }
0x4e: {  	[tilespmem:s0], [sflag:$0x1] =	stream.indirect_vreg.gather [hbm4b:s5+s3], $0x80, v3, vm0, $0xb8;
	[tilespmem:$0x14100] =	vst v63  }
0x4f: {  	s11 =	rddreg [dreg:$0x14]  }
0x50: {  	[tilespmem:s11], [sflag:$0x1] =	stream.indirect_vreg.gather [hbm4b:s6+s3], $0x80, v3, vm0, $0xb8;
	[tilespmem:$0x14100] =	vst v63  }
0x51: {  	v3 =	vld.msk [tilespmem:$0x20], $0xff;
	_ =	sdelay $0x4  }
0x52: {  	v60 =	vshll.u32 v3, $0x3  }
0x53: {  	v3 =	vand.u32 $0x7, v3;
	v4 =	vand.u32 $0xFFFFFFC0, v60  }
0x54: {  	v3 =	vor.u32 v3, v4  }
0x55: {  	v3 =	vperm.xlane v3, v0;
	_ =	sdelay $0x1  }
0x56: {  	v3 =	vadd.s32 v1, v3;
	_ =	sdelay $0x3  }
0x57: {  	s0 =	rddreg [dreg:$0x15]  }
0x58: {  	[tilespmem:s0], [sflag:$0x1] =	stream.indirect_vreg.gather [hbm4b:s2+s3], $0x80, v3, vm0, $0xb8;
	[tilespmem:$0x14100] =	vst v63  }
0x59: {  	s11 =	rddreg [dreg:$0x16]  }
0x5a: {  	[tilespmem:s11], [sflag:$0x1] =	stream.indirect_vreg.gather [hbm4b:s4+s3], $0x80, v3, vm0, $0xb8;
	[tilespmem:$0x14100] =	vst v63  }
0x5b: {  	s0 =	rddreg [dreg:$0x17]  }
0x5c: {  	[tilespmem:s0], [sflag:$0x1] =	stream.indirect_vreg.gather [hbm4b:s5+s3], $0x80, v3, vm0, $0xb8;
	[tilespmem:$0x14100] =	vst v63  }
0x5d: {  	s11 =	rddreg [dreg:$0x18]  }
0x5e: {  	[tilespmem:s11], [sflag:$0x1] =	stream.indirect_vreg.gather [hbm4b:s6+s3], $0x80, v3, vm0, $0xb8;
	[tilespmem:$0x14100] =	vst v63  }
0x5f: {  	v3 =	vld [tilespmem:$0x80];
	_ =	sdelay $0x4  }
0x60: {  	v61 =	vshll.u32 v3, $0x3  }
0x61: {  	v3 =	vand.u32 $0x7, v3;
	v4 =	vand.u32 $0xFFFFFFC0, v61  }
0x62: {  	v3 =	vor.u32 v3, v4  }
0x63: {  	v4 =	vperm.xlane v3, v0;
	_ =	sdelay $0x1  }
0x64: {  	v4 =	vadd.s32 v1, v4;
	_ =	sdelay $0x4  }
0x65: {  	[tilespmem:s10], [sflag:$0x2] =	stream.indirect_vreg.gather [hbm4b:s2+s3], $0x80, v4, vm0, $0xb8;
	[tilespmem:$0x14100] =	vst v63  }
0x66: {  	s11 =	simm.s32 $0xA900;
	v3 =	vperm.xlane v3, v2  }
0x67: {  	[tilespmem:s11], [sflag:$0x2] =	stream.indirect_vreg.gather [hbm4b:s4+s3], $0x80, v4, vm0, $0xb8;
	[tilespmem:$0x14100] =	vst v63  }
0x68: {  	v3 =	vadd.s32 v1, v3  }
0x69: {  	[tilespmem:s12], [sflag:$0x2] =	stream.indirect_vreg.gather [hbm4b:s5+s3], $0x80, v4, vm0, $0xb8;
	[tilespmem:$0x14100] =	vst v63  }
0x6a: {  	_ = 	snop  }
0x6b: {  	[tilespmem:s13], [sflag:$0x2] =	stream.indirect_vreg.gather [hbm4b:s6+s3], $0x80, v4, vm0, $0xb8;
	[tilespmem:$0x14100] =	vst v63  }
0x6c: {  	_ = 	snop  }
0x6d: {  	[tilespmem:s14], [sflag:$0x2] =	stream.indirect_vreg.gather [hbm4b:s2+s3], $0x80, v3, vm0, $0xb8;
	[tilespmem:$0x14100] =	vst v63  }
0x6e: {  	_ = 	snop  }
0x6f: {  	[tilespmem:s15], [sflag:$0x2] =	stream.indirect_vreg.gather [hbm4b:s4+s3], $0x80, v3, vm0, $0xb8;
	[tilespmem:$0x14100] =	vst v63  }
0x70: {  	_ = 	snop  }
0x71: {  	[tilespmem:s16], [sflag:$0x2] =	stream.indirect_vreg.gather [hbm4b:s5+s3], $0x80, v3, vm0, $0xb8;
	[tilespmem:$0x14100] =	vst v63  }
0x72: {  	_ = 	snop  }
0x73: {  	[tilespmem:s17], [sflag:$0x2] =	stream.indirect_vreg.gather [hbm4b:s6+s3], $0x80, v3, vm0, $0xb8;
	[tilespmem:$0x14100] =	vst v63  }
0x74: {  	v3 =	vld [tilespmem:$0x90];
	_ =	sdelay $0x4  }
0x75: {  	v62 =	vshll.u32 v3, $0x3  }
0x76: {  	v3 =	vand.u32 $0x7, v3;
	v4 =	vand.u32 $0xFFFFFFC0, v62  }
0x77: {  	v3 =	vor.u32 v3, v4  }
0x78: {  	v4 =	vperm.xlane v3, v0;
	_ =	sdelay $0x1  }
0x79: {  	v4 =	vadd.s32 v1, v4;
	_ =	sdelay $0x4  }
0x7a: {  	[tilespmem:s18], [sflag:$0x2] =	stream.indirect_vreg.gather [hbm4b:s2+s3], $0x80, v4, vm0, $0xb8;
	[tilespmem:$0x14100] =	vst v63  }
0x7b: {  	v3 =	vperm.xlane v3, v2  }
0x7c: {  	[tilespmem:s19], [sflag:$0x2] =	stream.indirect_vreg.gather [hbm4b:s4+s3], $0x80, v4, vm0, $0xb8;
	[tilespmem:$0x14100] =	vst v63  }
0x7d: {  	v3 =	vadd.s32 v1, v3  }
0x7e: {  	[tilespmem:s20], [sflag:$0x2] =	stream.indirect_vreg.gather [hbm4b:s5+s3], $0x80, v4, vm0, $0xb8;
	[tilespmem:$0x14100] =	vst v63  }
0x7f: {  	_ = 	snop  }
0x80: {  	[tilespmem:s21], [sflag:$0x2] =	stream.indirect_vreg.gather [hbm4b:s6+s3], $0x80, v4, vm0, $0xb8;
	[tilespmem:$0x14100] =	vst v63  }
0x81: {  	_ = 	snop  }
0x82: {  	[tilespmem:s22], [sflag:$0x2] =	stream.indirect_vreg.gather [hbm4b:s2+s3], $0x80, v3, vm0, $0xb8;
	[tilespmem:$0x14100] =	vst v63  }
0x83: {  	_ = 	snop  }
0x84: {  	[tilespmem:s23], [sflag:$0x2] =	stream.indirect_vreg.gather [hbm4b:s4+s3], $0x80, v3, vm0, $0xb8;
	[tilespmem:$0x14100] =	vst v63  }
0x85: {  	_ = 	snop  }
0x86: {  	[tilespmem:s24], [sflag:$0x2] =	stream.indirect_vreg.gather [hbm4b:s5+s3], $0x80, v3, vm0, $0xb8;
	[tilespmem:$0x14100] =	vst v63  }
0x87: {  	_ = 	snop  }
0x88: {  	[tilespmem:s25], [sflag:$0x2] =	stream.indirect_vreg.gather [hbm4b:s6+s3], $0x80, v3, vm0, $0xb8;
	[tilespmem:$0x14100] =	vst v63  }
0x89: {  	v3 =	vld.msk [tilespmem:$0xA0], $0xff;
	_ =	sdelay $0x4  }
0x8a: {  	v63 =	vshll.u32 v3, $0x3  }
0x8b: {  	v3 =	vand.u32 $0x7, v3;
	v4 =	vand.u32 $0xFFFFFFC0, v63  }
0x8c: {  	v3 =	vor.u32 v3, v4  }
0x8d: {  	v3 =	vperm.xlane v3, v0;
	_ =	sdelay $0x1  }
0x8e: {  	v3 =	vadd.s32 v1, v3;
	_ =	sdelay $0x4  }
0x8f: {  	[tilespmem:s26], [sflag:$0x2] =	stream.indirect_vreg.gather [hbm4b:s2+s3], $0x80, v3, vm0, $0xb8;
	[tilespmem:$0x14100] =	vst v63  }
0x90: {  	_ = 	snop  }
0x91: {  	[tilespmem:s28], [sflag:$0x2] =	stream.indirect_vreg.gather [hbm4b:s4+s3], $0x80, v3, vm0, $0xb8;
	[tilespmem:$0x14100] =	vst v63  }
0x92: {  	_ = 	snop  }
0x93: {  	[tilespmem:s29], [sflag:$0x2] =	stream.indirect_vreg.gather [hbm4b:s5+s3], $0x80, v3, vm0, $0xb8;
	[tilespmem:$0x14100] =	vst v63  }
0x94: {  	_ = 	snop  }
0x95: {  	[tilespmem:s30], [sflag:$0x2] =	stream.indirect_vreg.gather [hbm4b:s6+s3], $0x80, v3, vm0, $0xb8;
	[tilespmem:$0x14100] =	vst v63  }
0x96: {  	_ =	swait.ge [sflag:s31], $0xA000  }
0x97: {  	[sflag:s31] =	ssyncset.done $0x0  }
0x98: {  	s11 =	rddreg [dreg:$0x4];
	[sflag:s31] =	ssyncadd.s32 $0xFFFF6000  }
0x99: {  	[hbm4b:s11+s3] =	stream.linear.scatter [tilespmem:s9], [sflag:$0x3], $0xA000, $0x38;
	[tilespmem:$0x14100] =	vst v63  }
0x9a: {  	_ =	swait.ge [sflag:s8], $0xA000  }
0x9b: {  	[sflag:s8] =	ssyncset.done $0x0  }
0x9c: {  	[sflag:s8] =	ssyncadd.s32 $0xFFFF6000  }
0x9d: {  	_ =	swait.ge [sflag:s1], $0xA000  }
0x9e: {  	p0 =	sne.s32 s7, $0x1;
	[sflag:s1] =	ssyncset.done $0x0  }
.Ltmp0:
0x9f: {  	s11 =	rddreg [dreg:$0x5];
	[sflag:s1] =	ssyncadd.s32 $0xFFFF6000;
	(pc) =	sbr.rel @p0 .LBB2_1-.Ltmp0, $4  }
0xa0: {  	[hbm4b:s11+s3] =	stream.linear.scatter [tilespmem:s10], [sflag:$0x3], $0xA000, $0x38;
	[tilespmem:$0x14100] =	vst v63  }
0xa1: {  	_ =	swait.ge [sflag:s8], $0xA000  }
0xa2: {  	[sflag:s8] =	ssyncset.done $0x0  }
0xa3: {  	s7 =	sadd.s32 $0xFFFFFFFF, s7;
	[sflag:s8] =	ssyncadd.s32 $0xFFFF6000  }
0xa4: {  	_ =	sfence.sel $0x180000  }
0xa5: {  	[bflag:$0x0] =	sbarrier.arrive $0xFFFF  }
0xa6: {  	_ =	strace $0x90000050  }
0xa7: {  	s0 =	stileid.u32;
	[bflag:$0x2] =	sbarrier.arrive $0xFFFF  }
0xa8: {  	p0 =	sne.s32 s0, $0x0;
	s0 =	rddreg [dreg:$0x2]  }
0xa9: {  	s0 =	sadd.s32 @!p0 $0x100000, s0  }
0xaa: {  	[sflag:s0] =	ssyncadd.tile.s32 @!p0 $0x1;
	_ =	shalt  }
.Lfunc_end2:
_tile_overlayer_lowered:
.L_overlay_start_2:
0xab: {  	(tag) =	ssettag $0x2  }
0xac: {  	s0 =	rddreg [dreg:$0x0];
	s2 =	stileid.u32  }
0xad: {  	s1 =	rddreg [dreg:$0x1];
	p0 =	sne.s32 s2, $0x0  }
0xae: {  	s3 =	rddreg [dreg:$0x2];
	[bflag:$0x3] =	sbarrier.arrive $0xFFFF;
	s2 =	simm.s32 @!p0 $0x1C03  }
0xaf: {  	[timem:s3], [sflag:s2] =	dma.local @!p0 [hbm:s0], s1  }
0xb0: {  	s0 =	simm.s32 @!p0 $0x3  }
0xb1: {  	_ =	swait.ge @!p0 [sflag:s0], s1  }
0xb2: {  	s1 =	ssub.s32 @!p0 $0x0, s1;
	[sflag:s0] =	ssyncset.done @!p0 $0x0  }
0xb3: {  	[sflag:s0] =	ssyncadd.s32 @!p0 s1  }
0xb4: {  	[bflag:$0x3] =	sbarrier.arrive $0xFFFF  }
0xb5: {  	_ =	shalt  }

</sc_bundles>
